<compile_context>
chip_gen: v7x
topology: tpu7x:2x2x1
jax: 0.10.2.dev20260603
libtpu: 0.0.44.dev20260713+nightly
codegen_flags: <defaults>
</compile_context>

<pallas_src>
import functools

import jax
import jax.numpy as jnp
from jax import lax
from jax.experimental import pallas as pl
from jax.experimental.pallas import tpu as pltpu
from jax.experimental.pallas import tpu_sc as plsc

SEQ = 200
EMBED_DIM = 64
BATCH = 4096
LANES = 16
NUM_CORES = 2
NUM_SUBCORES = 16
NUM_WORKERS = NUM_CORES * NUM_SUBCORES
B_TOTAL = BATCH * SEQ
ROWS_PER_W = B_TOTAL // NUM_WORKERS
CHUNK = 256
HALF = 128
NCH = ROWS_PER_W // CHUNK
NPAIR = NCH // 2
D_VECS = EMBED_DIM // LANES
SKEW = CHUNK + 1
SCALE = 8.0
ST = SEQ // 8
BT = BATCH // HALF


def _sc_body(idx_hbm, table_hbm, pos_hbm, out_hbm,
             idxa, pos_v, rows0, rows1, outb0, outb1,
             semg0, semg1, semo0, semo1):
    wid = lax.axis_index("s") * NUM_CORES + lax.axis_index("c")
    base = wid * ROWS_PER_W
    pltpu.sync_copy(idx_hbm.at[pl.ds(base, ROWS_PER_W)], idxa)
    pltpu.sync_copy(pos_hbm, pos_v)
    iota = lax.iota(jnp.int32, LANES)
    jbase = wid * NCH

    def decomp(j):
        jj = jbase + j
        block = jj // 4
        pair = jj % 4
        s0 = (block // BT) * 8 + pair * 2
        bt = block % BT
        return s0, bt

    def gather_start(j, rows, sem):
        pltpu.async_copy(table_hbm.at[idxa.at[pl.ds(j * CHUNK, CHUNK)]],
                         rows, sem)

    def gather_wait(rows, sem):
        pltpu.make_async_copy(table_hbm.at[idxa.at[pl.ds(0, CHUNK)]],
                              rows, sem).wait()

    def out_start(j, outb, sem):
        s0, bt = decomp(j)
        for h in range(2):
            pltpu.async_copy(outb.at[:, :, pl.ds(h * HALF, HALF)],
                             out_hbm.at[s0 + h, :, bt], sem)

    def out_wait(outb, sem):
        for h in range(2):
            pltpu.make_async_copy(outb.at[:, :, pl.ds(h * HALF, HALF)],
                                  out_hbm.at[0, :, 0], sem).wait()

    c1vecs = [(iota // 8) + 2 * k for k in range(D_VECS)]
    c2vec = iota % 8

    def compute(j, rows, outb):
        s0, _ = decomp(j)
        for h in range(2):
            s = s0 + h
            pvecs = [pos_v[s, pl.ds(k * LANES, LANES)] for k in range(D_VECS)]

            @plsc.parallel_loop(h * HALF, h * HALF + HALF, unroll=8)
            def _r(r):
                rvec = jnp.full((LANES,), r, jnp.int32)
                for k in range(D_VECS):
                    v = rows[r, pl.ds(k * LANES, LANES)]
                    y = v * SCALE + pvecs[k]
                    plsc.store_scatter(outb, [c1vecs[k], c2vec, rvec], y)

    gather_start(0, rows0, semg0)

    @pl.loop(0, NPAIR)
    def _pair(p):
        j0 = 2 * p
        gather_start(j0 + 1, rows1, semg1)
        gather_wait(rows0, semg0)

        @pl.when(p > 0)
        def _():
            out_wait(outb0, semo0)

        compute(j0, rows0, outb0)
        out_start(j0, outb0, semo0)

        @pl.when(p + 1 < NPAIR)
        def _():
            gather_start(j0 + 2, rows0, semg0)

        gather_wait(rows1, semg1)

        @pl.when(p > 0)
        def _():
            out_wait(outb1, semo1)

        compute(j0 + 1, rows1, outb1)
        out_start(j0 + 1, outb1, semo1)

    out_wait(outb0, semo0)
    out_wait(outb1, semo1)


@jax.jit
def _embed(idx_flat, token_table, pos_table):
    grid_kernel = pl.kernel(
        _sc_body,
        out_type=jax.ShapeDtypeStruct((SEQ, EMBED_DIM // 8, BT, 8, HALF),
                                      jnp.float32),
        mesh=plsc.VectorSubcoreMesh(core_axis_name="c", subcore_axis_name="s"),
        scratch_types=[
            pltpu.VMEM((ROWS_PER_W,), jnp.int32),
            pltpu.VMEM((SEQ, EMBED_DIM), jnp.float32),
            pltpu.VMEM((CHUNK, EMBED_DIM), jnp.float32),
            pltpu.VMEM((CHUNK, EMBED_DIM), jnp.float32),
            pltpu.VMEM((EMBED_DIM // 8, 8, SKEW), jnp.float32),
            pltpu.VMEM((EMBED_DIM // 8, 8, SKEW), jnp.float32),
            pltpu.SemaphoreType.DMA,
            pltpu.SemaphoreType.DMA,
            pltpu.SemaphoreType.DMA,
            pltpu.SemaphoreType.DMA,
        ],
        compiler_params=pltpu.CompilerParams(
            use_tc_tiling_on_sc=False, needs_layout_passes=False),
    )
    return grid_kernel(idx_flat, token_table, pos_table)


def kernel(inputs, token_table, pos_table):
    idx4 = inputs.astype(jnp.int32).reshape(BT, HALF, ST, 8)
    idx_flat = idx4.transpose(2, 0, 3, 1).reshape(-1)
    out5 = _embed(idx_flat, token_table, pos_table)
    return out5.transpose(2, 4, 0, 1, 3).reshape(BATCH, SEQ, EMBED_DIM)

# --- scband reference (transcript-rebuilt; emitter-appended) ---
"""Pipeline reference for scband-positional-embedding-69698729279694 (READ-ONLY COPY).

The authoritative reference and input builder live on the scoring server;
editing this copy changes nothing except your own understanding.
"""

import jax, jax.numpy as jnp
import numpy as np

SEQ_LEN = 200
VOCAB = 1000000
EMBED_DIM = 64
BATCH = 4096

def setup_inputs(seed: int = 0) -> dict:
    key = jax.random.key(seed)
    k1, k2, k3 = jax.random.split(key, 3)
    inputs = jax.random.randint(k1, (BATCH, SEQ_LEN), 0, VOCAB, dtype=jnp.int64 if jax.config.jax_enable_x64 else jnp.int32)
    token_table = jax.random.normal(k2, (VOCAB, EMBED_DIM), dtype=jnp.float32) * 0.02
    pos_table = jax.random.normal(k3, (SEQ_LEN, EMBED_DIM), dtype=jnp.float32) * 0.02
    return {"inputs": inputs, "token_table": token_table, "pos_table": pos_table}

def reference(inputs, token_table, pos_table):
    length = inputs.shape[-1]
    positions = jnp.arange(0, length)
    embedded_tokens = jnp.take(token_table, inputs, axis=0)
    embed_scale = jnp.sqrt(jnp.asarray(EMBED_DIM, dtype=jnp.float32))
    embedded_tokens = embedded_tokens * embed_scale
    embedded_positions = jnp.take(pos_table, positions, axis=0)
    return embedded_tokens + embedded_positions

if __name__ == "__main__":
    import jax
    _d = setup_inputs()
    print(jax.jit(kernel)(*tuple(_d.values())))

</pallas_src>

<mosaic_0001>
#map = affine_map<(d0, d1) -> (0)>
#map1 = affine_map<(d0, d1) -> (0, 0)>
#map2 = affine_map<(d0, d1) -> (0, 0, 0, 0, 0)>
module attributes {stable_mosaic.version = 14 : i64} {
  func.func @_sc_body(%arg0: i32, %arg1: i32, %arg2: memref<819200xi32, #tpu.memory_space<hbm>>, %arg3: memref<1000000x64xf32, #tpu.memory_space<hbm>>, %arg4: memref<200x64xf32, #tpu.memory_space<hbm>>, %arg5: memref<200x8x32x8x128xf32, #tpu.memory_space<hbm>>, %arg6: memref<25600xi32, #tpu.memory_space<vmem>>, %arg7: memref<200x64xf32, #tpu.memory_space<vmem>>, %arg8: memref<256x64xf32, #tpu.memory_space<vmem>>, %arg9: memref<256x64xf32, #tpu.memory_space<vmem>>, %arg10: memref<8x8x257xf32, #tpu.memory_space<vmem>>, %arg11: memref<8x8x257xf32, #tpu.memory_space<vmem>>, %arg12: memref<!tpu.dma_semaphore, #tpu.memory_space<semaphore_mem>>, %arg13: memref<!tpu.dma_semaphore, #tpu.memory_space<semaphore_mem>>, %arg14: memref<!tpu.dma_semaphore, #tpu.memory_space<semaphore_mem>>, %arg15: memref<!tpu.dma_semaphore, #tpu.memory_space<semaphore_mem>>) attributes {dimension_semantics = [#tpu.dimension_semantics<core_parallel>, #tpu.dimension_semantics<subcore_parallel>], iteration_bounds = array<i64: 2, 16>, scalar_prefetch = 0 : i64, scratch_operands = 10 : i64, tpu.core_type = #tpu.core_type<sc_vector_subcore>, window_params = [{transform_indices = #map}, {transform_indices = #map1}, {transform_indices = #map1}, {transform_indices = #map2}]} {
    %mul3A = arith.constant 2 : i32
    %mul3A_0 = arith.muli %arg1, %mul3A : i32
    %add3A = arith.addi %mul3A_0, %arg0 : i32
    %mul3A_1 = arith.constant 25600 : i32
    %mul3A_2 = arith.muli %add3A, %mul3A_1 : i32
    "tpu.region"() ({
      %run_scoped3A = tpu.sem_alloc : memref<!tpu.dma_semaphore, #tpu.memory_space<semaphore_mem>>
      %dma_start3A_240 = tpu.memref_slice %arg2[%mul3A_2] : memref<819200xi32, #tpu.memory_space<hbm>> -> memref<25600xi32, #tpu.memory_space<hbm>>
      %dma_start3A_241 = tpu.memref_slice %arg2[%mul3A_2] : memref<819200xi32, #tpu.memory_space<hbm>> -> memref<25600xi32, #tpu.memory_space<hbm>>
      tpu.enqueue_dma source(%dma_start3A_241 : memref<25600xi32, #tpu.memory_space<hbm>>) target(%arg6 : memref<25600xi32, #tpu.memory_space<vmem>>) target_semaphore(%run_scoped3A : memref<!tpu.dma_semaphore, #tpu.memory_space<semaphore_mem>>)
      %dma_wait3A_242 = tpu.memref_slice %arg2[%mul3A_2] : memref<819200xi32, #tpu.memory_space<hbm>> -> memref<25600xi32, #tpu.memory_space<hbm>>
      %dma_wait3A_243 = tpu.memref_slice %arg2[%mul3A_2] : memref<819200xi32, #tpu.memory_space<hbm>> -> memref<25600xi32, #tpu.memory_space<hbm>>
      tpu.wait_dma2 semaphore(%run_scoped3A : memref<!tpu.dma_semaphore, #tpu.memory_space<semaphore_mem>>) src(%dma_wait3A_243 : memref<25600xi32, #tpu.memory_space<hbm>>) dst(%arg6 : memref<25600xi32, #tpu.memory_space<vmem>>)
      tpu.yield
    }) : () -> ()
    "tpu.region"() ({
      %run_scoped3A = tpu.sem_alloc : memref<!tpu.dma_semaphore, #tpu.memory_space<semaphore_mem>>
      tpu.enqueue_dma source(%arg4 : memref<200x64xf32, #tpu.memory_space<hbm>>) target(%arg7 : memref<200x64xf32, #tpu.memory_space<vmem>>) target_semaphore(%run_scoped3A : memref<!tpu.dma_semaphore, #tpu.memory_space<semaphore_mem>>)
      tpu.wait_dma2 semaphore(%run_scoped3A : memref<!tpu.dma_semaphore, #tpu.memory_space<semaphore_mem>>) src(%arg4 : memref<200x64xf32, #tpu.memory_space<hbm>>) dst(%arg7 : memref<200x64xf32, #tpu.memory_space<vmem>>)
      tpu.yield
    }) : () -> ()
    %iota3A = tpu.iota {dimensions = array<i32: 0>} : vector<16xi32>
    %mul3A_3 = arith.constant 100 : i32
    %mul3A_4 = arith.muli %add3A, %mul3A_3 : i32
    %jit3A = arith.constant 8 : i32
    %div3A = vector.broadcast %jit3A : i32 to vector<16xi32>
    %div3A_5 = arith.divsi %iota3A, %div3A : vector<16xi32>
    %sign3A = arith.constant 0 : i32
    %sign3A_6 = vector.broadcast %sign3A : i32 to vector<16xi32>
    %sign3A_7 = arith.cmpi sgt, %iota3A, %sign3A_6 : vector<16xi32>
    %sign3A_8 = arith.extui %sign3A_7 : vector<16xi1> to vector<16xi32>
    %sign3A_9 = arith.constant 0 : i32
    %sign3A_10 = vector.broadcast %sign3A_9 : i32 to vector<16xi32>
    %sign3A_11 = arith.cmpi slt, %iota3A, %sign3A_10 : vector<16xi32>
    %sign3A_12 = arith.extui %sign3A_11 : vector<16xi1> to vector<16xi32>
    %sign3A_13 = arith.subi %sign3A_8, %sign3A_12 : vector<16xi32>
    %sign3A_14 = arith.constant 0 : i32
    %sign3A_15 = arith.cmpi sgt, %jit3A, %sign3A_14 : i32
    %sign3A_16 = arith.extui %sign3A_15 : i1 to i32
    %sign3A_17 = arith.constant 0 : i32
    %sign3A_18 = arith.cmpi slt, %jit3A, %sign3A_17 : i32
    %sign3A_19 = arith.extui %sign3A_18 : i1 to i32
    %sign3A_20 = arith.subi %sign3A_16, %sign3A_19 : i32
    %ne3A = vector.broadcast %sign3A_20 : i32 to vector<16xi32>
    %ne3A_21 = arith.cmpi ne, %sign3A_13, %ne3A : vector<16xi32>
    %rem3A = vector.broadcast %jit3A : i32 to vector<16xi32>
    %rem3A_22 = arith.remsi %iota3A, %rem3A : vector<16xi32>
    %ne3A_23 = arith.constant 0 : i32
    %ne3A_24 = vector.broadcast %ne3A_23 : i32 to vector<16xi32>
    %ne3A_25 = arith.cmpi ne, %rem3A_22, %ne3A_24 : vector<16xi32>
    %and3A = arith.andi %ne3A_21, %ne3A_25 : vector<16xi1>
    %sub3A = arith.constant 1 : i32
    %sub3A_26 = vector.broadcast %sub3A : i32 to vector<16xi32>
    %sub3A_27 = arith.subi %div3A_5, %sub3A_26 : vector<16xi32>
    %select_n3A = arith.select %and3A, %sub3A_27, %div3A_5 : vector<16xi1>, vector<16xi32>
    %add3A_28 = arith.constant 0 : i32
    %add3A_29 = vector.broadcast %add3A_28 : i32 to vector<16xi32>
    %add3A_30 = arith.addi %select_n3A, %add3A_29 : vector<16xi32>
    %jit3A_31 = arith.constant 8 : i32
    %div3A_32 = vector.broadcast %jit3A_31 : i32 to vector<16xi32>
    %div3A_33 = arith.divsi %iota3A, %div3A_32 : vector<16xi32>
    %sign3A_34 = arith.constant 0 : i32
    %sign3A_35 = vector.broadcast %sign3A_34 : i32 to vector<16xi32>
    %sign3A_36 = arith.cmpi sgt, %iota3A, %sign3A_35 : vector<16xi32>
    %sign3A_37 = arith.extui %sign3A_36 : vector<16xi1> to vector<16xi32>
    %sign3A_38 = arith.constant 0 : i32
    %sign3A_39 = vector.broadcast %sign3A_38 : i32 to vector<16xi32>
    %sign3A_40 = arith.cmpi slt, %iota3A, %sign3A_39 : vector<16xi32>
    %sign3A_41 = arith.extui %sign3A_40 : vector<16xi1> to vector<16xi32>
    %sign3A_42 = arith.subi %sign3A_37, %sign3A_41 : vector<16xi32>
    %sign3A_43 = arith.constant 0 : i32
    %sign3A_44 = arith.cmpi sgt, %jit3A_31, %sign3A_43 : i32
    %sign3A_45 = arith.extui %sign3A_44 : i1 to i32
    %sign3A_46 = arith.constant 0 : i32
    %sign3A_47 = arith.cmpi slt, %jit3A_31, %sign3A_46 : i32
    %sign3A_48 = arith.extui %sign3A_47 : i1 to i32
    %sign3A_49 = arith.subi %sign3A_45, %sign3A_48 : i32
    %ne3A_50 = vector.broadcast %sign3A_49 : i32 to vector<16xi32>
    %ne3A_51 = arith.cmpi ne, %sign3A_42, %ne3A_50 : vector<16xi32>
    %rem3A_52 = vector.broadcast %jit3A_31 : i32 to vector<16xi32>
    %rem3A_53 = arith.remsi %iota3A, %rem3A_52 : vector<16xi32>
    %ne3A_54 = arith.constant 0 : i32
    %ne3A_55 = vector.broadcast %ne3A_54 : i32 to vector<16xi32>
    %ne3A_56 = arith.cmpi ne, %rem3A_53, %ne3A_55 : vector<16xi32>
    %and3A_57 = arith.andi %ne3A_51, %ne3A_56 : vector<16xi1>
    %sub3A_58 = arith.constant 1 : i32
    %sub3A_59 = vector.broadcast %sub3A_58 : i32 to vector<16xi32>
    %sub3A_60 = arith.subi %div3A_33, %sub3A_59 : vector<16xi32>
    %select_n3A_61 = arith.select %and3A_57, %sub3A_60, %div3A_33 : vector<16xi1>, vector<16xi32>
    %add3A_62 = arith.constant 2 : i32
    %add3A_63 = vector.broadcast %add3A_62 : i32 to vector<16xi32>
    %add3A_64 = arith.addi %select_n3A_61, %add3A_63 : vector<16xi32>
    %jit3A_65 = arith.constant 8 : i32
    %div3A_66 = vector.broadcast %jit3A_65 : i32 to vector<16xi32>
    %div3A_67 = arith.divsi %iota3A, %div3A_66 : vector<16xi32>
    %sign3A_68 = arith.constant 0 : i32
    %sign3A_69 = vector.broadcast %sign3A_68 : i32 to vector<16xi32>
    %sign3A_70 = arith.cmpi sgt, %iota3A, %sign3A_69 : vector<16xi32>
    %sign3A_71 = arith.extui %sign3A_70 : vector<16xi1> to vector<16xi32>
    %sign3A_72 = arith.constant 0 : i32
    %sign3A_73 = vector.broadcast %sign3A_72 : i32 to vector<16xi32>
    %sign3A_74 = arith.cmpi slt, %iota3A, %sign3A_73 : vector<16xi32>
    %sign3A_75 = arith.extui %sign3A_74 : vector<16xi1> to vector<16xi32>
    %sign3A_76 = arith.subi %sign3A_71, %sign3A_75 : vector<16xi32>
    %sign3A_77 = arith.constant 0 : i32
    %sign3A_78 = arith.cmpi sgt, %jit3A_65, %sign3A_77 : i32
    %sign3A_79 = arith.extui %sign3A_78 : i1 to i32
    %sign3A_80 = arith.constant 0 : i32
    %sign3A_81 = arith.cmpi slt, %jit3A_65, %sign3A_80 : i32
    %sign3A_82 = arith.extui %sign3A_81 : i1 to i32
    %sign3A_83 = arith.subi %sign3A_79, %sign3A_82 : i32
    %ne3A_84 = vector.broadcast %sign3A_83 : i32 to vector<16xi32>
    %ne3A_85 = arith.cmpi ne, %sign3A_76, %ne3A_84 : vector<16xi32>
    %rem3A_86 = vector.broadcast %jit3A_65 : i32 to vector<16xi32>
    %rem3A_87 = arith.remsi %iota3A, %rem3A_86 : vector<16xi32>
    %ne3A_88 = arith.constant 0 : i32
    %ne3A_89 = vector.broadcast %ne3A_88 : i32 to vector<16xi32>
    %ne3A_90 = arith.cmpi ne, %rem3A_87, %ne3A_89 : vector<16xi32>
    %and3A_91 = arith.andi %ne3A_85, %ne3A_90 : vector<16xi1>
    %sub3A_92 = arith.constant 1 : i32
    %sub3A_93 = vector.broadcast %sub3A_92 : i32 to vector<16xi32>
    %sub3A_94 = arith.subi %div3A_67, %sub3A_93 : vector<16xi32>
    %select_n3A_95 = arith.select %and3A_91, %sub3A_94, %div3A_67 : vector<16xi1>, vector<16xi32>
    %add3A_96 = arith.constant 4 : i32
    %add3A_97 = vector.broadcast %add3A_96 : i32 to vector<16xi32>
    %add3A_98 = arith.addi %select_n3A_95, %add3A_97 : vector<16xi32>
    %jit3A_99 = arith.constant 8 : i32
    %div3A_100 = vector.broadcast %jit3A_99 : i32 to vector<16xi32>
    %div3A_101 = arith.divsi %iota3A, %div3A_100 : vector<16xi32>
    %sign3A_102 = arith.constant 0 : i32
    %sign3A_103 = vector.broadcast %sign3A_102 : i32 to vector<16xi32>
    %sign3A_104 = arith.cmpi sgt, %iota3A, %sign3A_103 : vector<16xi32>
    %sign3A_105 = arith.extui %sign3A_104 : vector<16xi1> to vector<16xi32>
    %sign3A_106 = arith.constant 0 : i32
    %sign3A_107 = vector.broadcast %sign3A_106 : i32 to vector<16xi32>
    %sign3A_108 = arith.cmpi slt, %iota3A, %sign3A_107 : vector<16xi32>
    %sign3A_109 = arith.extui %sign3A_108 : vector<16xi1> to vector<16xi32>
    %sign3A_110 = arith.subi %sign3A_105, %sign3A_109 : vector<16xi32>
    %sign3A_111 = arith.constant 0 : i32
    %sign3A_112 = arith.cmpi sgt, %jit3A_99, %sign3A_111 : i32
    %sign3A_113 = arith.extui %sign3A_112 : i1 to i32
    %sign3A_114 = arith.constant 0 : i32
    %sign3A_115 = arith.cmpi slt, %jit3A_99, %sign3A_114 : i32
    %sign3A_116 = arith.extui %sign3A_115 : i1 to i32
    %sign3A_117 = arith.subi %sign3A_113, %sign3A_116 : i32
    %ne3A_118 = vector.broadcast %sign3A_117 : i32 to vector<16xi32>
    %ne3A_119 = arith.cmpi ne, %sign3A_110, %ne3A_118 : vector<16xi32>
    %rem3A_120 = vector.broadcast %jit3A_99 : i32 to vector<16xi32>
    %rem3A_121 = arith.remsi %iota3A, %rem3A_120 : vector<16xi32>
    %ne3A_122 = arith.constant 0 : i32
    %ne3A_123 = vector.broadcast %ne3A_122 : i32 to vector<16xi32>
    %ne3A_124 = arith.cmpi ne, %rem3A_121, %ne3A_123 : vector<16xi32>
    %and3A_125 = arith.andi %ne3A_119, %ne3A_124 : vector<16xi1>
    %sub3A_126 = arith.constant 1 : i32
    %sub3A_127 = vector.broadcast %sub3A_126 : i32 to vector<16xi32>
    %sub3A_128 = arith.subi %div3A_101, %sub3A_127 : vector<16xi32>
    %select_n3A_129 = arith.select %and3A_125, %sub3A_128, %div3A_101 : vector<16xi1>, vector<16xi32>
    %add3A_130 = arith.constant 6 : i32
    %add3A_131 = vector.broadcast %add3A_130 : i32 to vector<16xi32>
    %add3A_132 = arith.addi %select_n3A_129, %add3A_131 : vector<16xi32>
    %jit3A_133 = arith.constant 8 : i32
    %eq3A = arith.constant 0 : i32
    %eq3A_134 = arith.cmpi eq, %jit3A_133, %eq3A : i32
    %jit3A_135 = arith.constant 1 : i32
    %select_n3A_136 = arith.select %eq3A_134, %jit3A_135, %jit3A_133 : i32
    %rem3A_137 = vector.broadcast %select_n3A_136 : i32 to vector<16xi32>
    %rem3A_138 = arith.remsi %iota3A, %rem3A_137 : vector<16xi32>
    %ne3A_139 = arith.constant 0 : i32
    %ne3A_140 = vector.broadcast %ne3A_139 : i32 to vector<16xi32>
    %ne3A_141 = arith.cmpi ne, %rem3A_138, %ne3A_140 : vector<16xi32>
    %lt3A = arith.constant 0 : i32
    %lt3A_142 = vector.broadcast %lt3A : i32 to vector<16xi32>
    %lt3A_143 = arith.cmpi slt, %rem3A_138, %lt3A_142 : vector<16xi32>
    %lt3A_144 = arith.constant 0 : i32
    %lt3A_145 = arith.cmpi slt, %select_n3A_136, %lt3A_144 : i32
    %ne3A_146 = vector.broadcast %lt3A_145 : i1 to vector<16xi1>
    %ne3A_147 = vector.broadcast %ne3A_146 : vector<16xi1> to vector<16xi1>
    %ne3A_148 = arith.xori %lt3A_143, %ne3A_147 : vector<16xi1>
    %and3A_149 = arith.andi %ne3A_148, %ne3A_141 : vector<16xi1>
    %add3A_150 = vector.broadcast %select_n3A_136 : i32 to vector<16xi32>
    %add3A_151 = arith.addi %rem3A_138, %add3A_150 : vector<16xi32>
    %select_n3A_152 = arith.select %and3A_149, %add3A_151, %rem3A_138 : vector<16xi1>, vector<16xi32>
    %dma_start3A = arith.constant 0 : i32
    %dma_start3A_153 = tpu.memref_slice %arg6[%dma_start3A] : memref<25600xi32, #tpu.memory_space<vmem>> -> memref<256xi32, #tpu.memory_space<vmem>>
    %dma_start3A_154 = arith.constant 0 : i32
    %dma_start3A_155 = arith.constant 0 : i32
    %dma_start3A_156 = tpu.memref_slice %arg3[%dma_start3A_154, %dma_start3A_155] : memref<1000000x64xf32, #tpu.memory_space<hbm>> -> memref<1000000x64xf32, #tpu.memory_space<hbm>>
    tpu.enqueue_indirect_dma source(%dma_start3A_156 : memref<1000000x64xf32, #tpu.memory_space<hbm>>) target(%arg8 : memref<256x64xf32, #tpu.memory_space<vmem>>) offsets(%dma_start3A_153 : memref<256xi32, #tpu.memory_space<vmem>>) semaphore(%arg12 : memref<!tpu.dma_semaphore, #tpu.memory_space<semaphore_mem>>)
    %scan3A = arith.constant 0 : i32
    %scan3A_157 = arith.constant 50 : i32
    %scan3A_158 = arith.addi %scan3A, %scan3A_157 : i32
    %scan3A_159 = arith.constant 1 : i32
    scf.for %scan3A_240 = %scan3A to %scan3A_158 step %scan3A_159  : i32 {
      %mul3A_241 = arith.constant 1 : i32
      %mul3A_242 = arith.muli %scan3A_240, %mul3A_241 : i32
      %add3A_243 = arith.constant 0 : i32
      %add3A_244 = arith.addi %add3A_243, %mul3A_242 : i32
      %mul3A_245 = arith.constant 2 : i32
      %mul3A_246 = arith.muli %mul3A_245, %add3A_244 : i32
      %add3A_247 = arith.constant 1 : i32
      %add3A_248 = arith.addi %mul3A_246, %add3A_247 : i32
      %mul3A_249 = arith.constant 256 : i32
      %mul3A_250 = arith.muli %add3A_248, %mul3A_249 : i32
      %dma_start3A_251 = tpu.memref_slice %arg6[%mul3A_250] : memref<25600xi32, #tpu.memory_space<vmem>> -> memref<256xi32, #tpu.memory_space<vmem>>
      %dma_start3A_252 = arith.constant 0 : i32
      %dma_start3A_253 = arith.constant 0 : i32
      %dma_start3A_254 = tpu.memref_slice %arg3[%dma_start3A_252, %dma_start3A_253] : memref<1000000x64xf32, #tpu.memory_space<hbm>> -> memref<1000000x64xf32, #tpu.memory_space<hbm>>
      tpu.enqueue_indirect_dma source(%dma_start3A_254 : memref<1000000x64xf32, #tpu.memory_space<hbm>>) target(%arg9 : memref<256x64xf32, #tpu.memory_space<vmem>>) offsets(%dma_start3A_251 : memref<256xi32, #tpu.memory_space<vmem>>) semaphore(%arg13 : memref<!tpu.dma_semaphore, #tpu.memory_space<semaphore_mem>>)
      %dma_wait3A_255 = arith.constant 0 : i32
      %dma_wait3A_256 = tpu.memref_slice %arg6[%dma_wait3A_255] : memref<25600xi32, #tpu.memory_space<vmem>> -> memref<256xi32, #tpu.memory_space<vmem>>
      %dma_wait3A_257 = arith.constant 0 : i32
      %dma_wait3A_258 = arith.constant 0 : i32
      %dma_wait3A_259 = tpu.memref_slice %arg3[%dma_wait3A_257, %dma_wait3A_258] : memref<1000000x64xf32, #tpu.memory_space<hbm>> -> memref<1000000x64xf32, #tpu.memory_space<hbm>>
      tpu.wait_indirect_dma semaphore(%arg12 : memref<!tpu.dma_semaphore, #tpu.memory_space<semaphore_mem>>) src(%dma_wait3A_259 : memref<1000000x64xf32, #tpu.memory_space<hbm>>) dst(%arg8 : memref<256x64xf32, #tpu.memory_space<vmem>>)
      %gt3A = arith.constant 0 : i32
      %gt3A_260 = arith.cmpi sgt, %add3A_244, %gt3A : i32
      %convert_element_type3A = arith.extui %gt3A_260 : i1 to i32
      %cond3A = arith.constant 0 : i32
      %cond3A_261 = arith.cmpi ne, %convert_element_type3A, %cond3A : i32
      scf.if %cond3A_261 {
        %dma_wait3A_773 = arith.constant 0 : i32
        %dma_wait3A_774 = arith.constant 0 : i32
        %dma_wait3A_775 = arith.constant 0 : i32
        %dma_wait3A_776 = arith.constant 0 : i32
        %dma_wait3A_777 = arith.constant 0 : i32
        %dma_wait3A_778 = tpu.memref_slice %arg10[%dma_wait3A_775, %dma_wait3A_776, %dma_wait3A_777] : memref<8x8x257xf32, #tpu.memory_space<vmem>> -> memref<8x8x128xf32, #tpu.memory_space<vmem>>
        %dma_wait3A_779 = arith.constant 0 : i32
        %dma_wait3A_780 = arith.constant 0 : i32
        %dma_wait3A_781 = arith.constant 0 : i32
        %dma_wait3A_782 = tpu.memref_slice %arg5[%dma_wait3A_773, %dma_wait3A_779, %dma_wait3A_774, %dma_wait3A_780, %dma_wait3A_781] : memref<200x8x32x8x128xf32, #tpu.memory_space<hbm>> -> memref<1x8x1x8x128xf32, #tpu.memory_space<hbm>>
        %dma_wait3A_783 = tpu.memref_squeeze %dma_wait3A_782 : memref<1x8x1x8x128xf32, #tpu.memory_space<hbm>> -> memref<8x8x128xf32, #tpu.memory_space<hbm>>
        %dma_wait3A_784 = arith.constant 0 : i32
        %dma_wait3A_785 = arith.constant 0 : i32
        %dma_wait3A_786 = arith.constant 0 : i32
        %dma_wait3A_787 = tpu.memref_slice %arg5[%dma_wait3A_773, %dma_wait3A_784, %dma_wait3A_774, %dma_wait3A_785, %dma_wait3A_786] : memref<200x8x32x8x128xf32, #tpu.memory_space<hbm>> -> memref<1x8x1x8x128xf32, #tpu.memory_space<hbm>>
        %dma_wait3A_788 = tpu.memref_squeeze %dma_wait3A_787 : memref<1x8x1x8x128xf32, #tpu.memory_space<hbm>> -> memref<8x8x128xf32, #tpu.memory_space<hbm>>
        %dma_wait3A_789 = arith.constant 0 : i32
        %dma_wait3A_790 = arith.constant 0 : i32
        %dma_wait3A_791 = arith.constant 0 : i32
        %dma_wait3A_792 = tpu.memref_slice %arg10[%dma_wait3A_789, %dma_wait3A_790, %dma_wait3A_791] : memref<8x8x257xf32, #tpu.memory_space<vmem>> -> memref<8x8x128xf32, #tpu.memory_space<vmem>>
        tpu.wait_dma2 semaphore(%arg14 : memref<!tpu.dma_semaphore, #tpu.memory_space<semaphore_mem>>) src(%dma_wait3A_792 : memref<8x8x128xf32, #tpu.memory_space<vmem>>) dst(%dma_wait3A_788 : memref<8x8x128xf32, #tpu.memory_space<hbm>>)
        %dma_wait3A_793 = arith.constant 0 : i32
        %dma_wait3A_794 = arith.constant 0 : i32
        %dma_wait3A_795 = arith.constant 0 : i32
        %dma_wait3A_796 = arith.constant 0 : i32
        %dma_wait3A_797 = arith.constant 128 : i32
        %dma_wait3A_798 = tpu.memref_slice %arg10[%dma_wait3A_795, %dma_wait3A_796, %dma_wait3A_797] : memref<8x8x257xf32, #tpu.memory_space<vmem>> -> memref<8x8x128xf32, #tpu.memory_space<vmem>>
        %dma_wait3A_799 = arith.constant 0 : i32
        %dma_wait3A_800 = arith.constant 0 : i32
        %dma_wait3A_801 = arith.constant 0 : i32
        %dma_wait3A_802 = tpu.memref_slice %arg5[%dma_wait3A_793, %dma_wait3A_799, %dma_wait3A_794, %dma_wait3A_800, %dma_wait3A_801] : memref<200x8x32x8x128xf32, #tpu.memory_space<hbm>> -> memref<1x8x1x8x128xf32, #tpu.memory_space<hbm>>
        %dma_wait3A_803 = tpu.memref_squeeze %dma_wait3A_802 : memref<1x8x1x8x128xf32, #tpu.memory_space<hbm>> -> memref<8x8x128xf32, #tpu.memory_space<hbm>>
        %dma_wait3A_804 = arith.constant 0 : i32
        %dma_wait3A_805 = arith.constant 0 : i32
        %dma_wait3A_806 = arith.constant 0 : i32
        %dma_wait3A_807 = tpu.memref_slice %arg5[%dma_wait3A_793, %dma_wait3A_804, %dma_wait3A_794, %dma_wait3A_805, %dma_wait3A_806] : memref<200x8x32x8x128xf32, #tpu.memory_space<hbm>> -> memref<1x8x1x8x128xf32, #tpu.memory_space<hbm>>
        %dma_wait3A_808 = tpu.memref_squeeze %dma_wait3A_807 : memref<1x8x1x8x128xf32, #tpu.memory_space<hbm>> -> memref<8x8x128xf32, #tpu.memory_space<hbm>>
        %dma_wait3A_809 = arith.constant 0 : i32
        %dma_wait3A_810 = arith.constant 0 : i32
        %dma_wait3A_811 = arith.constant 128 : i32
        %dma_wait3A_812 = tpu.memref_slice %arg10[%dma_wait3A_809, %dma_wait3A_810, %dma_wait3A_811] : memref<8x8x257xf32, #tpu.memory_space<vmem>> -> memref<8x8x128xf32, #tpu.memory_space<vmem>>
        tpu.wait_dma2 semaphore(%arg14 : memref<!tpu.dma_semaphore, #tpu.memory_space<semaphore_mem>>) src(%dma_wait3A_812 : memref<8x8x128xf32, #tpu.memory_space<vmem>>) dst(%dma_wait3A_808 : memref<8x8x128xf32, #tpu.memory_space<hbm>>)
      } else {
      }
      %add3A_262 = arith.addi %mul3A_4, %mul3A_246 : i32
      %jit3A_263 = arith.constant 4 : i32
      %div3A_264 = arith.divsi %add3A_262, %jit3A_263 : i32
      %sign3A_265 = arith.constant 0 : i32
      %sign3A_266 = arith.cmpi sgt, %add3A_262, %sign3A_265 : i32
      %sign3A_267 = arith.extui %sign3A_266 : i1 to i32
      %sign3A_268 = arith.constant 0 : i32
      %sign3A_269 = arith.cmpi slt, %add3A_262, %sign3A_268 : i32
      %sign3A_270 = arith.extui %sign3A_269 : i1 to i32
      %sign3A_271 = arith.subi %sign3A_267, %sign3A_270 : i32
      %sign3A_272 = arith.constant 0 : i32
      %sign3A_273 = arith.cmpi sgt, %jit3A_263, %sign3A_272 : i32
      %sign3A_274 = arith.extui %sign3A_273 : i1 to i32
      %sign3A_275 = arith.constant 0 : i32
      %sign3A_276 = arith.cmpi slt, %jit3A_263, %sign3A_275 : i32
      %sign3A_277 = arith.extui %sign3A_276 : i1 to i32
      %sign3A_278 = arith.subi %sign3A_274, %sign3A_277 : i32
      %ne3A_279 = arith.cmpi ne, %sign3A_271, %sign3A_278 : i32
      %rem3A_280 = arith.remsi %add3A_262, %jit3A_263 : i32
      %ne3A_281 = arith.constant 0 : i32
      %ne3A_282 = arith.cmpi ne, %rem3A_280, %ne3A_281 : i32
      %and3A_283 = arith.andi %ne3A_279, %ne3A_282 : i1
      %sub3A_284 = arith.constant 1 : i32
      %sub3A_285 = arith.subi %div3A_264, %sub3A_284 : i32
      %select_n3A_286 = arith.select %and3A_283, %sub3A_285, %div3A_264 : i32
      %jit3A_287 = arith.constant 4 : i32
      %eq3A_288 = arith.constant 0 : i32
      %eq3A_289 = arith.cmpi eq, %jit3A_287, %eq3A_288 : i32
      %jit3A_290 = arith.constant 1 : i32
      %select_n3A_291 = arith.select %eq3A_289, %jit3A_290, %jit3A_287 : i32
      %rem3A_292 = arith.remsi %add3A_262, %select_n3A_291 : i32
      %ne3A_293 = arith.constant 0 : i32
      %ne3A_294 = arith.cmpi ne, %rem3A_292, %ne3A_293 : i32
      %lt3A_295 = arith.constant 0 : i32
      %lt3A_296 = arith.cmpi slt, %rem3A_292, %lt3A_295 : i32
      %lt3A_297 = arith.constant 0 : i32
      %lt3A_298 = arith.cmpi slt, %select_n3A_291, %lt3A_297 : i32
      %ne3A_299 = arith.xori %lt3A_296, %lt3A_298 : i1
      %and3A_300 = arith.andi %ne3A_299, %ne3A_294 : i1
      %add3A_301 = arith.addi %rem3A_292, %select_n3A_291 : i32
      %select_n3A_302 = arith.select %and3A_300, %add3A_301, %rem3A_292 : i32
      %jit3A_303 = arith.constant 32 : i32
      %div3A_304 = arith.divsi %select_n3A_286, %jit3A_303 : i32
      %sign3A_305 = arith.constant 0 : i32
      %sign3A_306 = arith.cmpi sgt, %select_n3A_286, %sign3A_305 : i32
      %sign3A_307 = arith.extui %sign3A_306 : i1 to i32
      %sign3A_308 = arith.constant 0 : i32
      %sign3A_309 = arith.cmpi slt, %select_n3A_286, %sign3A_308 : i32
      %sign3A_310 = arith.extui %sign3A_309 : i1 to i32
      %sign3A_311 = arith.subi %sign3A_307, %sign3A_310 : i32
      %sign3A_312 = arith.constant 0 : i32
      %sign3A_313 = arith.cmpi sgt, %jit3A_303, %sign3A_312 : i32
      %sign3A_314 = arith.extui %sign3A_313 : i1 to i32
      %sign3A_315 = arith.constant 0 : i32
      %sign3A_316 = arith.cmpi slt, %jit3A_303, %sign3A_315 : i32
      %sign3A_317 = arith.extui %sign3A_316 : i1 to i32
      %sign3A_318 = arith.subi %sign3A_314, %sign3A_317 : i32
      %ne3A_319 = arith.cmpi ne, %sign3A_311, %sign3A_318 : i32
      %rem3A_320 = arith.remsi %select_n3A_286, %jit3A_303 : i32
      %ne3A_321 = arith.constant 0 : i32
      %ne3A_322 = arith.cmpi ne, %rem3A_320, %ne3A_321 : i32
      %and3A_323 = arith.andi %ne3A_319, %ne3A_322 : i1
      %sub3A_324 = arith.constant 1 : i32
      %sub3A_325 = arith.subi %div3A_304, %sub3A_324 : i32
      %select_n3A_326 = arith.select %and3A_323, %sub3A_325, %div3A_304 : i32
      %mul3A_327 = arith.constant 8 : i32
      %mul3A_328 = arith.muli %select_n3A_326, %mul3A_327 : i32
      %mul3A_329 = arith.constant 2 : i32
      %mul3A_330 = arith.muli %select_n3A_302, %mul3A_329 : i32
      %add3A_331 = arith.addi %mul3A_328, %mul3A_330 : i32
      %jit3A_332 = arith.constant 32 : i32
      %eq3A_333 = arith.constant 0 : i32
      %eq3A_334 = arith.cmpi eq, %jit3A_332, %eq3A_333 : i32
      %jit3A_335 = arith.constant 1 : i32
      %select_n3A_336 = arith.select %eq3A_334, %jit3A_335, %jit3A_332 : i32
      %rem3A_337 = arith.remsi %select_n3A_286, %select_n3A_336 : i32
      %ne3A_338 = arith.constant 0 : i32
      %ne3A_339 = arith.cmpi ne, %rem3A_337, %ne3A_338 : i32
      %lt3A_340 = arith.constant 0 : i32
      %lt3A_341 = arith.cmpi slt, %rem3A_337, %lt3A_340 : i32
      %lt3A_342 = arith.constant 0 : i32
      %lt3A_343 = arith.cmpi slt, %select_n3A_336, %lt3A_342 : i32
      %ne3A_344 = arith.xori %lt3A_341, %lt3A_343 : i1
      %and3A_345 = arith.andi %ne3A_344, %ne3A_339 : i1
      %add3A_346 = arith.addi %rem3A_337, %select_n3A_336 : i32
      %select_n3A_347 = arith.select %and3A_345, %add3A_346, %rem3A_337 : i32
      %add3A_348 = arith.constant 0 : i32
      %add3A_349 = arith.addi %add3A_331, %add3A_348 : i32
      %get3A = arith.index_cast %add3A_349 : i32 to index
      %get3A_350 = arith.constant 0 : index
      %get3A_351 = tpu.vector_load %arg7[%get3A, %get3A_350] {strides = array<i32>} : memref<200x64xf32, #tpu.memory_space<vmem>>, vector<16xf32>,
      %get3A_352 = arith.index_cast %add3A_349 : i32 to index
      %get3A_353 = arith.constant 16 : index
      %get3A_354 = tpu.vector_load %arg7[%get3A_352, %get3A_353] {strides = array<i32>} : memref<200x64xf32, #tpu.memory_space<vmem>>, vector<16xf32>,
      %get3A_355 = arith.index_cast %add3A_349 : i32 to index
      %get3A_356 = arith.constant 32 : index
      %get3A_357 = tpu.vector_load %arg7[%get3A_355, %get3A_356] {strides = array<i32>} : memref<200x64xf32, #tpu.memory_space<vmem>>, vector<16xf32>,
      %get3A_358 = arith.index_cast %add3A_349 : i32 to index
      %get3A_359 = arith.constant 48 : index
      %get3A_360 = tpu.vector_load %arg7[%get3A_358, %get3A_359] {strides = array<i32>} : memref<200x64xf32, #tpu.memory_space<vmem>>, vector<16xf32>,
      %parallel_loop3A = arith.constant 0 : i32
      %parallel_loop3A_361 = arith.constant 128 : i32
      %parallel_loop3A_362 = arith.constant 1 : i32
      scf.for %parallel_loop3A_773 = %parallel_loop3A to %parallel_loop3A_361 step %parallel_loop3A_362  : i32 {
        %parallel_loop3A_774 = vector.broadcast %parallel_loop3A_773 : i32 to vector<16xi32>
        %parallel_loop3A_775 = arith.index_cast %parallel_loop3A_773 : i32 to index
        %parallel_loop3A_776 = arith.constant 0 : index
        %parallel_loop3A_777 = tpu.vector_load %arg8[%parallel_loop3A_775, %parallel_loop3A_776] {strides = array<i32>} : memref<256x64xf32, #tpu.memory_space<vmem>>, vector<16xf32>,
        %parallel_loop3A_778 = arith.constant 8.000000e+00 : f32
        %parallel_loop3A_779 = vector.broadcast %parallel_loop3A_778 : f32 to vector<16xf32>
        %parallel_loop3A_780 = arith.mulf %parallel_loop3A_777, %parallel_loop3A_779 : vector<16xf32>
        %parallel_loop3A_781 = arith.addf %parallel_loop3A_780, %get3A_351 : vector<16xf32>
        tpu.vector_store_idx %arg10[%add3A_30, %select_n3A_152, %parallel_loop3A_774], %parallel_loop3A_781 : memref<8x8x257xf32, #tpu.memory_space<vmem>>[vector<16xi32>, vector<16xi32>, vector<16xi32>], vector<16xf32>,
        %parallel_loop3A_782 = arith.index_cast %parallel_loop3A_773 : i32 to index
        %parallel_loop3A_783 = arith.constant 16 : index
        %parallel_loop3A_784 = tpu.vector_load %arg8[%parallel_loop3A_782, %parallel_loop3A_783] {strides = array<i32>} : memref<256x64xf32, #tpu.memory_space<vmem>>, vector<16xf32>,
        %parallel_loop3A_785 = arith.constant 8.000000e+00 : f32
        %parallel_loop3A_786 = vector.broadcast %parallel_loop3A_785 : f32 to vector<16xf32>
        %parallel_loop3A_787 = arith.mulf %parallel_loop3A_784, %parallel_loop3A_786 : vector<16xf32>
        %parallel_loop3A_788 = arith.addf %parallel_loop3A_787, %get3A_354 : vector<16xf32>
        tpu.vector_store_idx %arg10[%add3A_64, %select_n3A_152, %parallel_loop3A_774], %parallel_loop3A_788 : memref<8x8x257xf32, #tpu.memory_space<vmem>>[vector<16xi32>, vector<16xi32>, vector<16xi32>], vector<16xf32>,
        %parallel_loop3A_789 = arith.index_cast %parallel_loop3A_773 : i32 to index
        %parallel_loop3A_790 = arith.constant 32 : index
        %parallel_loop3A_791 = tpu.vector_load %arg8[%parallel_loop3A_789, %parallel_loop3A_790] {strides = array<i32>} : memref<256x64xf32, #tpu.memory_space<vmem>>, vector<16xf32>,
        %parallel_loop3A_792 = arith.constant 8.000000e+00 : f32
        %parallel_loop3A_793 = vector.broadcast %parallel_loop3A_792 : f32 to vector<16xf32>
        %parallel_loop3A_794 = arith.mulf %parallel_loop3A_791, %parallel_loop3A_793 : vector<16xf32>
        %parallel_loop3A_795 = arith.addf %parallel_loop3A_794, %get3A_357 : vector<16xf32>
        tpu.vector_store_idx %arg10[%add3A_98, %select_n3A_152, %parallel_loop3A_774], %parallel_loop3A_795 : memref<8x8x257xf32, #tpu.memory_space<vmem>>[vector<16xi32>, vector<16xi32>, vector<16xi32>], vector<16xf32>,
        %parallel_loop3A_796 = arith.index_cast %parallel_loop3A_773 : i32 to index
        %parallel_loop3A_797 = arith.constant 48 : index
        %parallel_loop3A_798 = tpu.vector_load %arg8[%parallel_loop3A_796, %parallel_loop3A_797] {strides = array<i32>} : memref<256x64xf32, #tpu.memory_space<vmem>>, vector<16xf32>,
        %parallel_loop3A_799 = arith.constant 8.000000e+00 : f32
        %parallel_loop3A_800 = vector.broadcast %parallel_loop3A_799 : f32 to vector<16xf32>
        %parallel_loop3A_801 = arith.mulf %parallel_loop3A_798, %parallel_loop3A_800 : vector<16xf32>
        %parallel_loop3A_802 = arith.addf %parallel_loop3A_801, %get3A_360 : vector<16xf32>
        tpu.vector_store_idx %arg10[%add3A_132, %select_n3A_152, %parallel_loop3A_774], %parallel_loop3A_802 : memref<8x8x257xf32, #tpu.memory_space<vmem>>[vector<16xi32>, vector<16xi32>, vector<16xi32>], vector<16xf32>,
      } {sc.loop_unroll_factor = 8 : i64, sc.parallel_access}
      %add3A_363 = arith.constant 1 : i32
      %add3A_364 = arith.addi %add3A_331, %add3A_363 : i32
      %get3A_365 = arith.index_cast %add3A_364 : i32 to index
      %get3A_366 = arith.constant 0 : index
      %get3A_367 = tpu.vector_load %arg7[%get3A_365, %get3A_366] {strides = array<i32>} : memref<200x64xf32, #tpu.memory_space<vmem>>, vector<16xf32>,
      %get3A_368 = arith.index_cast %add3A_364 : i32 to index
      %get3A_369 = arith.constant 16 : index
      %get3A_370 = tpu.vector_load %arg7[%get3A_368, %get3A_369] {strides = array<i32>} : memref<200x64xf32, #tpu.memory_space<vmem>>, vector<16xf32>,
      %get3A_371 = arith.index_cast %add3A_364 : i32 to index
      %get3A_372 = arith.constant 32 : index
      %get3A_373 = tpu.vector_load %arg7[%get3A_371, %get3A_372] {strides = array<i32>} : memref<200x64xf32, #tpu.memory_space<vmem>>, vector<16xf32>,
      %get3A_374 = arith.index_cast %add3A_364 : i32 to index
      %get3A_375 = arith.constant 48 : index
      %get3A_376 = tpu.vector_load %arg7[%get3A_374, %get3A_375] {strides = array<i32>} : memref<200x64xf32, #tpu.memory_space<vmem>>, vector<16xf32>,
      %parallel_loop3A_377 = arith.constant 128 : i32
      %parallel_loop3A_378 = arith.constant 256 : i32
      %parallel_loop3A_379 = arith.constant 1 : i32
      scf.for %parallel_loop3A_773 = %parallel_loop3A_377 to %parallel_loop3A_378 step %parallel_loop3A_379  : i32 {
        %parallel_loop3A_774 = vector.broadcast %parallel_loop3A_773 : i32 to vector<16xi32>
        %parallel_loop3A_775 = arith.index_cast %parallel_loop3A_773 : i32 to index
        %parallel_loop3A_776 = arith.constant 0 : index
        %parallel_loop3A_777 = tpu.vector_load %arg8[%parallel_loop3A_775, %parallel_loop3A_776] {strides = array<i32>} : memref<256x64xf32, #tpu.memory_space<vmem>>, vector<16xf32>,
        %parallel_loop3A_778 = arith.constant 8.000000e+00 : f32
        %parallel_loop3A_779 = vector.broadcast %parallel_loop3A_778 : f32 to vector<16xf32>
        %parallel_loop3A_780 = arith.mulf %parallel_loop3A_777, %parallel_loop3A_779 : vector<16xf32>
        %parallel_loop3A_781 = arith.addf %parallel_loop3A_780, %get3A_367 : vector<16xf32>
        tpu.vector_store_idx %arg10[%add3A_30, %select_n3A_152, %parallel_loop3A_774], %parallel_loop3A_781 : memref<8x8x257xf32, #tpu.memory_space<vmem>>[vector<16xi32>, vector<16xi32>, vector<16xi32>], vector<16xf32>,
        %parallel_loop3A_782 = arith.index_cast %parallel_loop3A_773 : i32 to index
        %parallel_loop3A_783 = arith.constant 16 : index
        %parallel_loop3A_784 = tpu.vector_load %arg8[%parallel_loop3A_782, %parallel_loop3A_783] {strides = array<i32>} : memref<256x64xf32, #tpu.memory_space<vmem>>, vector<16xf32>,
        %parallel_loop3A_785 = arith.constant 8.000000e+00 : f32
        %parallel_loop3A_786 = vector.broadcast %parallel_loop3A_785 : f32 to vector<16xf32>
        %parallel_loop3A_787 = arith.mulf %parallel_loop3A_784, %parallel_loop3A_786 : vector<16xf32>
        %parallel_loop3A_788 = arith.addf %parallel_loop3A_787, %get3A_370 : vector<16xf32>
        tpu.vector_store_idx %arg10[%add3A_64, %select_n3A_152, %parallel_loop3A_774], %parallel_loop3A_788 : memref<8x8x257xf32, #tpu.memory_space<vmem>>[vector<16xi32>, vector<16xi32>, vector<16xi32>], vector<16xf32>,
        %parallel_loop3A_789 = arith.index_cast %parallel_loop3A_773 : i32 to index
        %parallel_loop3A_790 = arith.constant 32 : index
        %parallel_loop3A_791 = tpu.vector_load %arg8[%parallel_loop3A_789, %parallel_loop3A_790] {strides = array<i32>} : memref<256x64xf32, #tpu.memory_space<vmem>>, vector<16xf32>,
        %parallel_loop3A_792 = arith.constant 8.000000e+00 : f32
        %parallel_loop3A_793 = vector.broadcast %parallel_loop3A_792 : f32 to vector<16xf32>
        %parallel_loop3A_794 = arith.mulf %parallel_loop3A_791, %parallel_loop3A_793 : vector<16xf32>
        %parallel_loop3A_795 = arith.addf %parallel_loop3A_794, %get3A_373 : vector<16xf32>
        tpu.vector_store_idx %arg10[%add3A_98, %select_n3A_152, %parallel_loop3A_774], %parallel_loop3A_795 : memref<8x8x257xf32, #tpu.memory_space<vmem>>[vector<16xi32>, vector<16xi32>, vector<16xi32>], vector<16xf32>,
        %parallel_loop3A_796 = arith.index_cast %parallel_loop3A_773 : i32 to index
        %parallel_loop3A_797 = arith.constant 48 : index
        %parallel_loop3A_798 = tpu.vector_load %arg8[%parallel_loop3A_796, %parallel_loop3A_797] {strides = array<i32>} : memref<256x64xf32, #tpu.memory_space<vmem>>, vector<16xf32>,
        %parallel_loop3A_799 = arith.constant 8.000000e+00 : f32
        %parallel_loop3A_800 = vector.broadcast %parallel_loop3A_799 : f32 to vector<16xf32>
        %parallel_loop3A_801 = arith.mulf %parallel_loop3A_798, %parallel_loop3A_800 : vector<16xf32>
        %parallel_loop3A_802 = arith.addf %parallel_loop3A_801, %get3A_376 : vector<16xf32>
        tpu.vector_store_idx %arg10[%add3A_132, %select_n3A_152, %parallel_loop3A_774], %parallel_loop3A_802 : memref<8x8x257xf32, #tpu.memory_space<vmem>>[vector<16xi32>, vector<16xi32>, vector<16xi32>], vector<16xf32>,
      } {sc.loop_unroll_factor = 8 : i64, sc.parallel_access}
      %add3A_380 = arith.addi %mul3A_4, %mul3A_246 : i32
      %jit3A_381 = arith.constant 4 : i32
      %div3A_382 = arith.divsi %add3A_380, %jit3A_381 : i32
      %sign3A_383 = arith.constant 0 : i32
      %sign3A_384 = arith.cmpi sgt, %add3A_380, %sign3A_383 : i32
      %sign3A_385 = arith.extui %sign3A_384 : i1 to i32
      %sign3A_386 = arith.constant 0 : i32
      %sign3A_387 = arith.cmpi slt, %add3A_380, %sign3A_386 : i32
      %sign3A_388 = arith.extui %sign3A_387 : i1 to i32
      %sign3A_389 = arith.subi %sign3A_385, %sign3A_388 : i32
      %sign3A_390 = arith.constant 0 : i32
      %sign3A_391 = arith.cmpi sgt, %jit3A_381, %sign3A_390 : i32
      %sign3A_392 = arith.extui %sign3A_391 : i1 to i32
      %sign3A_393 = arith.constant 0 : i32
      %sign3A_394 = arith.cmpi slt, %jit3A_381, %sign3A_393 : i32
      %sign3A_395 = arith.extui %sign3A_394 : i1 to i32
      %sign3A_396 = arith.subi %sign3A_392, %sign3A_395 : i32
      %ne3A_397 = arith.cmpi ne, %sign3A_389, %sign3A_396 : i32
      %rem3A_398 = arith.remsi %add3A_380, %jit3A_381 : i32
      %ne3A_399 = arith.constant 0 : i32
      %ne3A_400 = arith.cmpi ne, %rem3A_398, %ne3A_399 : i32
      %and3A_401 = arith.andi %ne3A_397, %ne3A_400 : i1
      %sub3A_402 = arith.constant 1 : i32
      %sub3A_403 = arith.subi %div3A_382, %sub3A_402 : i32
      %select_n3A_404 = arith.select %and3A_401, %sub3A_403, %div3A_382 : i32
      %jit3A_405 = arith.constant 4 : i32
      %eq3A_406 = arith.constant 0 : i32
      %eq3A_407 = arith.cmpi eq, %jit3A_405, %eq3A_406 : i32
      %jit3A_408 = arith.constant 1 : i32
      %select_n3A_409 = arith.select %eq3A_407, %jit3A_408, %jit3A_405 : i32
      %rem3A_410 = arith.remsi %add3A_380, %select_n3A_409 : i32
      %ne3A_411 = arith.constant 0 : i32
      %ne3A_412 = arith.cmpi ne, %rem3A_410, %ne3A_411 : i32
      %lt3A_413 = arith.constant 0 : i32
      %lt3A_414 = arith.cmpi slt, %rem3A_410, %lt3A_413 : i32
      %lt3A_415 = arith.constant 0 : i32
      %lt3A_416 = arith.cmpi slt, %select_n3A_409, %lt3A_415 : i32
      %ne3A_417 = arith.xori %lt3A_414, %lt3A_416 : i1
      %and3A_418 = arith.andi %ne3A_417, %ne3A_412 : i1
      %add3A_419 = arith.addi %rem3A_410, %select_n3A_409 : i32
      %select_n3A_420 = arith.select %and3A_418, %add3A_419, %rem3A_410 : i32
      %jit3A_421 = arith.constant 32 : i32
      %div3A_422 = arith.divsi %select_n3A_404, %jit3A_421 : i32
      %sign3A_423 = arith.constant 0 : i32
      %sign3A_424 = arith.cmpi sgt, %select_n3A_404, %sign3A_423 : i32
      %sign3A_425 = arith.extui %sign3A_424 : i1 to i32
      %sign3A_426 = arith.constant 0 : i32
      %sign3A_427 = arith.cmpi slt, %select_n3A_404, %sign3A_426 : i32
      %sign3A_428 = arith.extui %sign3A_427 : i1 to i32
      %sign3A_429 = arith.subi %sign3A_425, %sign3A_428 : i32
      %sign3A_430 = arith.constant 0 : i32
      %sign3A_431 = arith.cmpi sgt, %jit3A_421, %sign3A_430 : i32
      %sign3A_432 = arith.extui %sign3A_431 : i1 to i32
      %sign3A_433 = arith.constant 0 : i32
      %sign3A_434 = arith.cmpi slt, %jit3A_421, %sign3A_433 : i32
      %sign3A_435 = arith.extui %sign3A_434 : i1 to i32
      %sign3A_436 = arith.subi %sign3A_432, %sign3A_435 : i32
      %ne3A_437 = arith.cmpi ne, %sign3A_429, %sign3A_436 : i32
      %rem3A_438 = arith.remsi %select_n3A_404, %jit3A_421 : i32
      %ne3A_439 = arith.constant 0 : i32
      %ne3A_440 = arith.cmpi ne, %rem3A_438, %ne3A_439 : i32
      %and3A_441 = arith.andi %ne3A_437, %ne3A_440 : i1
      %sub3A_442 = arith.constant 1 : i32
      %sub3A_443 = arith.subi %div3A_422, %sub3A_442 : i32
      %select_n3A_444 = arith.select %and3A_441, %sub3A_443, %div3A_422 : i32
      %mul3A_445 = arith.constant 8 : i32
      %mul3A_446 = arith.muli %select_n3A_444, %mul3A_445 : i32
      %mul3A_447 = arith.constant 2 : i32
      %mul3A_448 = arith.muli %select_n3A_420, %mul3A_447 : i32
      %add3A_449 = arith.addi %mul3A_446, %mul3A_448 : i32
      %jit3A_450 = arith.constant 32 : i32
      %eq3A_451 = arith.constant 0 : i32
      %eq3A_452 = arith.cmpi eq, %jit3A_450, %eq3A_451 : i32
      %jit3A_453 = arith.constant 1 : i32
      %select_n3A_454 = arith.select %eq3A_452, %jit3A_453, %jit3A_450 : i32
      %rem3A_455 = arith.remsi %select_n3A_404, %select_n3A_454 : i32
      %ne3A_456 = arith.constant 0 : i32
      %ne3A_457 = arith.cmpi ne, %rem3A_455, %ne3A_456 : i32
      %lt3A_458 = arith.constant 0 : i32
      %lt3A_459 = arith.cmpi slt, %rem3A_455, %lt3A_458 : i32
      %lt3A_460 = arith.constant 0 : i32
      %lt3A_461 = arith.cmpi slt, %select_n3A_454, %lt3A_460 : i32
      %ne3A_462 = arith.xori %lt3A_459, %lt3A_461 : i1
      %and3A_463 = arith.andi %ne3A_462, %ne3A_457 : i1
      %add3A_464 = arith.addi %rem3A_455, %select_n3A_454 : i32
      %select_n3A_465 = arith.select %and3A_463, %add3A_464, %rem3A_455 : i32
      %add3A_466 = arith.constant 0 : i32
      %add3A_467 = arith.addi %add3A_449, %add3A_466 : i32
      %dma_start3A_468 = arith.constant 0 : i32
      %dma_start3A_469 = arith.constant 0 : i32
      %dma_start3A_470 = arith.constant 0 : i32
      %dma_start3A_471 = tpu.memref_slice %arg10[%dma_start3A_468, %dma_start3A_469, %dma_start3A_470] : memref<8x8x257xf32, #tpu.memory_space<vmem>> -> memref<8x8x128xf32, #tpu.memory_space<vmem>>
      %dma_start3A_472 = arith.constant 0 : i32
      %dma_start3A_473 = arith.constant 0 : i32
      %dma_start3A_474 = arith.constant 0 : i32
      %dma_start3A_475 = tpu.memref_slice %arg5[%add3A_467, %dma_start3A_472, %select_n3A_465, %dma_start3A_473, %dma_start3A_474] : memref<200x8x32x8x128xf32, #tpu.memory_space<hbm>> -> memref<1x8x1x8x128xf32, #tpu.memory_space<hbm>>
      %dma_start3A_476 = tpu.memref_squeeze %dma_start3A_475 : memref<1x8x1x8x128xf32, #tpu.memory_space<hbm>> -> memref<8x8x128xf32, #tpu.memory_space<hbm>>
      %dma_start3A_477 = arith.constant 0 : i32
      %dma_start3A_478 = arith.constant 0 : i32
      %dma_start3A_479 = arith.constant 0 : i32
      %dma_start3A_480 = tpu.memref_slice %arg5[%add3A_467, %dma_start3A_477, %select_n3A_465, %dma_start3A_478, %dma_start3A_479] : memref<200x8x32x8x128xf32, #tpu.memory_space<hbm>> -> memref<1x8x1x8x128xf32, #tpu.memory_space<hbm>>
      %dma_start3A_481 = tpu.memref_squeeze %dma_start3A_480 : memref<1x8x1x8x128xf32, #tpu.memory_space<hbm>> -> memref<8x8x128xf32, #tpu.memory_space<hbm>>
      %dma_start3A_482 = arith.constant 0 : i32
      %dma_start3A_483 = arith.constant 0 : i32
      %dma_start3A_484 = arith.constant 0 : i32
      %dma_start3A_485 = tpu.memref_slice %arg10[%dma_start3A_482, %dma_start3A_483, %dma_start3A_484] : memref<8x8x257xf32, #tpu.memory_space<vmem>> -> memref<8x8x128xf32, #tpu.memory_space<vmem>>
      tpu.enqueue_dma source(%dma_start3A_485 : memref<8x8x128xf32, #tpu.memory_space<vmem>>) target(%dma_start3A_481 : memref<8x8x128xf32, #tpu.memory_space<hbm>>) target_semaphore(%arg14 : memref<!tpu.dma_semaphore, #tpu.memory_space<semaphore_mem>>)
      %add3A_486 = arith.constant 1 : i32
      %add3A_487 = arith.addi %add3A_449, %add3A_486 : i32
      %dma_start3A_488 = arith.constant 0 : i32
      %dma_start3A_489 = arith.constant 0 : i32
      %dma_start3A_490 = arith.constant 128 : i32
      %dma_start3A_491 = tpu.memref_slice %arg10[%dma_start3A_488, %dma_start3A_489, %dma_start3A_490] : memref<8x8x257xf32, #tpu.memory_space<vmem>> -> memref<8x8x128xf32, #tpu.memory_space<vmem>>
      %dma_start3A_492 = arith.constant 0 : i32
      %dma_start3A_493 = arith.constant 0 : i32
      %dma_start3A_494 = arith.constant 0 : i32
      %dma_start3A_495 = tpu.memref_slice %arg5[%add3A_487, %dma_start3A_492, %select_n3A_465, %dma_start3A_493, %dma_start3A_494] : memref<200x8x32x8x128xf32, #tpu.memory_space<hbm>> -> memref<1x8x1x8x128xf32, #tpu.memory_space<hbm>>
      %dma_start3A_496 = tpu.memref_squeeze %dma_start3A_495 : memref<1x8x1x8x128xf32, #tpu.memory_space<hbm>> -> memref<8x8x128xf32, #tpu.memory_space<hbm>>
      %dma_start3A_497 = arith.constant 0 : i32
      %dma_start3A_498 = arith.constant 0 : i32
      %dma_start3A_499 = arith.constant 0 : i32
      %dma_start3A_500 = tpu.memref_slice %arg5[%add3A_487, %dma_start3A_497, %select_n3A_465, %dma_start3A_498, %dma_start3A_499] : memref<200x8x32x8x128xf32, #tpu.memory_space<hbm>> -> memref<1x8x1x8x128xf32, #tpu.memory_space<hbm>>
      %dma_start3A_501 = tpu.memref_squeeze %dma_start3A_500 : memref<1x8x1x8x128xf32, #tpu.memory_space<hbm>> -> memref<8x8x128xf32, #tpu.memory_space<hbm>>
      %dma_start3A_502 = arith.constant 0 : i32
      %dma_start3A_503 = arith.constant 0 : i32
      %dma_start3A_504 = arith.constant 128 : i32
      %dma_start3A_505 = tpu.memref_slice %arg10[%dma_start3A_502, %dma_start3A_503, %dma_start3A_504] : memref<8x8x257xf32, #tpu.memory_space<vmem>> -> memref<8x8x128xf32, #tpu.memory_space<vmem>>
      tpu.enqueue_dma source(%dma_start3A_505 : memref<8x8x128xf32, #tpu.memory_space<vmem>>) target(%dma_start3A_501 : memref<8x8x128xf32, #tpu.memory_space<hbm>>) target_semaphore(%arg14 : memref<!tpu.dma_semaphore, #tpu.memory_space<semaphore_mem>>)
      %add3A_506 = arith.constant 1 : i32
      %add3A_507 = arith.addi %add3A_244, %add3A_506 : i32
      %lt3A_508 = arith.constant 50 : i32
      %lt3A_509 = arith.cmpi slt, %add3A_507, %lt3A_508 : i32
      %convert_element_type3A_510 = arith.extui %lt3A_509 : i1 to i32
      %cond3A_511 = arith.constant 0 : i32
      %cond3A_512 = arith.cmpi ne, %convert_element_type3A_510, %cond3A_511 : i32
      scf.if %cond3A_512 {
        %add3A_773 = arith.constant 2 : i32
        %add3A_774 = arith.addi %mul3A_246, %add3A_773 : i32
        %mul3A_775 = arith.constant 256 : i32
        %mul3A_776 = arith.muli %add3A_774, %mul3A_775 : i32
        %dma_start3A_777 = tpu.memref_slice %arg6[%mul3A_776] : memref<25600xi32, #tpu.memory_space<vmem>> -> memref<256xi32, #tpu.memory_space<vmem>>
        %dma_start3A_778 = arith.constant 0 : i32
        %dma_start3A_779 = arith.constant 0 : i32
        %dma_start3A_780 = tpu.memref_slice %arg3[%dma_start3A_778, %dma_start3A_779] : memref<1000000x64xf32, #tpu.memory_space<hbm>> -> memref<1000000x64xf32, #tpu.memory_space<hbm>>
        tpu.enqueue_indirect_dma source(%dma_start3A_780 : memref<1000000x64xf32, #tpu.memory_space<hbm>>) target(%arg8 : memref<256x64xf32, #tpu.memory_space<vmem>>) offsets(%dma_start3A_777 : memref<256xi32, #tpu.memory_space<vmem>>) semaphore(%arg12 : memref<!tpu.dma_semaphore, #tpu.memory_space<semaphore_mem>>)
      } else {
      }
      %dma_wait3A_513 = arith.constant 0 : i32
      %dma_wait3A_514 = tpu.memref_slice %arg6[%dma_wait3A_513] : memref<25600xi32, #tpu.memory_space<vmem>> -> memref<256xi32, #tpu.memory_space<vmem>>
      %dma_wait3A_515 = arith.constant 0 : i32
      %dma_wait3A_516 = arith.constant 0 : i32
      %dma_wait3A_517 = tpu.memref_slice %arg3[%dma_wait3A_515, %dma_wait3A_516] : memref<1000000x64xf32, #tpu.memory_space<hbm>> -> memref<1000000x64xf32, #tpu.memory_space<hbm>>
      tpu.wait_indirect_dma semaphore(%arg13 : memref<!tpu.dma_semaphore, #tpu.memory_space<semaphore_mem>>) src(%dma_wait3A_517 : memref<1000000x64xf32, #tpu.memory_space<hbm>>) dst(%arg9 : memref<256x64xf32, #tpu.memory_space<vmem>>)
      %gt3A_518 = arith.constant 0 : i32
      %gt3A_519 = arith.cmpi sgt, %add3A_244, %gt3A_518 : i32
      %convert_element_type3A_520 = arith.extui %gt3A_519 : i1 to i32
      %cond3A_521 = arith.constant 0 : i32
      %cond3A_522 = arith.cmpi ne, %convert_element_type3A_520, %cond3A_521 : i32
      scf.if %cond3A_522 {
        %dma_wait3A_773 = arith.constant 0 : i32
        %dma_wait3A_774 = arith.constant 0 : i32
        %dma_wait3A_775 = arith.constant 0 : i32
        %dma_wait3A_776 = arith.constant 0 : i32
        %dma_wait3A_777 = arith.constant 0 : i32
        %dma_wait3A_778 = tpu.memref_slice %arg11[%dma_wait3A_775, %dma_wait3A_776, %dma_wait3A_777] : memref<8x8x257xf32, #tpu.memory_space<vmem>> -> memref<8x8x128xf32, #tpu.memory_space<vmem>>
        %dma_wait3A_779 = arith.constant 0 : i32
        %dma_wait3A_780 = arith.constant 0 : i32
        %dma_wait3A_781 = arith.constant 0 : i32
        %dma_wait3A_782 = tpu.memref_slice %arg5[%dma_wait3A_773, %dma_wait3A_779, %dma_wait3A_774, %dma_wait3A_780, %dma_wait3A_781] : memref<200x8x32x8x128xf32, #tpu.memory_space<hbm>> -> memref<1x8x1x8x128xf32, #tpu.memory_space<hbm>>
        %dma_wait3A_783 = tpu.memref_squeeze %dma_wait3A_782 : memref<1x8x1x8x128xf32, #tpu.memory_space<hbm>> -> memref<8x8x128xf32, #tpu.memory_space<hbm>>
        %dma_wait3A_784 = arith.constant 0 : i32
        %dma_wait3A_785 = arith.constant 0 : i32
        %dma_wait3A_786 = arith.constant 0 : i32
        %dma_wait3A_787 = tpu.memref_slice %arg5[%dma_wait3A_773, %dma_wait3A_784, %dma_wait3A_774, %dma_wait3A_785, %dma_wait3A_786] : memref<200x8x32x8x128xf32, #tpu.memory_space<hbm>> -> memref<1x8x1x8x128xf32, #tpu.memory_space<hbm>>
        %dma_wait3A_788 = tpu.memref_squeeze %dma_wait3A_787 : memref<1x8x1x8x128xf32, #tpu.memory_space<hbm>> -> memref<8x8x128xf32, #tpu.memory_space<hbm>>
        %dma_wait3A_789 = arith.constant 0 : i32
        %dma_wait3A_790 = arith.constant 0 : i32
        %dma_wait3A_791 = arith.constant 0 : i32
        %dma_wait3A_792 = tpu.memref_slice %arg11[%dma_wait3A_789, %dma_wait3A_790, %dma_wait3A_791] : memref<8x8x257xf32, #tpu.memory_space<vmem>> -> memref<8x8x128xf32, #tpu.memory_space<vmem>>
        tpu.wait_dma2 semaphore(%arg15 : memref<!tpu.dma_semaphore, #tpu.memory_space<semaphore_mem>>) src(%dma_wait3A_792 : memref<8x8x128xf32, #tpu.memory_space<vmem>>) dst(%dma_wait3A_788 : memref<8x8x128xf32, #tpu.memory_space<hbm>>)
        %dma_wait3A_793 = arith.constant 0 : i32
        %dma_wait3A_794 = arith.constant 0 : i32
        %dma_wait3A_795 = arith.constant 0 : i32
        %dma_wait3A_796 = arith.constant 0 : i32
        %dma_wait3A_797 = arith.constant 128 : i32
        %dma_wait3A_798 = tpu.memref_slice %arg11[%dma_wait3A_795, %dma_wait3A_796, %dma_wait3A_797] : memref<8x8x257xf32, #tpu.memory_space<vmem>> -> memref<8x8x128xf32, #tpu.memory_space<vmem>>
        %dma_wait3A_799 = arith.constant 0 : i32
        %dma_wait3A_800 = arith.constant 0 : i32
        %dma_wait3A_801 = arith.constant 0 : i32
        %dma_wait3A_802 = tpu.memref_slice %arg5[%dma_wait3A_793, %dma_wait3A_799, %dma_wait3A_794, %dma_wait3A_800, %dma_wait3A_801] : memref<200x8x32x8x128xf32, #tpu.memory_space<hbm>> -> memref<1x8x1x8x128xf32, #tpu.memory_space<hbm>>
        %dma_wait3A_803 = tpu.memref_squeeze %dma_wait3A_802 : memref<1x8x1x8x128xf32, #tpu.memory_space<hbm>> -> memref<8x8x128xf32, #tpu.memory_space<hbm>>
        %dma_wait3A_804 = arith.constant 0 : i32
        %dma_wait3A_805 = arith.constant 0 : i32
        %dma_wait3A_806 = arith.constant 0 : i32
        %dma_wait3A_807 = tpu.memref_slice %arg5[%dma_wait3A_793, %dma_wait3A_804, %dma_wait3A_794, %dma_wait3A_805, %dma_wait3A_806] : memref<200x8x32x8x128xf32, #tpu.memory_space<hbm>> -> memref<1x8x1x8x128xf32, #tpu.memory_space<hbm>>
        %dma_wait3A_808 = tpu.memref_squeeze %dma_wait3A_807 : memref<1x8x1x8x128xf32, #tpu.memory_space<hbm>> -> memref<8x8x128xf32, #tpu.memory_space<hbm>>
        %dma_wait3A_809 = arith.constant 0 : i32
        %dma_wait3A_810 = arith.constant 0 : i32
        %dma_wait3A_811 = arith.constant 128 : i32
        %dma_wait3A_812 = tpu.memref_slice %arg11[%dma_wait3A_809, %dma_wait3A_810, %dma_wait3A_811] : memref<8x8x257xf32, #tpu.memory_space<vmem>> -> memref<8x8x128xf32, #tpu.memory_space<vmem>>
        tpu.wait_dma2 semaphore(%arg15 : memref<!tpu.dma_semaphore, #tpu.memory_space<semaphore_mem>>) src(%dma_wait3A_812 : memref<8x8x128xf32, #tpu.memory_space<vmem>>) dst(%dma_wait3A_808 : memref<8x8x128xf32, #tpu.memory_space<hbm>>)
      } else {
      }
      %add3A_523 = arith.constant 1 : i32
      %add3A_524 = arith.addi %mul3A_246, %add3A_523 : i32
      %add3A_525 = arith.addi %mul3A_4, %add3A_524 : i32
      %jit3A_526 = arith.constant 4 : i32
      %div3A_527 = arith.divsi %add3A_525, %jit3A_526 : i32
      %sign3A_528 = arith.constant 0 : i32
      %sign3A_529 = arith.cmpi sgt, %add3A_525, %sign3A_528 : i32
      %sign3A_530 = arith.extui %sign3A_529 : i1 to i32
      %sign3A_531 = arith.constant 0 : i32
      %sign3A_532 = arith.cmpi slt, %add3A_525, %sign3A_531 : i32
      %sign3A_533 = arith.extui %sign3A_532 : i1 to i32
      %sign3A_534 = arith.subi %sign3A_530, %sign3A_533 : i32
      %sign3A_535 = arith.constant 0 : i32
      %sign3A_536 = arith.cmpi sgt, %jit3A_526, %sign3A_535 : i32
      %sign3A_537 = arith.extui %sign3A_536 : i1 to i32
      %sign3A_538 = arith.constant 0 : i32
      %sign3A_539 = arith.cmpi slt, %jit3A_526, %sign3A_538 : i32
      %sign3A_540 = arith.extui %sign3A_539 : i1 to i32
      %sign3A_541 = arith.subi %sign3A_537, %sign3A_540 : i32
      %ne3A_542 = arith.cmpi ne, %sign3A_534, %sign3A_541 : i32
      %rem3A_543 = arith.remsi %add3A_525, %jit3A_526 : i32
      %ne3A_544 = arith.constant 0 : i32
      %ne3A_545 = arith.cmpi ne, %rem3A_543, %ne3A_544 : i32
      %and3A_546 = arith.andi %ne3A_542, %ne3A_545 : i1
      %sub3A_547 = arith.constant 1 : i32
      %sub3A_548 = arith.subi %div3A_527, %sub3A_547 : i32
      %select_n3A_549 = arith.select %and3A_546, %sub3A_548, %div3A_527 : i32
      %jit3A_550 = arith.constant 4 : i32
      %eq3A_551 = arith.constant 0 : i32
      %eq3A_552 = arith.cmpi eq, %jit3A_550, %eq3A_551 : i32
      %jit3A_553 = arith.constant 1 : i32
      %select_n3A_554 = arith.select %eq3A_552, %jit3A_553, %jit3A_550 : i32
      %rem3A_555 = arith.remsi %add3A_525, %select_n3A_554 : i32
      %ne3A_556 = arith.constant 0 : i32
      %ne3A_557 = arith.cmpi ne, %rem3A_555, %ne3A_556 : i32
      %lt3A_558 = arith.constant 0 : i32
      %lt3A_559 = arith.cmpi slt, %rem3A_555, %lt3A_558 : i32
      %lt3A_560 = arith.constant 0 : i32
      %lt3A_561 = arith.cmpi slt, %select_n3A_554, %lt3A_560 : i32
      %ne3A_562 = arith.xori %lt3A_559, %lt3A_561 : i1
      %and3A_563 = arith.andi %ne3A_562, %ne3A_557 : i1
      %add3A_564 = arith.addi %rem3A_555, %select_n3A_554 : i32
      %select_n3A_565 = arith.select %and3A_563, %add3A_564, %rem3A_555 : i32
      %jit3A_566 = arith.constant 32 : i32
      %div3A_567 = arith.divsi %select_n3A_549, %jit3A_566 : i32
      %sign3A_568 = arith.constant 0 : i32
      %sign3A_569 = arith.cmpi sgt, %select_n3A_549, %sign3A_568 : i32
      %sign3A_570 = arith.extui %sign3A_569 : i1 to i32
      %sign3A_571 = arith.constant 0 : i32
      %sign3A_572 = arith.cmpi slt, %select_n3A_549, %sign3A_571 : i32
      %sign3A_573 = arith.extui %sign3A_572 : i1 to i32
      %sign3A_574 = arith.subi %sign3A_570, %sign3A_573 : i32
      %sign3A_575 = arith.constant 0 : i32
      %sign3A_576 = arith.cmpi sgt, %jit3A_566, %sign3A_575 : i32
      %sign3A_577 = arith.extui %sign3A_576 : i1 to i32
      %sign3A_578 = arith.constant 0 : i32
      %sign3A_579 = arith.cmpi slt, %jit3A_566, %sign3A_578 : i32
      %sign3A_580 = arith.extui %sign3A_579 : i1 to i32
      %sign3A_581 = arith.subi %sign3A_577, %sign3A_580 : i32
      %ne3A_582 = arith.cmpi ne, %sign3A_574, %sign3A_581 : i32
      %rem3A_583 = arith.remsi %select_n3A_549, %jit3A_566 : i32
      %ne3A_584 = arith.constant 0 : i32
      %ne3A_585 = arith.cmpi ne, %rem3A_583, %ne3A_584 : i32
      %and3A_586 = arith.andi %ne3A_582, %ne3A_585 : i1
      %sub3A_587 = arith.constant 1 : i32
      %sub3A_588 = arith.subi %div3A_567, %sub3A_587 : i32
      %select_n3A_589 = arith.select %and3A_586, %sub3A_588, %div3A_567 : i32
      %mul3A_590 = arith.constant 8 : i32
      %mul3A_591 = arith.muli %select_n3A_589, %mul3A_590 : i32
      %mul3A_592 = arith.constant 2 : i32
      %mul3A_593 = arith.muli %select_n3A_565, %mul3A_592 : i32
      %add3A_594 = arith.addi %mul3A_591, %mul3A_593 : i32
      %jit3A_595 = arith.constant 32 : i32
      %eq3A_596 = arith.constant 0 : i32
      %eq3A_597 = arith.cmpi eq, %jit3A_595, %eq3A_596 : i32
      %jit3A_598 = arith.constant 1 : i32
      %select_n3A_599 = arith.select %eq3A_597, %jit3A_598, %jit3A_595 : i32
      %rem3A_600 = arith.remsi %select_n3A_549, %select_n3A_599 : i32
      %ne3A_601 = arith.constant 0 : i32
      %ne3A_602 = arith.cmpi ne, %rem3A_600, %ne3A_601 : i32
      %lt3A_603 = arith.constant 0 : i32
      %lt3A_604 = arith.cmpi slt, %rem3A_600, %lt3A_603 : i32
      %lt3A_605 = arith.constant 0 : i32
      %lt3A_606 = arith.cmpi slt, %select_n3A_599, %lt3A_605 : i32
      %ne3A_607 = arith.xori %lt3A_604, %lt3A_606 : i1
      %and3A_608 = arith.andi %ne3A_607, %ne3A_602 : i1
      %add3A_609 = arith.addi %rem3A_600, %select_n3A_599 : i32
      %select_n3A_610 = arith.select %and3A_608, %add3A_609, %rem3A_600 : i32
      %add3A_611 = arith.constant 0 : i32
      %add3A_612 = arith.addi %add3A_594, %add3A_611 : i32
      %get3A_613 = arith.index_cast %add3A_612 : i32 to index
      %get3A_614 = arith.constant 0 : index
      %get3A_615 = tpu.vector_load %arg7[%get3A_613, %get3A_614] {strides = array<i32>} : memref<200x64xf32, #tpu.memory_space<vmem>>, vector<16xf32>,
      %get3A_616 = arith.index_cast %add3A_612 : i32 to index
      %get3A_617 = arith.constant 16 : index
      %get3A_618 = tpu.vector_load %arg7[%get3A_616, %get3A_617] {strides = array<i32>} : memref<200x64xf32, #tpu.memory_space<vmem>>, vector<16xf32>,
      %get3A_619 = arith.index_cast %add3A_612 : i32 to index
      %get3A_620 = arith.constant 32 : index
      %get3A_621 = tpu.vector_load %arg7[%get3A_619, %get3A_620] {strides = array<i32>} : memref<200x64xf32, #tpu.memory_space<vmem>>, vector<16xf32>,
      %get3A_622 = arith.index_cast %add3A_612 : i32 to index
      %get3A_623 = arith.constant 48 : index
      %get3A_624 = tpu.vector_load %arg7[%get3A_622, %get3A_623] {strides = array<i32>} : memref<200x64xf32, #tpu.memory_space<vmem>>, vector<16xf32>,
      %parallel_loop3A_625 = arith.constant 0 : i32
      %parallel_loop3A_626 = arith.constant 128 : i32
      %parallel_loop3A_627 = arith.constant 1 : i32
      scf.for %parallel_loop3A_773 = %parallel_loop3A_625 to %parallel_loop3A_626 step %parallel_loop3A_627  : i32 {
        %parallel_loop3A_774 = vector.broadcast %parallel_loop3A_773 : i32 to vector<16xi32>
        %parallel_loop3A_775 = arith.index_cast %parallel_loop3A_773 : i32 to index
        %parallel_loop3A_776 = arith.constant 0 : index
        %parallel_loop3A_777 = tpu.vector_load %arg9[%parallel_loop3A_775, %parallel_loop3A_776] {strides = array<i32>} : memref<256x64xf32, #tpu.memory_space<vmem>>, vector<16xf32>,
        %parallel_loop3A_778 = arith.constant 8.000000e+00 : f32
        %parallel_loop3A_779 = vector.broadcast %parallel_loop3A_778 : f32 to vector<16xf32>
        %parallel_loop3A_780 = arith.mulf %parallel_loop3A_777, %parallel_loop3A_779 : vector<16xf32>
        %parallel_loop3A_781 = arith.addf %parallel_loop3A_780, %get3A_615 : vector<16xf32>
        tpu.vector_store_idx %arg11[%add3A_30, %select_n3A_152, %parallel_loop3A_774], %parallel_loop3A_781 : memref<8x8x257xf32, #tpu.memory_space<vmem>>[vector<16xi32>, vector<16xi32>, vector<16xi32>], vector<16xf32>,
        %parallel_loop3A_782 = arith.index_cast %parallel_loop3A_773 : i32 to index
        %parallel_loop3A_783 = arith.constant 16 : index
        %parallel_loop3A_784 = tpu.vector_load %arg9[%parallel_loop3A_782, %parallel_loop3A_783] {strides = array<i32>} : memref<256x64xf32, #tpu.memory_space<vmem>>, vector<16xf32>,
        %parallel_loop3A_785 = arith.constant 8.000000e+00 : f32
        %parallel_loop3A_786 = vector.broadcast %parallel_loop3A_785 : f32 to vector<16xf32>
        %parallel_loop3A_787 = arith.mulf %parallel_loop3A_784, %parallel_loop3A_786 : vector<16xf32>
        %parallel_loop3A_788 = arith.addf %parallel_loop3A_787, %get3A_618 : vector<16xf32>
        tpu.vector_store_idx %arg11[%add3A_64, %select_n3A_152, %parallel_loop3A_774], %parallel_loop3A_788 : memref<8x8x257xf32, #tpu.memory_space<vmem>>[vector<16xi32>, vector<16xi32>, vector<16xi32>], vector<16xf32>,
        %parallel_loop3A_789 = arith.index_cast %parallel_loop3A_773 : i32 to index
        %parallel_loop3A_790 = arith.constant 32 : index
        %parallel_loop3A_791 = tpu.vector_load %arg9[%parallel_loop3A_789, %parallel_loop3A_790] {strides = array<i32>} : memref<256x64xf32, #tpu.memory_space<vmem>>, vector<16xf32>,
        %parallel_loop3A_792 = arith.constant 8.000000e+00 : f32
        %parallel_loop3A_793 = vector.broadcast %parallel_loop3A_792 : f32 to vector<16xf32>
        %parallel_loop3A_794 = arith.mulf %parallel_loop3A_791, %parallel_loop3A_793 : vector<16xf32>
        %parallel_loop3A_795 = arith.addf %parallel_loop3A_794, %get3A_621 : vector<16xf32>
        tpu.vector_store_idx %arg11[%add3A_98, %select_n3A_152, %parallel_loop3A_774], %parallel_loop3A_795 : memref<8x8x257xf32, #tpu.memory_space<vmem>>[vector<16xi32>, vector<16xi32>, vector<16xi32>], vector<16xf32>,
        %parallel_loop3A_796 = arith.index_cast %parallel_loop3A_773 : i32 to index
        %parallel_loop3A_797 = arith.constant 48 : index
        %parallel_loop3A_798 = tpu.vector_load %arg9[%parallel_loop3A_796, %parallel_loop3A_797] {strides = array<i32>} : memref<256x64xf32, #tpu.memory_space<vmem>>, vector<16xf32>,
        %parallel_loop3A_799 = arith.constant 8.000000e+00 : f32
        %parallel_loop3A_800 = vector.broadcast %parallel_loop3A_799 : f32 to vector<16xf32>
        %parallel_loop3A_801 = arith.mulf %parallel_loop3A_798, %parallel_loop3A_800 : vector<16xf32>
        %parallel_loop3A_802 = arith.addf %parallel_loop3A_801, %get3A_624 : vector<16xf32>
        tpu.vector_store_idx %arg11[%add3A_132, %select_n3A_152, %parallel_loop3A_774], %parallel_loop3A_802 : memref<8x8x257xf32, #tpu.memory_space<vmem>>[vector<16xi32>, vector<16xi32>, vector<16xi32>], vector<16xf32>,
      } {sc.loop_unroll_factor = 8 : i64, sc.parallel_access}
      %add3A_628 = arith.constant 1 : i32
      %add3A_629 = arith.addi %add3A_594, %add3A_628 : i32
      %get3A_630 = arith.index_cast %add3A_629 : i32 to index
      %get3A_631 = arith.constant 0 : index
      %get3A_632 = tpu.vector_load %arg7[%get3A_630, %get3A_631] {strides = array<i32>} : memref<200x64xf32, #tpu.memory_space<vmem>>, vector<16xf32>,
      %get3A_633 = arith.index_cast %add3A_629 : i32 to index
      %get3A_634 = arith.constant 16 : index
      %get3A_635 = tpu.vector_load %arg7[%get3A_633, %get3A_634] {strides = array<i32>} : memref<200x64xf32, #tpu.memory_space<vmem>>, vector<16xf32>,
      %get3A_636 = arith.index_cast %add3A_629 : i32 to index
      %get3A_637 = arith.constant 32 : index
      %get3A_638 = tpu.vector_load %arg7[%get3A_636, %get3A_637] {strides = array<i32>} : memref<200x64xf32, #tpu.memory_space<vmem>>, vector<16xf32>,
      %get3A_639 = arith.index_cast %add3A_629 : i32 to index
      %get3A_640 = arith.constant 48 : index
      %get3A_641 = tpu.vector_load %arg7[%get3A_639, %get3A_640] {strides = array<i32>} : memref<200x64xf32, #tpu.memory_space<vmem>>, vector<16xf32>,
      %parallel_loop3A_642 = arith.constant 128 : i32
      %parallel_loop3A_643 = arith.constant 256 : i32
      %parallel_loop3A_644 = arith.constant 1 : i32
      scf.for %parallel_loop3A_773 = %parallel_loop3A_642 to %parallel_loop3A_643 step %parallel_loop3A_644  : i32 {
        %parallel_loop3A_774 = vector.broadcast %parallel_loop3A_773 : i32 to vector<16xi32>
        %parallel_loop3A_775 = arith.index_cast %parallel_loop3A_773 : i32 to index
        %parallel_loop3A_776 = arith.constant 0 : index
        %parallel_loop3A_777 = tpu.vector_load %arg9[%parallel_loop3A_775, %parallel_loop3A_776] {strides = array<i32>} : memref<256x64xf32, #tpu.memory_space<vmem>>, vector<16xf32>,
        %parallel_loop3A_778 = arith.constant 8.000000e+00 : f32
        %parallel_loop3A_779 = vector.broadcast %parallel_loop3A_778 : f32 to vector<16xf32>
        %parallel_loop3A_780 = arith.mulf %parallel_loop3A_777, %parallel_loop3A_779 : vector<16xf32>
        %parallel_loop3A_781 = arith.addf %parallel_loop3A_780, %get3A_632 : vector<16xf32>
        tpu.vector_store_idx %arg11[%add3A_30, %select_n3A_152, %parallel_loop3A_774], %parallel_loop3A_781 : memref<8x8x257xf32, #tpu.memory_space<vmem>>[vector<16xi32>, vector<16xi32>, vector<16xi32>], vector<16xf32>,
        %parallel_loop3A_782 = arith.index_cast %parallel_loop3A_773 : i32 to index
        %parallel_loop3A_783 = arith.constant 16 : index
        %parallel_loop3A_784 = tpu.vector_load %arg9[%parallel_loop3A_782, %parallel_loop3A_783] {strides = array<i32>} : memref<256x64xf32, #tpu.memory_space<vmem>>, vector<16xf32>,
        %parallel_loop3A_785 = arith.constant 8.000000e+00 : f32
        %parallel_loop3A_786 = vector.broadcast %parallel_loop3A_785 : f32 to vector<16xf32>
        %parallel_loop3A_787 = arith.mulf %parallel_loop3A_784, %parallel_loop3A_786 : vector<16xf32>
        %parallel_loop3A_788 = arith.addf %parallel_loop3A_787, %get3A_635 : vector<16xf32>
        tpu.vector_store_idx %arg11[%add3A_64, %select_n3A_152, %parallel_loop3A_774], %parallel_loop3A_788 : memref<8x8x257xf32, #tpu.memory_space<vmem>>[vector<16xi32>, vector<16xi32>, vector<16xi32>], vector<16xf32>,
        %parallel_loop3A_789 = arith.index_cast %parallel_loop3A_773 : i32 to index
        %parallel_loop3A_790 = arith.constant 32 : index
        %parallel_loop3A_791 = tpu.vector_load %arg9[%parallel_loop3A_789, %parallel_loop3A_790] {strides = array<i32>} : memref<256x64xf32, #tpu.memory_space<vmem>>, vector<16xf32>,
        %parallel_loop3A_792 = arith.constant 8.000000e+00 : f32
        %parallel_loop3A_793 = vector.broadcast %parallel_loop3A_792 : f32 to vector<16xf32>
        %parallel_loop3A_794 = arith.mulf %parallel_loop3A_791, %parallel_loop3A_793 : vector<16xf32>
        %parallel_loop3A_795 = arith.addf %parallel_loop3A_794, %get3A_638 : vector<16xf32>
        tpu.vector_store_idx %arg11[%add3A_98, %select_n3A_152, %parallel_loop3A_774], %parallel_loop3A_795 : memref<8x8x257xf32, #tpu.memory_space<vmem>>[vector<16xi32>, vector<16xi32>, vector<16xi32>], vector<16xf32>,
        %parallel_loop3A_796 = arith.index_cast %parallel_loop3A_773 : i32 to index
        %parallel_loop3A_797 = arith.constant 48 : index
        %parallel_loop3A_798 = tpu.vector_load %arg9[%parallel_loop3A_796, %parallel_loop3A_797] {strides = array<i32>} : memref<256x64xf32, #tpu.memory_space<vmem>>, vector<16xf32>,
        %parallel_loop3A_799 = arith.constant 8.000000e+00 : f32
        %parallel_loop3A_800 = vector.broadcast %parallel_loop3A_799 : f32 to vector<16xf32>
        %parallel_loop3A_801 = arith.mulf %parallel_loop3A_798, %parallel_loop3A_800 : vector<16xf32>
        %parallel_loop3A_802 = arith.addf %parallel_loop3A_801, %get3A_641 : vector<16xf32>
        tpu.vector_store_idx %arg11[%add3A_132, %select_n3A_152, %parallel_loop3A_774], %parallel_loop3A_802 : memref<8x8x257xf32, #tpu.memory_space<vmem>>[vector<16xi32>, vector<16xi32>, vector<16xi32>], vector<16xf32>,
      } {sc.loop_unroll_factor = 8 : i64, sc.parallel_access}
      %add3A_645 = arith.constant 1 : i32
      %add3A_646 = arith.addi %mul3A_246, %add3A_645 : i32
      %add3A_647 = arith.addi %mul3A_4, %add3A_646 : i32
      %jit3A_648 = arith.constant 4 : i32
      %div3A_649 = arith.divsi %add3A_647, %jit3A_648 : i32
      %sign3A_650 = arith.constant 0 : i32
      %sign3A_651 = arith.cmpi sgt, %add3A_647, %sign3A_650 : i32
      %sign3A_652 = arith.extui %sign3A_651 : i1 to i32
      %sign3A_653 = arith.constant 0 : i32
      %sign3A_654 = arith.cmpi slt, %add3A_647, %sign3A_653 : i32
      %sign3A_655 = arith.extui %sign3A_654 : i1 to i32
      %sign3A_656 = arith.subi %sign3A_652, %sign3A_655 : i32
      %sign3A_657 = arith.constant 0 : i32
      %sign3A_658 = arith.cmpi sgt, %jit3A_648, %sign3A_657 : i32
      %sign3A_659 = arith.extui %sign3A_658 : i1 to i32
      %sign3A_660 = arith.constant 0 : i32
      %sign3A_661 = arith.cmpi slt, %jit3A_648, %sign3A_660 : i32
      %sign3A_662 = arith.extui %sign3A_661 : i1 to i32
      %sign3A_663 = arith.subi %sign3A_659, %sign3A_662 : i32
      %ne3A_664 = arith.cmpi ne, %sign3A_656, %sign3A_663 : i32
      %rem3A_665 = arith.remsi %add3A_647, %jit3A_648 : i32
      %ne3A_666 = arith.constant 0 : i32
      %ne3A_667 = arith.cmpi ne, %rem3A_665, %ne3A_666 : i32
      %and3A_668 = arith.andi %ne3A_664, %ne3A_667 : i1
      %sub3A_669 = arith.constant 1 : i32
      %sub3A_670 = arith.subi %div3A_649, %sub3A_669 : i32
      %select_n3A_671 = arith.select %and3A_668, %sub3A_670, %div3A_649 : i32
      %jit3A_672 = arith.constant 4 : i32
      %eq3A_673 = arith.constant 0 : i32
      %eq3A_674 = arith.cmpi eq, %jit3A_672, %eq3A_673 : i32
      %jit3A_675 = arith.constant 1 : i32
      %select_n3A_676 = arith.select %eq3A_674, %jit3A_675, %jit3A_672 : i32
      %rem3A_677 = arith.remsi %add3A_647, %select_n3A_676 : i32
      %ne3A_678 = arith.constant 0 : i32
      %ne3A_679 = arith.cmpi ne, %rem3A_677, %ne3A_678 : i32
      %lt3A_680 = arith.constant 0 : i32
      %lt3A_681 = arith.cmpi slt, %rem3A_677, %lt3A_680 : i32
      %lt3A_682 = arith.constant 0 : i32
      %lt3A_683 = arith.cmpi slt, %select_n3A_676, %lt3A_682 : i32
      %ne3A_684 = arith.xori %lt3A_681, %lt3A_683 : i1
      %and3A_685 = arith.andi %ne3A_684, %ne3A_679 : i1
      %add3A_686 = arith.addi %rem3A_677, %select_n3A_676 : i32
      %select_n3A_687 = arith.select %and3A_685, %add3A_686, %rem3A_677 : i32
      %jit3A_688 = arith.constant 32 : i32
      %div3A_689 = arith.divsi %select_n3A_671, %jit3A_688 : i32
      %sign3A_690 = arith.constant 0 : i32
      %sign3A_691 = arith.cmpi sgt, %select_n3A_671, %sign3A_690 : i32
      %sign3A_692 = arith.extui %sign3A_691 : i1 to i32
      %sign3A_693 = arith.constant 0 : i32
      %sign3A_694 = arith.cmpi slt, %select_n3A_671, %sign3A_693 : i32
      %sign3A_695 = arith.extui %sign3A_694 : i1 to i32
      %sign3A_696 = arith.subi %sign3A_692, %sign3A_695 : i32
      %sign3A_697 = arith.constant 0 : i32
      %sign3A_698 = arith.cmpi sgt, %jit3A_688, %sign3A_697 : i32
      %sign3A_699 = arith.extui %sign3A_698 : i1 to i32
      %sign3A_700 = arith.constant 0 : i32
      %sign3A_701 = arith.cmpi slt, %jit3A_688, %sign3A_700 : i32
      %sign3A_702 = arith.extui %sign3A_701 : i1 to i32
      %sign3A_703 = arith.subi %sign3A_699, %sign3A_702 : i32
      %ne3A_704 = arith.cmpi ne, %sign3A_696, %sign3A_703 : i32
      %rem3A_705 = arith.remsi %select_n3A_671, %jit3A_688 : i32
      %ne3A_706 = arith.constant 0 : i32
      %ne3A_707 = arith.cmpi ne, %rem3A_705, %ne3A_706 : i32
      %and3A_708 = arith.andi %ne3A_704, %ne3A_707 : i1
      %sub3A_709 = arith.constant 1 : i32
      %sub3A_710 = arith.subi %div3A_689, %sub3A_709 : i32
      %select_n3A_711 = arith.select %and3A_708, %sub3A_710, %div3A_689 : i32
      %mul3A_712 = arith.constant 8 : i32
      %mul3A_713 = arith.muli %select_n3A_711, %mul3A_712 : i32
      %mul3A_714 = arith.constant 2 : i32
      %mul3A_715 = arith.muli %select_n3A_687, %mul3A_714 : i32
      %add3A_716 = arith.addi %mul3A_713, %mul3A_715 : i32
      %jit3A_717 = arith.constant 32 : i32
      %eq3A_718 = arith.constant 0 : i32
      %eq3A_719 = arith.cmpi eq, %jit3A_717, %eq3A_718 : i32
      %jit3A_720 = arith.constant 1 : i32
      %select_n3A_721 = arith.select %eq3A_719, %jit3A_720, %jit3A_717 : i32
      %rem3A_722 = arith.remsi %select_n3A_671, %select_n3A_721 : i32
      %ne3A_723 = arith.constant 0 : i32
      %ne3A_724 = arith.cmpi ne, %rem3A_722, %ne3A_723 : i32
      %lt3A_725 = arith.constant 0 : i32
      %lt3A_726 = arith.cmpi slt, %rem3A_722, %lt3A_725 : i32
      %lt3A_727 = arith.constant 0 : i32
      %lt3A_728 = arith.cmpi slt, %select_n3A_721, %lt3A_727 : i32
      %ne3A_729 = arith.xori %lt3A_726, %lt3A_728 : i1
      %and3A_730 = arith.andi %ne3A_729, %ne3A_724 : i1
      %add3A_731 = arith.addi %rem3A_722, %select_n3A_721 : i32
      %select_n3A_732 = arith.select %and3A_730, %add3A_731, %rem3A_722 : i32
      %add3A_733 = arith.constant 0 : i32
      %add3A_734 = arith.addi %add3A_716, %add3A_733 : i32
      %dma_start3A_735 = arith.constant 0 : i32
      %dma_start3A_736 = arith.constant 0 : i32
      %dma_start3A_737 = arith.constant 0 : i32
      %dma_start3A_738 = tpu.memref_slice %arg11[%dma_start3A_735, %dma_start3A_736, %dma_start3A_737] : memref<8x8x257xf32, #tpu.memory_space<vmem>> -> memref<8x8x128xf32, #tpu.memory_space<vmem>>
      %dma_start3A_739 = arith.constant 0 : i32
      %dma_start3A_740 = arith.constant 0 : i32
      %dma_start3A_741 = arith.constant 0 : i32
      %dma_start3A_742 = tpu.memref_slice %arg5[%add3A_734, %dma_start3A_739, %select_n3A_732, %dma_start3A_740, %dma_start3A_741] : memref<200x8x32x8x128xf32, #tpu.memory_space<hbm>> -> memref<1x8x1x8x128xf32, #tpu.memory_space<hbm>>
      %dma_start3A_743 = tpu.memref_squeeze %dma_start3A_742 : memref<1x8x1x8x128xf32, #tpu.memory_space<hbm>> -> memref<8x8x128xf32, #tpu.memory_space<hbm>>
      %dma_start3A_744 = arith.constant 0 : i32
      %dma_start3A_745 = arith.constant 0 : i32
      %dma_start3A_746 = arith.constant 0 : i32
      %dma_start3A_747 = tpu.memref_slice %arg5[%add3A_734, %dma_start3A_744, %select_n3A_732, %dma_start3A_745, %dma_start3A_746] : memref<200x8x32x8x128xf32, #tpu.memory_space<hbm>> -> memref<1x8x1x8x128xf32, #tpu.memory_space<hbm>>
      %dma_start3A_748 = tpu.memref_squeeze %dma_start3A_747 : memref<1x8x1x8x128xf32, #tpu.memory_space<hbm>> -> memref<8x8x128xf32, #tpu.memory_space<hbm>>
      %dma_start3A_749 = arith.constant 0 : i32
      %dma_start3A_750 = arith.constant 0 : i32
      %dma_start3A_751 = arith.constant 0 : i32
      %dma_start3A_752 = tpu.memref_slice %arg11[%dma_start3A_749, %dma_start3A_750, %dma_start3A_751] : memref<8x8x257xf32, #tpu.memory_space<vmem>> -> memref<8x8x128xf32, #tpu.memory_space<vmem>>
      tpu.enqueue_dma source(%dma_start3A_752 : memref<8x8x128xf32, #tpu.memory_space<vmem>>) target(%dma_start3A_748 : memref<8x8x128xf32, #tpu.memory_space<hbm>>) target_semaphore(%arg15 : memref<!tpu.dma_semaphore, #tpu.memory_space<semaphore_mem>>)
      %add3A_753 = arith.constant 1 : i32
      %add3A_754 = arith.addi %add3A_716, %add3A_753 : i32
      %dma_start3A_755 = arith.constant 0 : i32
      %dma_start3A_756 = arith.constant 0 : i32
      %dma_start3A_757 = arith.constant 128 : i32
      %dma_start3A_758 = tpu.memref_slice %arg11[%dma_start3A_755, %dma_start3A_756, %dma_start3A_757] : memref<8x8x257xf32, #tpu.memory_space<vmem>> -> memref<8x8x128xf32, #tpu.memory_space<vmem>>
      %dma_start3A_759 = arith.constant 0 : i32
      %dma_start3A_760 = arith.constant 0 : i32
      %dma_start3A_761 = arith.constant 0 : i32
      %dma_start3A_762 = tpu.memref_slice %arg5[%add3A_754, %dma_start3A_759, %select_n3A_732, %dma_start3A_760, %dma_start3A_761] : memref<200x8x32x8x128xf32, #tpu.memory_space<hbm>> -> memref<1x8x1x8x128xf32, #tpu.memory_space<hbm>>
      %dma_start3A_763 = tpu.memref_squeeze %dma_start3A_762 : memref<1x8x1x8x128xf32, #tpu.memory_space<hbm>> -> memref<8x8x128xf32, #tpu.memory_space<hbm>>
      %dma_start3A_764 = arith.constant 0 : i32
      %dma_start3A_765 = arith.constant 0 : i32
      %dma_start3A_766 = arith.constant 0 : i32
      %dma_start3A_767 = tpu.memref_slice %arg5[%add3A_754, %dma_start3A_764, %select_n3A_732, %dma_start3A_765, %dma_start3A_766] : memref<200x8x32x8x128xf32, #tpu.memory_space<hbm>> -> memref<1x8x1x8x128xf32, #tpu.memory_space<hbm>>
      %dma_start3A_768 = tpu.memref_squeeze %dma_start3A_767 : memref<1x8x1x8x128xf32, #tpu.memory_space<hbm>> -> memref<8x8x128xf32, #tpu.memory_space<hbm>>
      %dma_start3A_769 = arith.constant 0 : i32
      %dma_start3A_770 = arith.constant 0 : i32
      %dma_start3A_771 = arith.constant 128 : i32
      %dma_start3A_772 = tpu.memref_slice %arg11[%dma_start3A_769, %dma_start3A_770, %dma_start3A_771] : memref<8x8x257xf32, #tpu.memory_space<vmem>> -> memref<8x8x128xf32, #tpu.memory_space<vmem>>
      tpu.enqueue_dma source(%dma_start3A_772 : memref<8x8x128xf32, #tpu.memory_space<vmem>>) target(%dma_start3A_768 : memref<8x8x128xf32, #tpu.memory_space<hbm>>) target_semaphore(%arg15 : memref<!tpu.dma_semaphore, #tpu.memory_space<semaphore_mem>>)
    }
    %scan3A_160 = arith.constant 50 : i32
    %dma_wait3A = arith.constant 0 : i32
    %dma_wait3A_161 = arith.constant 0 : i32
    %dma_wait3A_162 = arith.constant 0 : i32
    %dma_wait3A_163 = arith.constant 0 : i32
    %dma_wait3A_164 = arith.constant 0 : i32
    %dma_wait3A_165 = tpu.memref_slice %arg10[%dma_wait3A_162, %dma_wait3A_163, %dma_wait3A_164] : memref<8x8x257xf32, #tpu.memory_space<vmem>> -> memref<8x8x128xf32, #tpu.memory_space<vmem>>
    %dma_wait3A_166 = arith.constant 0 : i32
    %dma_wait3A_167 = arith.constant 0 : i32
    %dma_wait3A_168 = arith.constant 0 : i32
    %dma_wait3A_169 = tpu.memref_slice %arg5[%dma_wait3A, %dma_wait3A_166, %dma_wait3A_161, %dma_wait3A_167, %dma_wait3A_168] : memref<200x8x32x8x128xf32, #tpu.memory_space<hbm>> -> memref<1x8x1x8x128xf32, #tpu.memory_space<hbm>>
    %dma_wait3A_170 = tpu.memref_squeeze %dma_wait3A_169 : memref<1x8x1x8x128xf32, #tpu.memory_space<hbm>> -> memref<8x8x128xf32, #tpu.memory_space<hbm>>
    %dma_wait3A_171 = arith.constant 0 : i32
    %dma_wait3A_172 = arith.constant 0 : i32
    %dma_wait3A_173 = arith.constant 0 : i32
    %dma_wait3A_174 = tpu.memref_slice %arg5[%dma_wait3A, %dma_wait3A_171, %dma_wait3A_161, %dma_wait3A_172, %dma_wait3A_173] : memref<200x8x32x8x128xf32, #tpu.memory_space<hbm>> -> memref<1x8x1x8x128xf32, #tpu.memory_space<hbm>>
    %dma_wait3A_175 = tpu.memref_squeeze %dma_wait3A_174 : memref<1x8x1x8x128xf32, #tpu.memory_space<hbm>> -> memref<8x8x128xf32, #tpu.memory_space<hbm>>
    %dma_wait3A_176 = arith.constant 0 : i32
    %dma_wait3A_177 = arith.constant 0 : i32
    %dma_wait3A_178 = arith.constant 0 : i32
    %dma_wait3A_179 = tpu.memref_slice %arg10[%dma_wait3A_176, %dma_wait3A_177, %dma_wait3A_178] : memref<8x8x257xf32, #tpu.memory_space<vmem>> -> memref<8x8x128xf32, #tpu.memory_space<vmem>>
    tpu.wait_dma2 semaphore(%arg14 : memref<!tpu.dma_semaphore, #tpu.memory_space<semaphore_mem>>) src(%dma_wait3A_179 : memref<8x8x128xf32, #tpu.memory_space<vmem>>) dst(%dma_wait3A_175 : memref<8x8x128xf32, #tpu.memory_space<hbm>>)
    %dma_wait3A_180 = arith.constant 0 : i32
    %dma_wait3A_181 = arith.constant 0 : i32
    %dma_wait3A_182 = arith.constant 0 : i32
    %dma_wait3A_183 = arith.constant 0 : i32
    %dma_wait3A_184 = arith.constant 128 : i32
    %dma_wait3A_185 = tpu.memref_slice %arg10[%dma_wait3A_182, %dma_wait3A_183, %dma_wait3A_184] : memref<8x8x257xf32, #tpu.memory_space<vmem>> -> memref<8x8x128xf32, #tpu.memory_space<vmem>>
    %dma_wait3A_186 = arith.constant 0 : i32
    %dma_wait3A_187 = arith.constant 0 : i32
    %dma_wait3A_188 = arith.constant 0 : i32
    %dma_wait3A_189 = tpu.memref_slice %arg5[%dma_wait3A_180, %dma_wait3A_186, %dma_wait3A_181, %dma_wait3A_187, %dma_wait3A_188] : memref<200x8x32x8x128xf32, #tpu.memory_space<hbm>> -> memref<1x8x1x8x128xf32, #tpu.memory_space<hbm>>
    %dma_wait3A_190 = tpu.memref_squeeze %dma_wait3A_189 : memref<1x8x1x8x128xf32, #tpu.memory_space<hbm>> -> memref<8x8x128xf32, #tpu.memory_space<hbm>>
    %dma_wait3A_191 = arith.constant 0 : i32
    %dma_wait3A_192 = arith.constant 0 : i32
    %dma_wait3A_193 = arith.constant 0 : i32
    %dma_wait3A_194 = tpu.memref_slice %arg5[%dma_wait3A_180, %dma_wait3A_191, %dma_wait3A_181, %dma_wait3A_192, %dma_wait3A_193] : memref<200x8x32x8x128xf32, #tpu.memory_space<hbm>> -> memref<1x8x1x8x128xf32, #tpu.memory_space<hbm>>
    %dma_wait3A_195 = tpu.memref_squeeze %dma_wait3A_194 : memref<1x8x1x8x128xf32, #tpu.memory_space<hbm>> -> memref<8x8x128xf32, #tpu.memory_space<hbm>>
    %dma_wait3A_196 = arith.constant 0 : i32
    %dma_wait3A_197 = arith.constant 0 : i32
    %dma_wait3A_198 = arith.constant 128 : i32
    %dma_wait3A_199 = tpu.memref_slice %arg10[%dma_wait3A_196, %dma_wait3A_197, %dma_wait3A_198] : memref<8x8x257xf32, #tpu.memory_space<vmem>> -> memref<8x8x128xf32, #tpu.memory_space<vmem>>
    tpu.wait_dma2 semaphore(%arg14 : memref<!tpu.dma_semaphore, #tpu.memory_space<semaphore_mem>>) src(%dma_wait3A_199 : memref<8x8x128xf32, #tpu.memory_space<vmem>>) dst(%dma_wait3A_195 : memref<8x8x128xf32, #tpu.memory_space<hbm>>)
    %dma_wait3A_200 = arith.constant 0 : i32
    %dma_wait3A_201 = arith.constant 0 : i32
    %dma_wait3A_202 = arith.constant 0 : i32
    %dma_wait3A_203 = arith.constant 0 : i32
    %dma_wait3A_204 = arith.constant 0 : i32
    %dma_wait3A_205 = tpu.memref_slice %arg11[%dma_wait3A_202, %dma_wait3A_203, %dma_wait3A_204] : memref<8x8x257xf32, #tpu.memory_space<vmem>> -> memref<8x8x128xf32, #tpu.memory_space<vmem>>
    %dma_wait3A_206 = arith.constant 0 : i32
    %dma_wait3A_207 = arith.constant 0 : i32
    %dma_wait3A_208 = arith.constant 0 : i32
    %dma_wait3A_209 = tpu.memref_slice %arg5[%dma_wait3A_200, %dma_wait3A_206, %dma_wait3A_201, %dma_wait3A_207, %dma_wait3A_208] : memref<200x8x32x8x128xf32, #tpu.memory_space<hbm>> -> memref<1x8x1x8x128xf32, #tpu.memory_space<hbm>>
    %dma_wait3A_210 = tpu.memref_squeeze %dma_wait3A_209 : memref<1x8x1x8x128xf32, #tpu.memory_space<hbm>> -> memref<8x8x128xf32, #tpu.memory_space<hbm>>
    %dma_wait3A_211 = arith.constant 0 : i32
    %dma_wait3A_212 = arith.constant 0 : i32
    %dma_wait3A_213 = arith.constant 0 : i32
    %dma_wait3A_214 = tpu.memref_slice %arg5[%dma_wait3A_200, %dma_wait3A_211, %dma_wait3A_201, %dma_wait3A_212, %dma_wait3A_213] : memref<200x8x32x8x128xf32, #tpu.memory_space<hbm>> -> memref<1x8x1x8x128xf32, #tpu.memory_space<hbm>>
    %dma_wait3A_215 = tpu.memref_squeeze %dma_wait3A_214 : memref<1x8x1x8x128xf32, #tpu.memory_space<hbm>> -> memref<8x8x128xf32, #tpu.memory_space<hbm>>
    %dma_wait3A_216 = arith.constant 0 : i32
    %dma_wait3A_217 = arith.constant 0 : i32
    %dma_wait3A_218 = arith.constant 0 : i32
    %dma_wait3A_219 = tpu.memref_slice %arg11[%dma_wait3A_216, %dma_wait3A_217, %dma_wait3A_218] : memref<8x8x257xf32, #tpu.memory_space<vmem>> -> memref<8x8x128xf32, #tpu.memory_space<vmem>>
    tpu.wait_dma2 semaphore(%arg15 : memref<!tpu.dma_semaphore, #tpu.memory_space<semaphore_mem>>) src(%dma_wait3A_219 : memref<8x8x128xf32, #tpu.memory_space<vmem>>) dst(%dma_wait3A_215 : memref<8x8x128xf32, #tpu.memory_space<hbm>>)
    %dma_wait3A_220 = arith.constant 0 : i32
    %dma_wait3A_221 = arith.constant 0 : i32
    %dma_wait3A_222 = arith.constant 0 : i32
    %dma_wait3A_223 = arith.constant 0 : i32
    %dma_wait3A_224 = arith.constant 128 : i32
    %dma_wait3A_225 = tpu.memref_slice %arg11[%dma_wait3A_222, %dma_wait3A_223, %dma_wait3A_224] : memref<8x8x257xf32, #tpu.memory_space<vmem>> -> memref<8x8x128xf32, #tpu.memory_space<vmem>>
    %dma_wait3A_226 = arith.constant 0 : i32
    %dma_wait3A_227 = arith.constant 0 : i32
    %dma_wait3A_228 = arith.constant 0 : i32
    %dma_wait3A_229 = tpu.memref_slice %arg5[%dma_wait3A_220, %dma_wait3A_226, %dma_wait3A_221, %dma_wait3A_227, %dma_wait3A_228] : memref<200x8x32x8x128xf32, #tpu.memory_space<hbm>> -> memref<1x8x1x8x128xf32, #tpu.memory_space<hbm>>
    %dma_wait3A_230 = tpu.memref_squeeze %dma_wait3A_229 : memref<1x8x1x8x128xf32, #tpu.memory_space<hbm>> -> memref<8x8x128xf32, #tpu.memory_space<hbm>>
    %dma_wait3A_231 = arith.constant 0 : i32
    %dma_wait3A_232 = arith.constant 0 : i32
    %dma_wait3A_233 = arith.constant 0 : i32
    %dma_wait3A_234 = tpu.memref_slice %arg5[%dma_wait3A_220, %dma_wait3A_231, %dma_wait3A_221, %dma_wait3A_232, %dma_wait3A_233] : memref<200x8x32x8x128xf32, #tpu.memory_space<hbm>> -> memref<1x8x1x8x128xf32, #tpu.memory_space<hbm>>
    %dma_wait3A_235 = tpu.memref_squeeze %dma_wait3A_234 : memref<1x8x1x8x128xf32, #tpu.memory_space<hbm>> -> memref<8x8x128xf32, #tpu.memory_space<hbm>>
    %dma_wait3A_236 = arith.constant 0 : i32
    %dma_wait3A_237 = arith.constant 0 : i32
    %dma_wait3A_238 = arith.constant 128 : i32
    %dma_wait3A_239 = tpu.memref_slice %arg11[%dma_wait3A_236, %dma_wait3A_237, %dma_wait3A_238] : memref<8x8x257xf32, #tpu.memory_space<vmem>> -> memref<8x8x128xf32, #tpu.memory_space<vmem>>
    tpu.wait_dma2 semaphore(%arg15 : memref<!tpu.dma_semaphore, #tpu.memory_space<semaphore_mem>>) src(%dma_wait3A_239 : memref<8x8x128xf32, #tpu.memory_space<vmem>>) dst(%dma_wait3A_235 : memref<8x8x128xf32, #tpu.memory_space<hbm>>)
    return
  }
}

</mosaic_0001>

<sc_bundles>
// kernel: _embed.3.cloned.1.call-start
scs
__scs_entry_jumppad:
0x0: {  	(pc) =	sbr.rel $0x88, $3  }
0x1: {  	(tag) =	ssettag $0x0;
	lr =	simm.s32 $0x1  }
0x2: {  	[smem:$0x3F9E] =	sst lr;
	_ =	strace $0xD0000000  }
0x3: {  	_ = 	snop  }
0x4: {  	_ = 	snop  }
0x5: {  	_ = 	snop  }
0x6: {  	_ = 	snop  }
0x7: {  	_ = 	snop  }
__scs_overlays_trampoline_lowered:
0x8: {  	[smem:$0x3FAD] =	sst s0  }
0x9: {  	[smem:$0x3FAE] =	sst s1  }
0xa: {  	[smem:$0x3FAF] =	sst s2  }
0xb: {  	[smem:$0x3FB0] =	sst s3  }
0xc: {  	[smem:$0x3FB1] =	sst s4  }
0xd: {  	[smem:$0x3FB2] =	sst s5  }
0xe: {  	[smem:$0x3FB3] =	sst s6  }
0xf: {  	[smem:$0x3FB4] =	sst s7  }
0x10: {  	[smem:$0x3FB5] =	sst s8  }
0x11: {  	[smem:$0x3FB6] =	sst s9;
	s0 =	simm.s32 @!p0 $0x0  }
0x12: {  	s1 =	sld [smem:$0x3F9C];
	s0 =	simm.s32 @p0 $0x1  }
0x13: {  	[smem:$0x3FB7] =	sst s0;
	s0 =	simm.s32 @!p1 $0x0  }
0x14: {  	s2 =	sld [smem:$0x3F9B];
	s0 =	simm.s32 @p1 $0x1  }
0x15: {  	[smem:$0x3FB8] =	sst s0;
	s0 =	simm.s32 @!p2 $0x0  }
0x16: {  	s3 =	sld [smem:$0x3FDB];
	s0 =	simm.s32 @p2 $0x1  }
0x17: {  	s4 =	simm.s32 $0x1BF5;
	[smem:$0x3FBA] =	sst s0  }
0x18: {  	s0 =	sld [smem:$0x3F9D];
	_ =	swait.ge [sflag:s4], $0x0  }
0x19: {  	s7 =	sld [smem:$0x3F9E]  }
0x1a: {  	s8 =	sadd.s32 $0xFFFFE003, lr  }
0x1b: {  	s9 =	sadd.s32 $0xFFFFFEF7, lr;
	s5 =	simm.s32 $0xFFFFFFFF;
	p2 =	slt.u32 s8, $0xFFFFF086  }
0x1c: {  	p1 =	slt.u32 s9, $0xF7A;
	s5 =	simm.s32 @!p2 $0x0  }
0x1d: {  	s5 =	simm.s32 @p1 $0x1;
	p0 =	seq.s32 s7, s2  }
0x1e: {  	s7 =	smul.u32 @!p0 $0xF7A, s2;
	p2 =	seq.s32 @!p0 s5, $0x0  }
0x1f: {  	s9 =	smul.u32 $0xF7A, s1;
	s8 =	simm.s32 @!p0 $0x1BF5;
	p2 =	por !p2, p0  }
0x20: {  	[sflag:s8] =	ssyncset.s32 @!p0 $0xFFFFF086;
	s6 =	sadd.s32 @!p0 s3, s7;
	s7 =	simm.s32 @!p0 $0x108  }
0x21: {  	s3 =	sadd.s32 s3, s9;
	s6 =	sadd.s32 @!p0 $0x88, s6;
	s7 =	simm.s32 @p2 $0x1082  }
0x22: {  	[simem:s7], [sflag:s8] =	dma.local @!p0 [hbm:s6], $0xF7A  }
0x23: {  	s9 =	sor.u32 $0xD0000000, s2;
	s6 =	simm.s32 $0x108;
	_ =	swait.ge @!p0 [sflag:s8], $0x0  }
0x24: {  	s3 =	sadd.s32 $0x88, s3;
	s6 =	simm.s32 @!p1 $0x1082;
	[sflag:s4] =	ssyncset.s32 $0xFFFFF086  }
0x25: {  	[simem:s6], [sflag:s4] =	dma.local [hbm:s3], $0xF7A  }
0x26: {  	[smem:$0x3F9E] =	sst s1;
	(tag) =	ssettag s2;
	_ =	strace s9  }
0x27: {  	s1 =	sld [smem:$0x3FAE]  }
0x28: {  	s2 =	sld [smem:$0x3FAF]  }
0x29: {  	s4 =	sld [smem:$0x3FB1]  }
0x2a: {  	p0 =	seq.s32 s5, $0x0;
	s5 =	sld [smem:$0x3FB2]  }
0x2b: {  	s6 =	sld [smem:$0x3FB3]  }
0x2c: {  	s7 =	sld [smem:$0x3FB4]  }
0x2d: {  	s3 =	simm.s32 $0x108;
	s8 =	sld [smem:$0x3FB5]  }
0x2e: {  	s3 =	simm.s32 @!p0 $0x1082;
	s9 =	sld [smem:$0x3FB6]  }
0x2f: {  	lr =	sadd.s32 s0, s3;
	s0 =	sld [smem:$0x3FAD]  }
0x30: {  	s3 =	sld [smem:$0x3FB0]  }
0x31: {  	[smem:$0x3FB9] =	sst s10  }
0x32: {  	s10 =	sld [smem:$0x3FB7];
	_ =	sdelay $0x3  }
0x33: {  	p0 =	seq.s32 s10, $0x1;
	s10 =	sld [smem:$0x3FB9];
	_ =	sdelay $0x3  }
0x34: {  	[smem:$0x3FB9] =	sst s10  }
0x35: {  	s10 =	sld [smem:$0x3FB8];
	_ =	sdelay $0x3  }
0x36: {  	p1 =	seq.s32 s10, $0x1;
	s10 =	sld [smem:$0x3FB9];
	_ =	sdelay $0x3  }
0x37: {  	[smem:$0x3FB9] =	sst s10  }
0x38: {  	s10 =	sld [smem:$0x3FBA]  }
0x39: {  	_ = 	snop;
	(pc) =	sbr.ind lr, $3  }
0x3a: {  	_ = 	snop  }
0x3b: {  	_ = 	snop  }
0x3c: {  	p2 =	seq.s32 s10, $0x1;
	s10 =	sld [smem:$0x3FB9]  }
0x3d: {  	_ =	shalt  }
0x3e: {  	_ =	shalt  }
0x3f: {  	_ =	shalt  }
0x40: {  	_ =	shalt  }
0x41: {  	_ =	shalt  }
0x42: {  	_ =	shalt  }
0x43: {  	_ =	shalt  }
0x44: {  	_ =	shalt  }
0x45: {  	_ =	shalt  }
0x46: {  	_ =	shalt  }
0x47: {  	_ =	shalt  }
0x48: {  	_ =	shalt  }
0x49: {  	_ =	shalt  }
0x4a: {  	_ =	shalt  }
0x4b: {  	_ =	shalt  }
0x4c: {  	_ =	shalt  }
0x4d: {  	_ =	shalt  }
0x4e: {  	_ =	shalt  }
0x4f: {  	_ =	shalt  }
0x50: {  	_ =	shalt  }
0x51: {  	_ =	shalt  }
0x52: {  	_ =	shalt  }
0x53: {  	_ =	shalt  }
0x54: {  	_ =	shalt  }
0x55: {  	_ =	shalt  }
0x56: {  	_ =	shalt  }
0x57: {  	_ =	shalt  }
0x58: {  	_ =	shalt  }
0x59: {  	_ =	shalt  }
0x5a: {  	_ =	shalt  }
0x5b: {  	_ =	shalt  }
0x5c: {  	_ =	shalt  }
0x5d: {  	_ =	shalt  }
0x5e: {  	_ =	shalt  }
0x5f: {  	_ =	shalt  }
0x60: {  	_ =	shalt  }
0x61: {  	_ =	shalt  }
0x62: {  	_ =	shalt  }
0x63: {  	_ =	shalt  }
0x64: {  	_ =	shalt  }
0x65: {  	_ =	shalt  }
0x66: {  	_ =	shalt  }
0x67: {  	_ =	shalt  }
0x68: {  	_ =	shalt  }
0x69: {  	_ =	shalt  }
0x6a: {  	_ =	shalt  }
0x6b: {  	_ =	shalt  }
0x6c: {  	_ =	shalt  }
0x6d: {  	_ =	shalt  }
0x6e: {  	_ =	shalt  }
0x6f: {  	_ =	shalt  }
0x70: {  	_ =	shalt  }
0x71: {  	_ =	shalt  }
0x72: {  	_ =	shalt  }
0x73: {  	_ =	shalt  }
0x74: {  	_ =	shalt  }
0x75: {  	_ =	shalt  }
0x76: {  	_ =	shalt  }
0x77: {  	_ =	shalt  }
0x78: {  	_ =	shalt  }
0x79: {  	_ =	shalt  }
0x7a: {  	_ =	shalt  }
0x7b: {  	_ =	shalt  }
0x7c: {  	_ =	shalt  }
0x7d: {  	_ =	shalt  }
0x7e: {  	_ =	shalt  }
0x7f: {  	_ =	shalt  }
0x80: {  	_ =	shalt  }
0x81: {  	_ =	shalt  }
0x82: {  	_ =	shalt  }
0x83: {  	_ =	shalt  }
0x84: {  	_ =	shalt  }
0x85: {  	_ =	shalt  }
0x86: {  	_ =	shalt  }
0x87: {  	_ =	shalt  }
.Lfunc_end0:
.L_simem_size_0:
called_computation_lowered:
.L_overlay_start_0:
0x88: {  	s2 =	sld [smem:$0x3FD9]  }
0x89: {  	s3 =	sld [smem:$0x3FFE];
	_ =	sdelay $0x1  }
0x8a: {  	s1 =	srdreg.scid  }
0x8b: {  	s0 =	sand.u32 $0x1, s1  }
0x8c: {  	s17 =	sshll.u32 s0, $0xA;
	s2 =	sadd.s32 s3, s2  }
0x8d: {  	s2 =	sadd.s32 s2, s17  }
0x8e: {  	[smem:$0x3FC5] =	sst s2  }
0x8f: {  	_ = 	snop  }
0x90: {  	s2 =	sld [smem:$0x3FC9]  }
0x91: {  	s18 =	sld [smem:$0x3FD0];
	(tm) =	ssettm $0x1  }
0x92: {  	s4 =	sld [smem:$0x3FFB];
	_ =	sdelay $0x3  }
0x93: {  	_ =	strace s4  }
0x94: {  	s4 =	sld [smem:$0x3FFC];
	_ =	sdelay $0x3  }
0x95: {  	_ =	strace s4  }
0x96: {  	s4 =	sld [smem:$0x3FFD];
	_ =	sdelay $0x3  }
0x97: {  	_ =	strace s4  }
0x98: {  	_ =	strace $0x8FFFFFFF  }
0x99: {  	s19 =	sld [smem:$0x3FDB];
	_ =	sdelay $0x1  }
0x9a: {  	s5 =	simm.s32 $_scs_section_size  }
0x9b: {  	s6 =	simm.s32 $_size__tile_overlayer_lowered;
	s7 =	simm.s32 $_tile_overlayer_lowered  }
0x9c: {  	s22 =	simm.s32 $0x1BFF;
	s21 =	sshll.u32 s7, $0x1;
	s4 =	sadd.s32 s5, s19  }
0x9d: {  	s8 =	simm.s32 $0x0;
	s20 =	sshll.u32 s6, $0x1;
	s6 =	sadd.s32 s21, s4  }
0x9e: {  	[timem:s8], [sflag:s22] =	dma.local [hbm:s6], s20  }
0x9f: {  	_ =	swait.ge [sflag:s22], s20  }
0xa0: {  	s5 =	ssub.s32 $0x0, s20;
	[sflag:s22] =	ssyncset.done $0x0  }
0xa1: {  	[sflag:s22] =	ssyncadd.s32 s5;
	_ =	sdelay $0x1  }
0xa2: {  	s23 =	simm.s32 $0x1B8B  }
0xa3: {  	_ =	swait.ge [sflag:s23], $0x1  }
0xa4: {  	[sflag:s23] =	ssyncset.done $0x0  }
0xa5: {  	s25 =	simm.s32 $0x1B8E;
	s24 =	sld [smem:$0x3FFE];
	[sflag:s23] =	ssyncadd.s32 $0xFFFFFFFF  }
0xa6: {  	s26 =	simm.s32 $execute0_lowered;
	[smem:$0x3FD2] =	sst s25  }
0xa7: {  	s6 =	sshll.u32 s26, $0x1;
	_ =	strace $0x80000046;
	[dreg:$0x1] =	wrdreg $0xFFFFFFFF  }
0xa8: {  	s28 =	simm.s32 $_size_execute0_lowered;
	s4 =	sadd.s32 s4, s6;
	[dreg:$0x0] =	wrdreg $0x0  }
0xa9: {  	s6 =	sshll.u32 s28, $0x1;
	[dreg:$0x2] =	wrdreg s4  }
0xaa: {  	[dreg:$0x3] =	wrdreg s6  }
0xab: {  	[dreg:$0x4] =	wrdreg $0xC0  }
0xac: {  	_ =	task [dreg:s8], $0x5FFFF  }
0xad: {  	[dreg:$0x1] =	wrdreg $0xFFFFFFFF  }
0xae: {  	[dreg:$0x0] =	wrdreg $0x60  }
0xaf: {  	[dreg:$0x2] =	wrdreg s2  }
0xb0: {  	[dreg:$0x3] =	wrdreg s24  }
0xb1: {  	[dreg:$0x4] =	wrdreg s18  }
0xb2: {  	[dreg:$0x5] =	wrdreg $0x9  }
0xb3: {  	_ =	task.clear_ibuf [dreg:s8], $0x6FFFF;
	_ =	strace $0x90000046  }
0xb4: {  	s29 =	simm.s32 $0x9;
	_ =	strace $0x80000048  }
0xb5: {  	_ =	swait.ge [sflag:s29], $0x1  }
0xb6: {  	[sflag:s29] =	ssyncadd.s32 $0xFFFFFFFF  }
0xb7: {  	_ =	strace $0x90000048  }
0xb8: {  	_ =	sfence  }
0xb9: {  	s30 =	sld [smem:$0x0];
	_ =	sdelay $0x2  }
0xba: {  	s31 =	sshll.u32 s1, $0xD;
	s1 =	sshrl.u32 s1, $0x2  }
0xbb: {  	s3 =	sand.u32 $0x4000, s31;
	s1 =	sadd.s32 s1, s30  }
0xbc: {  	s0 =	sor.u32 s3, s0;
	s1 =	sshll.u32 s1, $0x11  }
0xbd: {  	s0 =	sor.u32 s1, s0  }
0xbe: {  	s0 =	sadd.s32 $0x8F2B, s0  }
0xbf: {  	[sflag:s0] =	ssyncadd.remote.s32 $0x1  }
0xc0: {  	_ =	sfence.sel $0xFFFF  }
0xc1: {  	[dreg:$0x0] =	wrdreg $0xFFFFFFFF;
	(pc) =	sbr.abs _section_cstart, $3  }
0xc2: {  	[dreg:$0x1] =	wrdreg $0xFFFFFFFF  }
0xc3: {  	_ =	task.clear_ibuf [dreg:s8], $0x2FFFF;
	_ =	strace $0x9FFFFFFF  }
0xc4: {  	(tm) =	ssettm $0x7FFFFFFF  }
0xc5: {  	_ =	shalt  }
tec
execute0_lowered:
.L_overlay_start_1:
0x0: {  	(tag) =	ssettag $0x1  }
0x1: {  	s6 =	rddreg [dreg:$0x0]  }
0x2: {  	v0 =	vlaneseq.u32;
	s5 =	rddreg [dreg:$0x1]  }
0x3: {  	s1 =	rddreg [dreg:$0x2];
	s3 =	simm.s32 $0x0;
	v5 =	vmul.u32 $0x108, v0  }
0x4: {  	[smem:$0x7FF] =	sst s3  }
0x5: {  	s0 =	rddreg [dreg:$0x3];
	_ =	strace $0x80000047;
	v0 =	vadd.s32 $0x3183, v5;
	[tilespmem:$0x1FEE0] =	vst v5  }
0x6: {  	v6 =	vadd.s32 $0x1080, v5;
	[tilespmem:$0x1FE30] =	vst v0  }
0x7: {  	v7 =	vadd.s32 $0x2100, v5;
	[tilespmem:$0x1FE70] =	vst v6  }
0x8: {  	v2 =	vadd.s32 $0x3180, v5;
	[tilespmem:$0x1FE80] =	vst v7  }
0x9: {  	v8 =	vor.u32 $0x1, v5;
	[tilespmem:$0x1FE90] =	vst v2  }
0xa: {  	v31 =	vadd.s32 $0x1081, v5;
	[tilespmem:$0x1FEA0] =	vst v8  }
0xb: {  	v11 =	vadd.s32 $0x2101, v5;
	[tilespmem:$0x1FEB0] =	vst v31  }
0xc: {  	v20 =	vadd.s32 $0x3181, v5;
	[tilespmem:$0x1FEC0] =	vst v11  }
0xd: {  	v13 =	vor.u32 $0x2, v5;
	[tilespmem:$0x1FED0] =	vst v20  }
0xe: {  	v10 =	vor.u32 $0x4, v5;
	[tilespmem:$0x1FEF0] =	vst v13  }
0xf: {  	v24 =	vor.u32 $0x6, v5;
	[tilespmem:$0x1FF00] =	vst v10  }
0x10: {  	v29 =	vor.u32 $0x7, v5;
	[tilespmem:$0x1FF10] =	vst v24  }
0x11: {  	v32 =	vadd.s32 $0x1087, v5;
	[tilespmem:$0x1FF20] =	vst v29  }
0x12: {  	v30 =	vadd.s32 $0x3184, v5;
	[tilespmem:$0x1FF30] =	vst v32  }
0x13: {  	v25 =	vor.u32 $0x5, v5;
	[tilespmem:$0x1FF40] =	vst v30  }
0x14: {  	v17 =	vadd.s32 $0x2107, v5;
	[tilespmem:$0x1FF50] =	vst v25  }
0x15: {  	v15 =	vadd.s32 $0x2102, v5;
	[tilespmem:$0x1FF60] =	vst v17  }
0x16: {  	v23 =	vadd.s32 $0x2104, v5;
	[tilespmem:$0x1FF70] =	vst v15  }
0x17: {  	v28 =	vadd.s32 $0x3182, v5;
	[tilespmem:$0x1FF80] =	vst v23  }
0x18: {  	v27 =	vadd.s32 $0x2105, v5;
	[tilespmem:$0x1FF90] =	vst v28  }
0x19: {  	s4 =	srdreg.scid;
	s2 =	stileid.u32;
	v21 =	vadd.s32 $0x2106, v5;
	[tilespmem:$0x1FFA0] =	vst v27  }
0x1a: {  	s11 =	simm.s32 $0x100;
	s12 =	simm.s32 $0x9600;
	s13 =	simm.s32 $0xD600;
	v14 =	vadd.s32 $0x1082, v5;
	[tilespmem:$0x1FFB0] =	vst v21  }
0x1b: {  	s14 =	simm.s32 $0x1;
	s15 =	simm.s32 $0x11600;
	s16 =	simm.s32 $0x2;
	v16 =	vadd.s32 $0x1086, v5;
	[tilespmem:$0x1FFC0] =	vst v14  }
0x1c: {  	s17 =	simm.s32 $0x4;
	s18 =	simm.s32 $0x15800;
	s19 =	simm.s32 $0x3;
	v63 =	vadd.s32 $0x1085, v5;
	[tilespmem:$0x1FFD0] =	vst v16  }
0x1d: {  	s20 =	simm.s32 $0x0;
	s4 =	sand.u32 $0x1, s4;
	s7 =	sshll.u32 s2, $0x1;
	v57 =	vor.u32 $0x3, v5;
	[tilespmem:$0x1FFE0] =	vst v63  }
0x1e: {  	s8 =	ssub.s32 $0x2, s4;
	s7 =	sor.u32 s4, s7;
	s4 =	sadd.s32 $0xF42A00, s5;
	v0 =	vadd.s32 $0x3185, v5;
	[tilespmem:$0x1FFF0] =	vst v57  }
0x1f: {  	v1 =	vimm.s32 $0x0;
	vm0 =	vcmask $0x300;
	s5 =	sadd.s32 $0x600, s5;
	s9 =	sshrl.u32 s8, $0x1;
	s10 =	smul.u32 $0xC80, s7;
	[tilespmem:$0x1FE40] =	vst v0;
	v0 =	vadd.s32 $0x3186, v5  }
0x20: {  	v1 =	vsel vm0, $0x3, v1;
	s7 =	smul.u32 $0x64, s7;
	s8 =	ssub.s32 s8, s9;
	s9 =	simm.s32 $0x5;
	[tilespmem:$0x1FE50] =	vst v0;
	v0 =	vadd.s32 $0x3187, v5  }
0x21: {  	v61 =	vadd.s32 $0x1083, v5;
	v19 =	vadd.s32 $0x2103, v5;
	v62 =	vadd.s32 $0x1084, v5;
	s6 =	sadd.s32 s6, s10;
	s8 =	smax.u32 s8, $0x1;
	s10 =	simm.s32 $0x6400;
	[tilespmem:$0x1FE60] =	vst v0  }
.LBB2_1:
0x22: {  	[tilespmem:s3], [sflag:$0x5] =	stream.linear.gather [hbm4b:s6+s3], $0x6400, $0x38;
	[tilespmem:$0x19A00] =	vst v63  }
0x23: {  	_ =	swait.ge [sflag:s9], $0x6400  }
0x24: {  	[sflag:s9] =	ssyncset.done $0x0  }
0x25: {  	[sflag:s9] =	ssyncadd.s32 $0xFFFF9C00  }
0x26: {  	[tilespmem:s10], [sflag:$0x5] =	stream.linear.gather [hbm4b:s5+s3], $0x3200, $0x38;
	[tilespmem:$0x19A00] =	vst v63  }
0x27: {  	_ =	swait.ge [sflag:s9], $0x3200  }
0x28: {  	[sflag:s9] =	ssyncset.done $0x0  }
0x29: {  	s21 =	simm.s32 $0x0;
	[sflag:s9] =	ssyncadd.s32 $0xFFFFCE00  }
0x2a: {  	[tilespmem:s12], [sflag:$0x1] =	stream.indirect.gather [hbm4b:s4+s11], $0x40, s3, s11, $0xb8;
	[tilespmem:$0x19A00] =	vst v63  }
.LBB2_3:
0x2b: {  	s22 =	sshllo.u32 s21, $0x1;
	s24 =	sshll.u32 s21, $0x1  }
0x2c: {  	s30 =	sand.u32 $0x1, s21;
	s23 =	sshll.u32 s22, $0x8;
	s29 =	sadd.s32 s7, s24  }
0x2d: {  	p1 =	seq.s32 s30, $0x1;
	s23 =	sand.u32 $0x3FFFFF00, s23;
	p0 =	seq.s32 s29, $0x0  }
0x2e: {  	[tilespmem:s13], [sflag:$0x2] =	stream.indirect.gather [hbm4b:s4+s11], $0x40, s23, s11, $0xb8;
	[tilespmem:$0x19A00] =	vst v63  }
0x2f: {  	p0 =	por !p0, !p1  }
0x30: {  	s24 =	simm.s32 $0x1;
	p0 =	por !p0, !p0  }
0x31: {  	s23 =	sshrl.u32 s29, $0x2;
	s24 =	simm.s32 @!p0 $0x0  }
0x32: {  	s28 =	simm.s32 $0x1;
	s31 =	simm.s32 $0x5;
	s24 =	ssub.s32 s23, s24  }
0x33: {  	s30 =	simm.s32 $0x3;
	_ =	swait.ge [sflag:s14], $0x4000;
	s23 =	sshra.s32 s24, $0x1F  }
0x34: {  	[sflag:s14] =	ssyncset.done $0x0;
	p0 =	seq.s32 s21, $0x0;
	s23 =	sshrl.u32 s23, $0x1B  }
0x35: {  	[sflag:s14] =	ssyncadd.s32 $0xFFFFC000;
	s25 =	simm.s32 @!p0 $0x3;
	s23 =	sadd.s32 s23, s24  }
0x36: {  	v40 =	vmov s31;
	s31 =	simm.s32 $0x7;
	_ =	swait.ge @!p0 [sflag:s25], $0x2000;
	s26 =	sand.u32 $0xFFFFFFE0, s23  }
0x37: {  	p6 =	slt.s32 s24, $0x1;
	[sflag:s25] =	ssyncset.done @!p0 $0x0;
	p2 =	sne.s32 s24, s26  }
0x38: {  	v38 =	vmov s30;
	s30 =	simm.s32 $0x6;
	[sflag:s25] =	ssyncadd.s32 @!p0 $0xFFFFE000;
	p1 =	por !p6, !p2  }
0x39: {  	s29 =	simm.s32 $0x2;
	_ =	swait.ge @!p0 [sflag:s25], $0x2000;
	p1 =	por !p1, !p1  }
0x3a: {  	v43 =	vmov s31;
	v40 =	vshrl.u32 v40, $0x3;
	s23 =	sshra.s32 s23, $0x5;
	[sflag:s25] =	ssyncset.done @!p0 $0x0;
	s28 =	simm.s32 @!p1 $0x0  }
0x3b: {  	v41 =	vmov s30;
	v38 =	vshrl.u32 v38, $0x3;
	v44 =	vshrl.u32 v43, $0x3;
	[sflag:s25] =	ssyncadd.s32 @!p0 $0xFFFFE000;
	s23 =	ssub.s32 s23, s28;
	s28 =	sshll.u32 s21, $0x2  }
0x3c: {  	v40 =	vshll.u32 v40, v1;
	v37 =	vmov s29;
	v41 =	vshrl.u32 v41, $0x3;
	s25 =	simm.s32 $0x9700;
	s23 =	sshll.u32 s23, $0x3;
	s28 =	sand.u32 $0x4, s28  }
0x3d: {  	s29 =	simm.s32 $0x4;
	v38 =	vshll.u32 v38, v1;
	v58 =	vshll.u32 v44, v1;
	v40 =	vbroadcast v40, $0x0;
	v46 =	vld [tilespmem:s25+$0xC0];
	s23 =	sor.u32 s28, s23;
	s28 =	simm.s32 $0x0  }
0x3e: {  	v39 =	vmov s29;
	v37 =	vshrl.u32 v37, $0x3;
	v47 =	vld [tilespmem:s25+$0xFFFFFF00];
	v33 =	vmov s28;
	s28 =	simm.s32 $0x1  }
0x3f: {  	v45 =	vbroadcast v58, $0x0;
	v59 =	vshll.u32 v41, v1;
	v48 =	vld [tilespmem:s25+$0xFFFFFF40];
	v34 =	vmov s28;
	s28 =	sshll.u32 s23, $0x8  }
0x40: {  	v41 =	vbroadcast v38, $0x0;
	v39 =	vshrl.u32 v39, $0x3;
	v49 =	vld [tilespmem:s25+$0xFFFFFF80];
	v33 =	vshrl.u32 v33, $0x3;
	s28 =	sshra.s32 s28, $0x2  }
0x41: {  	v37 =	vshll.u32 v37, v1;
	v33 =	vshll.u32 v33, v1;
	v42 =	vshrl.u32 v34, $0x3;
	v36 =	vld [tilespmem:s28+$0x6400]  }
0x42: {  	v12 =	vbroadcast v59, $0x0;
	v60 =	vld [tilespmem:s25+$0xFFFFFFC0];
	v42 =	vshll.u32 v42, v1;
	v43 =	vbroadcast v33, $0x0  }
0x43: {  	v39 =	vshll.u32 v39, v1;
	v50 =	vadd.s32 v29, v45;
	v52 =	vld [tilespmem:s25+$0x0];
	v44 =	vbroadcast v42, $0x0  }
0x44: {  	v54 =	vld [tilespmem:s25+$0x40];
	v46 =	vmul.f32 $8.000000000e+00, v46;
	v42 =	vbroadcast v37, $0x0;
	v51 =	vadd.s32 v5, v43  }
0x45: {  	v39 =	vbroadcast v39, $0x0;
	v56 =	vld [tilespmem:s25+$0x80];
	v47 =	vmul.f32 $8.000000000e+00, v47;
	v53 =	vadd.s32 v8, v44  }
0x46: {  	v48 =	vmul.f32 $8.000000000e+00, v48;
	v35 =	vld [tilespmem:s28+$0x6410];
	v55 =	vadd.s32 v13, v42;
	v46 =	vadd.f32 v46, v36  }
0x47: {  	v26 =	vmovc v57;
	v57 =	vadd.s32 v57, v41;
	v49 =	vmul.f32 $8.000000000e+00, v49;
	v34 =	vld [tilespmem:s28+$0x6420];
	v47 =	vadd.f32 v47, v36  }
0x48: {  	v58 =	vadd.s32 v10, v39;
	v33 =	vld [tilespmem:s28+$0x6430];
	v37 =	vmul.f32 $8.000000000e+00, v60;
	v48 =	vadd.f32 v48, v36;
	[tilespmem:v50+s15+$0x0] =	vst.idx.msk $0xffff, v46  }
0x49: {  	v60 =	vmul.f32 $8.000000000e+00, v52;
	[tilespmem:v51+s15+$0x0] =	vst.idx.msk $0xffff, v47;
	v46 =	vadd.f32 v49, v36;
	v49 =	vadd.s32 v25, v40;
	v50 =	vld [tilespmem:s25+$0xD0]  }
0x4a: {  	v38 =	vmul.f32 $8.000000000e+00, v54;
	v52 =	vadd.s32 v24, v12;
	v37 =	vadd.f32 v37, v36;
	v51 =	vld [tilespmem:s25+$0xFFFFFF10];
	[tilespmem:v53+s15+$0x0] =	vst.idx.msk $0xffff, v48  }
0x4b: {  	v47 =	vmul.f32 $8.000000000e+00, v56;
	v54 =	vld [tilespmem:s25+$0xFFFFFF50];
	[tilespmem:v55+s15+$0x0] =	vst.idx.msk $0xffff, v46;
	v46 =	vadd.f32 v60, v36  }
0x4c: {  	s28 =	simm.s32 $0x8;
	[tilespmem:v57+s15+$0x0] =	vst.idx.msk $0xffff, v37;
	v60 =	vadd.f32 v38, v36;
	v55 =	vld [tilespmem:s25+$0xFFFFFF90]  }
0x4d: {  	v59 =	vmov s28;
	v56 =	vld [tilespmem:s25+$0xFFFFFFD0];
	[tilespmem:v58+s15+$0x0] =	vst.idx.msk $0xffff, v46;
	v46 =	vadd.f32 v47, v36;
	v47 =	vadd.s32 v32, v45  }
0x4e: {  	v53 =	vshrl.u32 v59, $0x3;
	v58 =	vadd.s32 v6, v43;
	v59 =	vld [tilespmem:s25+$0x10];
	[tilespmem:v49+s15+$0x0] =	vst.idx.msk $0xffff, v60;
	v37 =	vmul.f32 $8.000000000e+00, v50  }
0x4f: {  	v50 =	vmul.f32 $8.000000000e+00, v51;
	v51 =	vadd.s32 v31, v44;
	v60 =	vld [tilespmem:s25+$0x50];
	[tilespmem:v52+s15+$0x0] =	vst.idx.msk $0xffff, v46  }
0x50: {  	v52 =	vadd.s32 v14, v42;
	v46 =	vmul.f32 $8.000000000e+00, v54;
	v54 =	vld [tilespmem:s25+$0x90];
	v37 =	vadd.f32 v37, v35  }
0x51: {  	v2 =	vmovc v61;
	v22 =	vmovc v62;
	v61 =	vadd.s32 v61, v41;
	v50 =	vadd.f32 v50, v35;
	v55 =	vmul.f32 $8.000000000e+00, v55  }
0x52: {  	v62 =	vadd.s32 v62, v39;
	v56 =	vmul.f32 $8.000000000e+00, v56;
	v46 =	vadd.f32 v46, v35;
	[tilespmem:v47+s15+$0x0] =	vst.idx.msk $0xffff, v37  }
0x53: {  	[tilespmem:v58+s15+$0x0] =	vst.idx.msk $0xffff, v50;
	v37 =	vadd.f32 v55, v35;
	v38 =	vmul.f32 $8.000000000e+00, v59;
	v55 =	vld [tilespmem:s25+$0xE0]  }
0x54: {  	v50 =	vadd.s32 v63, v40;
	v58 =	vld [tilespmem:s25+$0xFFFFFF20];
	[tilespmem:v51+s15+$0x0] =	vst.idx.msk $0xffff, v46;
	v46 =	vadd.f32 v56, v35;
	v51 =	vmul.f32 $8.000000000e+00, v60  }
0x55: {  	s28 =	simm.s32 $0x9;
	v56 =	vadd.s32 v16, v12;
	v60 =	vld [tilespmem:s25+$0xFFFFFF60];
	[tilespmem:v52+s15+$0x0] =	vst.idx.msk $0xffff, v37;
	v47 =	vadd.f32 v38, v35;
	v52 =	vmul.f32 $8.000000000e+00, v54  }
0x56: {  	v48 =	vmov s28;
	s28 =	simm.s32 $0xA;
	v54 =	vld [tilespmem:s25+$0xFFFFFFA0];
	[tilespmem:v61+s15+$0x0] =	vst.idx.msk $0xffff, v46;
	v38 =	vadd.f32 v51, v35  }
0x57: {  	v57 =	vmov s28;
	v61 =	vld [tilespmem:s25+$0xFFFFFFE0];
	[tilespmem:v62+s15+$0x0] =	vst.idx.msk $0xffff, v47;
	v47 =	vadd.f32 v52, v35;
	v52 =	vadd.s32 v17, v45  }
0x58: {  	v18 =	vmovc v63;
	v62 =	vshrl.u32 v48, $0x3;
	v48 =	vadd.s32 v7, v43;
	v63 =	vld [tilespmem:s25+$0x20];
	v46 =	vmul.f32 $8.000000000e+00, v55  }
0x59: {  	[tilespmem:v50+s15+$0x0] =	vst.idx.msk $0xffff, v38;
	v50 =	vshrl.u32 v57, $0x3;
	v57 =	vadd.s32 v11, v44;
	v38 =	vmul.f32 $8.000000000e+00, v58  }
0x5a: {  	[tilespmem:v56+s15+$0x0] =	vst.idx.msk $0xffff, v47;
	v56 =	vadd.s32 v15, v42;
	v47 =	vmul.f32 $8.000000000e+00, v60;
	v46 =	vadd.f32 v46, v34  }
0x5b: {  	v55 =	vadd.f32 v38, v34;
	v54 =	vmul.f32 $8.000000000e+00, v54;
	v38 =	vadd.s32 v19, v41  }
0x5c: {  	[tilespmem:v52+s15+$0x0] =	vst.idx.msk $0xffff, v46;
	v46 =	vadd.f32 v47, v34;
	v47 =	vmul.f32 $8.000000000e+00, v61;
	v52 =	vadd.s32 v23, v39  }
0x5d: {  	[tilespmem:v48+s15+$0x0] =	vst.idx.msk $0xffff, v55;
	v48 =	vadd.f32 v54, v34;
	v54 =	vmul.f32 $8.000000000e+00, v63  }
0x5e: {  	[tilespmem:v57+s15+$0x0] =	vst.idx.msk $0xffff, v46;
	v46 =	vadd.f32 v47, v34  }
0x5f: {  	v58 =	vld [tilespmem:s25+$0x60];
	[tilespmem:v56+s15+$0x0] =	vst.idx.msk $0xffff, v48;
	v54 =	vadd.f32 v54, v34  }
0x60: {  	v60 =	vld [tilespmem:s25+$0xA0];
	[tilespmem:v38+s15+$0x0] =	vst.idx.msk $0xffff, v46  }
0x61: {  	s28 =	simm.s32 $0xB;
	v61 =	vld [tilespmem:s25+$0xF0];
	[tilespmem:v52+s15+$0x0] =	vst.idx.msk $0xffff, v54  }
0x62: {  	v0 =	vmov v25;
	v49 =	vmov s28;
	s28 =	simm.s32 $0xC;
	v17 =	vld [tilespmem:$0x1FE60]  }
0x63: {  	v25 =	vmov v27;
	v27 =	vmov v0;
	v59 =	vmov s28;
	s28 =	simm.s32 $0xD;
	v0 =	vld [tilespmem:$0x1FE90]  }
0x64: {  	v37 =	vshll.u32 v53, v1;
	v53 =	vmov s28;
	s28 =	simm.s32 $0xE;
	v57 =	vld [tilespmem:s25+$0xFFFFFF30]  }
0x65: {  	v51 =	vmov s28;
	v44 =	vadd.s32 v20, v44;
	v55 =	vadd.s32 v25, v40;
	v56 =	vld [tilespmem:s25+$0xFFFFFF70]  }
0x66: {  	v63 =	vadd.s32 v21, v12;
	v58 =	vmul.f32 $8.000000000e+00, v58;
	v48 =	vshrl.u32 v49, $0x3  }
0x67: {  	v60 =	vmul.f32 $8.000000000e+00, v60;
	v49 =	vshrl.u32 v53, $0x3;
	v45 =	vadd.s32 v17, v45  }
0x68: {  	v53 =	vadd.f32 v58, v34;
	v61 =	vmul.f32 $8.000000000e+00, v61;
	v58 =	vadd.s32 v0, v43  }
0x69: {  	v38 =	vld [tilespmem:s25+$0xFFFFFFB0];
	v52 =	vadd.f32 v60, v34;
	v54 =	vshll.u32 v62, v1;
	v62 =	vmul.f32 $8.000000000e+00, v57  }
0x6a: {  	v46 =	vshrl.u32 v51, $0x3;
	v51 =	vld [tilespmem:s25+$0xFFFFFFF0];
	[tilespmem:v55+s15+$0x0] =	vst.idx.msk $0xffff, v53;
	v56 =	vmul.f32 $8.000000000e+00, v56;
	v61 =	vadd.f32 v61, v33  }
0x6b: {  	v47 =	vshrl.u32 v59, $0x3;
	v59 =	vld [tilespmem:s25+$0x30];
	v55 =	vshll.u32 v50, v1;
	[tilespmem:v63+s15+$0x0] =	vst.idx.msk $0xffff, v52;
	v50 =	vadd.f32 v62, v33  }
0x6c: {  	v62 =	vadd.f32 v56, v33;
	v0 =	vmov v20;
	v20 =	vld [tilespmem:$0x1FE30];
	[tilespmem:v45+s15+$0x0] =	vst.idx.msk $0xffff, v61  }
0x6d: {  	v60 =	vld [tilespmem:s25+$0x70];
	[tilespmem:v58+s15+$0x0] =	vst.idx.msk $0xffff, v50  }
0x6e: {  	v4 =	vld [tilespmem:$0x1FE40];
	[tilespmem:v44+s15+$0x0] =	vst.idx.msk $0xffff, v62  }
0x6f: {  	v3 =	vld [tilespmem:$0x1FE50]  }
0x70: {  	v38 =	vmul.f32 $8.000000000e+00, v38  }
0x71: {  	v9 =	vmovc v28;
	v53 =	vadd.s32 v28, v42;
	v28 =	vmov v30;
	v63 =	vmul.f32 $8.000000000e+00, v51  }
0x72: {  	v42 =	vadd.s32 v28, v39;
	v56 =	vadd.f32 v38, v33  }
0x73: {  	v51 =	vmul.f32 $8.000000000e+00, v59;
	v52 =	vadd.f32 v63, v33;
	v43 =	vadd.s32 v20, v41  }
0x74: {  	s24 =	ssub.s32 s24, s26;
	s26 =	simm.s32 $0x10;
	s28 =	simm.s32 $0xF;
	v30 =	vmovc v2;
	v41 =	vld [tilespmem:s25+$0xB0];
	v38 =	vadd.s32 v4, v40;
	v40 =	vmul.f32 $8.000000000e+00, v60;
	v39 =	vadd.s32 v3, v12;
	v12 =	vmovc v0  }
.LBB2_4:
0x75: {  	_ = 	snop  }
0x76: {  	v44 =	vmov s28;
	s25 =	sadd.s32 $0x200, s25;
	v48 =	vshll.u32 v48, v1;
	v47 =	vshll.u32 v47, v1  }
0x77: {  	v49 =	vshll.u32 v49, v1;
	[tilespmem:v53+s15+$0x0] =	vst.idx.msk $0xffff, v56;
	v45 =	vadd.f32 v51, v33;
	v57 =	vld [tilespmem:s25+$0xC0];
	v44 =	vshrl.u32 v44, $0x3  }
0x78: {  	[tilespmem:v43+s15+$0x0] =	vst.idx.msk $0xffff, v52;
	v58 =	vld [tilespmem:s25+$0xFFFFFF00];
	v43 =	vbroadcast v55, $0x0;
	v59 =	vshll.u32 v44, v1;
	v44 =	vbroadcast v54, $0x0  }
0x79: {  	v40 =	vadd.f32 v40, v33;
	v61 =	vld [tilespmem:s25+$0xFFFFFF40];
	[tilespmem:v42+s15+$0x0] =	vst.idx.msk $0xffff, v45;
	v45 =	vbroadcast v59, $0x0;
	v50 =	vmul.f32 $8.000000000e+00, v41  }
0x7a: {  	v46 =	vshll.u32 v46, v1;
	v42 =	vbroadcast v48, $0x0;
	v41 =	vbroadcast v37, $0x0;
	v37 =	vld [tilespmem:s25+$0xFFFFFF80]  }
0x7b: {  	v53 =	vld [tilespmem:s25+$0xFFFFFFC0];
	[tilespmem:v38+s15+$0x0] =	vst.idx.msk $0xffff, v40;
	v40 =	vbroadcast v47, $0x0;
	v47 =	vadd.s32 v29, v45;
	v60 =	vadd.f32 v50, v33  }
0x7c: {  	v38 =	vbroadcast v49, $0x0;
	v54 =	vld [tilespmem:s25+$0x0];
	v48 =	vadd.s32 v5, v41;
	v49 =	vmul.f32 $8.000000000e+00, v57  }
0x7d: {  	v63 =	vadd.s32 v8, v44;
	v55 =	vld [tilespmem:s25+$0x40];
	v62 =	vmul.f32 $8.000000000e+00, v58;
	v57 =	vadd.s32 v26, v42;
	[tilespmem:v39+s15+$0x0] =	vst.idx.msk $0xffff, v60  }
0x7e: {  	v60 =	vmul.f32 $8.000000000e+00, v61;
	v61 =	vadd.s32 v13, v43;
	v49 =	vadd.f32 v49, v36;
	v56 =	vld [tilespmem:s25+$0x80]  }
0x7f: {  	v58 =	vadd.s32 v10, v40;
	v51 =	vadd.f32 v62, v36;
	v37 =	vmul.f32 $8.000000000e+00, v37  }
0x80: {  	v53 =	vmul.f32 $8.000000000e+00, v53;
	v39 =	vbroadcast v46, $0x0;
	v46 =	vadd.f32 v60, v36;
	[tilespmem:v47+s15+$0x0] =	vst.idx.msk $0xffff, v49  }
0x81: {  	v62 =	vmul.f32 $8.000000000e+00, v54;
	[tilespmem:v48+s15+$0x0] =	vst.idx.msk $0xffff, v51;
	v37 =	vadd.f32 v37, v36;
	v48 =	vadd.s32 v27, v38;
	v49 =	vld [tilespmem:s25+$0xD0]  }
0x82: {  	v59 =	vmul.f32 $8.000000000e+00, v55;
	v51 =	vld [tilespmem:s25+$0xFFFFFF10];
	[tilespmem:v63+s15+$0x0] =	vst.idx.msk $0xffff, v46;
	v63 =	vadd.f32 v53, v36;
	v53 =	vadd.s32 v24, v39  }
0x83: {  	v55 =	vld [tilespmem:s25+$0xFFFFFF50];
	[tilespmem:v61+s15+$0x0] =	vst.idx.msk $0xffff, v37;
	v61 =	vadd.f32 v62, v36;
	v62 =	vmul.f32 $8.000000000e+00, v56  }
0x84: {  	v54 =	vld [tilespmem:s25+$0xFFFFFF90];
	[tilespmem:v57+s15+$0x0] =	vst.idx.msk $0xffff, v63;
	v63 =	vadd.f32 v59, v36  }
0x85: {  	v47 =	vadd.s32 v32, v45;
	v56 =	vld [tilespmem:s25+$0xFFFFFFD0];
	[tilespmem:v58+s15+$0x0] =	vst.idx.msk $0xffff, v61;
	v37 =	vadd.f32 v62, v36  }
0x86: {  	v60 =	vmov s26;
	v58 =	vadd.s32 v6, v41;
	v59 =	vld [tilespmem:s25+$0x10];
	[tilespmem:v48+s15+$0x0] =	vst.idx.msk $0xffff, v63;
	v46 =	vmul.f32 $8.000000000e+00, v49  }
0x87: {  	v50 =	vshrl.u32 v60, $0x3;
	v49 =	vmul.f32 $8.000000000e+00, v51;
	v51 =	vadd.s32 v31, v44;
	v60 =	vld [tilespmem:s25+$0x50];
	[tilespmem:v53+s15+$0x0] =	vst.idx.msk $0xffff, v37  }
0x88: {  	v37 =	vmul.f32 $8.000000000e+00, v55;
	v53 =	vadd.s32 v14, v43;
	v46 =	vadd.f32 v46, v35;
	v55 =	vld [tilespmem:s25+$0x90]  }
0x89: {  	v61 =	vadd.s32 v30, v42;
	v49 =	vadd.f32 v49, v35;
	v54 =	vmul.f32 $8.000000000e+00, v54  }
0x8a: {  	v0 =	vld [tilespmem:$0x1FF60];
	v62 =	vadd.s32 v22, v40;
	v37 =	vadd.f32 v37, v35;
	v56 =	vmul.f32 $8.000000000e+00, v56;
	[tilespmem:v47+s15+$0x0] =	vst.idx.msk $0xffff, v46  }
0x8b: {  	[tilespmem:v58+s15+$0x0] =	vst.idx.msk $0xffff, v49;
	v46 =	vadd.f32 v54, v35;
	v47 =	vmul.f32 $8.000000000e+00, v59;
	v49 =	vadd.s32 v18, v38;
	v54 =	vld [tilespmem:s25+$0xE0]  }
0x8c: {  	v59 =	vadd.s32 v16, v39;
	v58 =	vld [tilespmem:s25+$0xFFFFFF20];
	[tilespmem:v51+s15+$0x0] =	vst.idx.msk $0xffff, v37;
	v51 =	vadd.f32 v56, v35;
	v56 =	vmul.f32 $8.000000000e+00, v60  }
0x8d: {  	v63 =	vld [tilespmem:s25+$0xFFFFFF60];
	[tilespmem:v53+s15+$0x0] =	vst.idx.msk $0xffff, v46;
	v46 =	vadd.f32 v47, v35;
	v47 =	vmul.f32 $8.000000000e+00, v55  }
0x8e: {  	s28 =	sadd.s32 $0x1, s26;
	v53 =	vld [tilespmem:s25+$0xFFFFFFA0];
	[tilespmem:v61+s15+$0x0] =	vst.idx.msk $0xffff, v51;
	v51 =	vadd.f32 v56, v35  }
0x8f: {  	v52 =	vmov s28;
	s28 =	sadd.s32 $0x2, s26;
	v56 =	vld [tilespmem:s25+$0xFFFFFFE0];
	[tilespmem:v62+s15+$0x0] =	vst.idx.msk $0xffff, v46;
	v46 =	vadd.f32 v47, v35;
	v47 =	vadd.s32 v0, v45  }
0x90: {  	v57 =	vmov s28;
	v61 =	vadd.s32 v7, v41;
	v62 =	vld [tilespmem:s25+$0x20];
	[tilespmem:v49+s15+$0x0] =	vst.idx.msk $0xffff, v51;
	v49 =	vmul.f32 $8.000000000e+00, v54  }
0x91: {  	v51 =	vshrl.u32 v57, $0x3;
	v57 =	vadd.s32 v11, v44;
	v54 =	vmul.f32 $8.000000000e+00, v58;
	v58 =	vld [tilespmem:s25+$0x60];
	[tilespmem:v59+s15+$0x0] =	vst.idx.msk $0xffff, v46  }
0x92: {  	v46 =	vmul.f32 $8.000000000e+00, v63;
	v59 =	vadd.s32 v15, v43;
	v49 =	vadd.f32 v49, v34;
	v63 =	vld [tilespmem:s25+$0xA0]  }
0x93: {  	v54 =	vadd.f32 v54, v34;
	v53 =	vmul.f32 $8.000000000e+00, v53  }
0x94: {  	v2 =	vadd.s32 v23, v40;
	s28 =	sadd.s32 $0x3, s26;
	v46 =	vadd.f32 v46, v34;
	[tilespmem:v47+s15+$0x0] =	vst.idx.msk $0xffff, v49  }
0x95: {  	v48 =	vmov s28;
	s28 =	sadd.s32 $0x4, s26;
	[tilespmem:v61+s15+$0x0] =	vst.idx.msk $0xffff, v54;
	v47 =	vadd.f32 v53, v34;
	v49 =	vmul.f32 $8.000000000e+00, v62  }
0x96: {  	v60 =	vmov s28;
	v0 =	vadd.s32 v19, v42;
	v56 =	vmul.f32 $8.000000000e+00, v56;
	v61 =	vld [tilespmem:s25+$0xF0];
	[tilespmem:v57+s15+$0x0] =	vst.idx.msk $0xffff, v46  }
0x97: {  	v62 =	vld [tilespmem:s25+$0xFFFFFF30];
	v54 =	vmul.f32 $8.000000000e+00, v58;
	[tilespmem:v59+s15+$0x0] =	vst.idx.msk $0xffff, v47;
	v58 =	vadd.f32 v49, v34;
	v59 =	vmul.f32 $8.000000000e+00, v63  }
0x98: {  	s28 =	sadd.s32 $0x5, s26;
	v37 =	vshll.u32 v50, v1;
	v53 =	vadd.s32 v25, v38;
	v46 =	vadd.f32 v56, v34;
	v57 =	vld [tilespmem:s25+$0xFFFFFF70]  }
0x99: {  	v50 =	vmov s28;
	s28 =	sadd.s32 $0x6, s26;
	v56 =	vadd.s32 v21, v39;
	[tilespmem:v2+s15+$0x0] =	vst.idx.msk $0xffff, v58;
	v2 =	vadd.f32 v59, v34;
	v59 =	vld [tilespmem:$0x1FE90]  }
0x9a: {  	v52 =	vshrl.u32 v52, $0x3;
	v55 =	vmov s28  }
0x9b: {  	v45 =	vadd.s32 v17, v45;
	v49 =	vshrl.u32 v50, $0x3;
	v50 =	vld [tilespmem:s25+$0xFFFFFFB0];
	[tilespmem:v0+s15+$0x0] =	vst.idx.msk $0xffff, v46;
	v0 =	vadd.f32 v54, v34  }
0x9c: {  	v44 =	vadd.s32 v12, v44;
	v38 =	vadd.s32 v4, v38;
	v47 =	vshrl.u32 v60, $0x3;
	v60 =	vld [tilespmem:s25+$0xFFFFFFF0]  }
0x9d: {  	v39 =	vadd.s32 v3, v39;
	v54 =	vshll.u32 v52, v1;
	v58 =	vld [tilespmem:s25+$0x30];
	[tilespmem:v53+s15+$0x0] =	vst.idx.msk $0xffff, v0;
	v0 =	vmul.f32 $8.000000000e+00, v61  }
0x9e: {  	p1 =	slt.u32 s26, $0x78;
	v61 =	vmul.f32 $8.000000000e+00, v62;
	v62 =	vld [tilespmem:s25+$0x70];
	[tilespmem:v56+s15+$0x0] =	vst.idx.msk $0xffff, v2;
	v2 =	vmul.f32 $8.000000000e+00, v57;
	v52 =	vadd.s32 v59, v41  }
.Ltmp0:
0x9f: {  	v46 =	vshrl.u32 v55, $0x3;
	v55 =	vshll.u32 v51, v1;
	v0 =	vadd.f32 v0, v33;
	(pc) =	sbr.rel @p1 .LBB2_4-.Ltmp0, $4  }
0xa0: {  	v53 =	vadd.s32 v9, v43;
	v50 =	vmul.f32 $8.000000000e+00, v50;
	v2 =	vadd.f32 v2, v33  }
0xa1: {  	v43 =	vadd.s32 v20, v42;
	v51 =	vadd.f32 v61, v33;
	v63 =	vmul.f32 $8.000000000e+00, v60;
	[tilespmem:v45+s15+$0x0] =	vst.idx.msk $0xffff, v0  }
0xa2: {  	v48 =	vshrl.u32 v48, $0x3;
	v42 =	vadd.s32 v28, v40;
	v56 =	vadd.f32 v50, v33;
	[tilespmem:v44+s15+$0x0] =	vst.idx.msk $0xffff, v2  }
0xa3: {  	s28 =	sadd.s32 $0x7, s26;
	s26 =	sadd.s32 $0x8, s26;
	v41 =	vld [tilespmem:s25+$0xB0];
	v40 =	vmul.f32 $8.000000000e+00, v62;
	[tilespmem:v52+s15+$0x0] =	vst.idx.msk $0xffff, v51;
	v51 =	vmul.f32 $8.000000000e+00, v58;
	v52 =	vadd.f32 v63, v33  }
0xa4: {  	v0 =	vmov s28  }
0xa5: {  	s25 =	sadd.s32 $0x200, s25;
	v44 =	vshll.u32 v48, v1;
	v48 =	vbroadcast v37, $0x0;
	v0 =	vshrl.u32 v0, $0x3  }
0xa6: {  	v2 =	vld [tilespmem:s25+$0xC0];
	v0 =	vshll.u32 v0, v1  }
0xa7: {  	v58 =	vshll.u32 v49, v1;
	v45 =	vld [tilespmem:s25+$0xFFFFFF00];
	[tilespmem:$0x1FDF0] =	vst v48;
	v49 =	vbroadcast v0, $0x0;
	v0 =	vbroadcast v55, $0x0  }
0xa8: {  	v57 =	vld [tilespmem:s25+$0xFFFFFF40]  }
0xa9: {  	v37 =	vshll.u32 v47, v1;
	v63 =	vbroadcast v54, $0x0;
	v54 =	vshll.u32 v46, v1;
	v47 =	vld [tilespmem:s25+$0xFFFFFF80];
	[tilespmem:$0x1FE00] =	vst v0  }
0xaa: {  	v50 =	vbroadcast v37, $0x0;
	v37 =	vbroadcast v54, $0x0;
	v59 =	vadd.s32 v29, v49;
	v55 =	vld [tilespmem:s25+$0xFFFFFFC0];
	[tilespmem:$0x1FE20] =	vst v49  }
0xab: {  	v46 =	vbroadcast v44, $0x0;
	v60 =	vadd.s32 v5, v48;
	v2 =	vmul.f32 $8.000000000e+00, v2;
	v61 =	vld [tilespmem:s25+$0x0]  }
0xac: {  	v48 =	vbroadcast v58, $0x0;
	v62 =	vadd.s32 v8, v63;
	v58 =	vmul.f32 $8.000000000e+00, v45;
	v45 =	vmovc v63;
	v63 =	vld [tilespmem:s25+$0x40];
	[tilespmem:$0x1FE10] =	vst v37  }
0xad: {  	v54 =	vmul.f32 $8.000000000e+00, v57;
	v57 =	vadd.s32 v13, v0;
	v44 =	vld [tilespmem:s25+$0x80];
	v2 =	vadd.f32 v2, v36  }
0xae: {  	v58 =	vadd.f32 v58, v36;
	v0 =	vmul.f32 $8.000000000e+00, v47;
	v47 =	vadd.s32 v26, v46  }
0xaf: {  	[tilespmem:v59+s15+$0x0] =	vst.idx.msk $0xffff, v2;
	v2 =	vadd.f32 v54, v36;
	v54 =	vmul.f32 $8.000000000e+00, v55;
	v55 =	vadd.s32 v10, v50  }
0xb0: {  	[tilespmem:v60+s15+$0x0] =	vst.idx.msk $0xffff, v58;
	v0 =	vadd.f32 v0, v36;
	v59 =	vadd.s32 v27, v48;
	v58 =	vmul.f32 $8.000000000e+00, v61  }
0xb1: {  	[tilespmem:v62+s15+$0x0] =	vst.idx.msk $0xffff, v2;
	v61 =	vmul.f32 $8.000000000e+00, v63;
	v62 =	vadd.s32 v24, v37;
	v54 =	vadd.f32 v54, v36  }
0xb2: {  	[tilespmem:v57+s15+$0x0] =	vst.idx.msk $0xffff, v0;
	v44 =	vmul.f32 $8.000000000e+00, v44;
	v63 =	vadd.f32 v58, v36  }
0xb3: {  	v60 =	vld [tilespmem:s25+$0xD0];
	[tilespmem:v47+s15+$0x0] =	vst.idx.msk $0xffff, v54;
	v54 =	vadd.f32 v61, v36  }
0xb4: {  	v2 =	vld [tilespmem:s25+$0xFFFFFF10];
	v36 =	vadd.f32 v44, v36;
	[tilespmem:v55+s15+$0x0] =	vst.idx.msk $0xffff, v63  }
0xb5: {  	v63 =	vld [tilespmem:$0x1FDF0];
	[tilespmem:v59+s15+$0x0] =	vst.idx.msk $0xffff, v54  }
0xb6: {  	v0 =	vld [tilespmem:s25+$0xFFFFFF50];
	[tilespmem:v62+s15+$0x0] =	vst.idx.msk $0xffff, v36  }
0xb7: {  	v44 =	vadd.s32 v32, v49;
	v49 =	vld [tilespmem:$0x1FE00]  }
0xb8: {  	v37 =	vld [tilespmem:s25+$0xFFFFFF90]  }
0xb9: {  	v58 =	vld [tilespmem:s25+$0xFFFFFFD0]  }
0xba: {  	v47 =	vmul.f32 $8.000000000e+00, v60;
	v57 =	vld [tilespmem:s25+$0x10];
	v55 =	vadd.s32 v6, v63  }
0xbb: {  	v2 =	vmul.f32 $8.000000000e+00, v2;
	v59 =	vadd.s32 v31, v45  }
0xbc: {  	v0 =	vmul.f32 $8.000000000e+00, v0;
	v54 =	vadd.f32 v47, v35;
	v36 =	vadd.s32 v14, v49  }
0xbd: {  	v61 =	vld [tilespmem:s25+$0x90];
	[tilespmem:v53+s15+$0x0] =	vst.idx.msk $0xffff, v56;
	v53 =	vadd.s32 v30, v46;
	v2 =	vadd.f32 v2, v35;
	v37 =	vmul.f32 $8.000000000e+00, v37  }
0xbe: {  	v60 =	vld [tilespmem:s25+$0x50];
	v0 =	vadd.f32 v0, v35;
	[tilespmem:v44+s15+$0x0] =	vst.idx.msk $0xffff, v54;
	v44 =	vadd.s32 v22, v50;
	v56 =	vmul.f32 $8.000000000e+00, v58  }
0xbf: {  	[tilespmem:v55+s15+$0x0] =	vst.idx.msk $0xffff, v2;
	v2 =	vadd.f32 v37, v35;
	v37 =	vmul.f32 $8.000000000e+00, v57  }
0xc0: {  	v62 =	vmov v46;
	[tilespmem:v59+s15+$0x0] =	vst.idx.msk $0xffff, v0;
	v0 =	vadd.f32 v56, v35  }
0xc1: {  	v46 =	vmov v48;
	v54 =	vadd.s32 v18, v48;
	v48 =	vld [tilespmem:$0x1FE10];
	[tilespmem:v36+s15+$0x0] =	vst.idx.msk $0xffff, v2;
	v2 =	vadd.f32 v37, v35  }
0xc2: {  	v61 =	vmul.f32 $8.000000000e+00, v61;
	[tilespmem:v53+s15+$0x0] =	vst.idx.msk $0xffff, v0  }
0xc3: {  	v60 =	vmul.f32 $8.000000000e+00, v60;
	v57 =	vld [tilespmem:s25+$0xFFFFFF20];
	[tilespmem:v44+s15+$0x0] =	vst.idx.msk $0xffff, v2  }
0xc4: {  	v2 =	vadd.f32 v61, v35;
	v61 =	vld [tilespmem:$0x1FF60]  }
0xc5: {  	v0 =	vadd.f32 v60, v35;
	v60 =	vld [tilespmem:$0x1FE20]  }
0xc6: {  	v55 =	vld [tilespmem:s25+$0xE0]  }
0xc7: {  	v59 =	vld [tilespmem:s25+$0xFFFFFF60];
	v58 =	vadd.s32 v16, v48  }
0xc8: {  	v37 =	vld [tilespmem:s25+$0xFFFFFFA0]  }
0xc9: {  	v53 =	vld [tilespmem:s25+$0xFFFFFFE0];
	v36 =	vadd.s32 v7, v63  }
0xca: {  	v44 =	vld [tilespmem:s25+$0x20];
	[tilespmem:v54+s15+$0x0] =	vst.idx.msk $0xffff, v0;
	v47 =	vmul.f32 $8.000000000e+00, v57;
	v35 =	vadd.s32 v61, v60  }
0xcb: {  	v51 =	vadd.f32 v51, v33;
	v0 =	vmul.f32 $8.000000000e+00, v55;
	v55 =	vadd.s32 v11, v45;
	[tilespmem:v43+s15+$0x0] =	vst.idx.msk $0xffff, v52  }
0xcc: {  	v43 =	vadd.s32 v15, v49;
	v57 =	vadd.f32 v47, v34;
	[tilespmem:v58+s15+$0x0] =	vst.idx.msk $0xffff, v2;
	v2 =	vmul.f32 $8.000000000e+00, v59  }
0xcd: {  	[tilespmem:v42+s15+$0x0] =	vst.idx.msk $0xffff, v51;
	v51 =	vadd.s32 v19, v62;
	v56 =	vld [tilespmem:s25+$0x60];
	v0 =	vadd.f32 v0, v34;
	v37 =	vmul.f32 $8.000000000e+00, v37  }
0xce: {  	v54 =	vadd.s32 v23, v50;
	v53 =	vmul.f32 $8.000000000e+00, v53;
	[tilespmem:v36+s15+$0x0] =	vst.idx.msk $0xffff, v57;
	v52 =	vld [tilespmem:s25+$0xA0];
	v2 =	vadd.f32 v2, v34  }
0xcf: {  	v58 =	vmul.f32 $8.000000000e+00, v44;
	[tilespmem:v35+s15+$0x0] =	vst.idx.msk $0xffff, v0;
	v0 =	vadd.f32 v37, v34  }
0xd0: {  	[tilespmem:v55+s15+$0x0] =	vst.idx.msk $0xffff, v2;
	v2 =	vadd.f32 v53, v34;
	v37 =	vld [tilespmem:s25+$0xF0]  }
0xd1: {  	v36 =	vadd.s32 v25, v46;
	v55 =	vld [tilespmem:s25+$0xFFFFFF70];
	[tilespmem:v43+s15+$0x0] =	vst.idx.msk $0xffff, v0;
	v0 =	vadd.f32 v58, v34  }
0xd2: {  	v59 =	vmul.f32 $8.000000000e+00, v56;
	v53 =	vadd.s32 v21, v48;
	[tilespmem:v51+s15+$0x0] =	vst.idx.msk $0xffff, v2;
	v43 =	vld [tilespmem:s25+$0xFFFFFFB0]  }
0xd3: {  	v57 =	vmul.f32 $8.000000000e+00, v52;
	v44 =	vld [tilespmem:s25+$0xFFFFFFF0];
	[tilespmem:v54+s15+$0x0] =	vst.idx.msk $0xffff, v0  }
0xd4: {  	v2 =	vadd.f32 v59, v34;
	v59 =	vld [tilespmem:$0x1FE90]  }
0xd5: {  	v41 =	vmul.f32 $8.000000000e+00, v41;
	v47 =	vmovc v50;
	v50 =	vmovc v48;
	v42 =	vld [tilespmem:s25+$0xFFFFFF30];
	v0 =	vadd.f32 v57, v34;
	v34 =	vadd.s32 v17, v60  }
0xd6: {  	v58 =	vadd.f32 v40, v33;
	v51 =	vadd.s32 v12, v45;
	v48 =	vld [tilespmem:s25+$0x30];
	[tilespmem:v36+s15+$0x0] =	vst.idx.msk $0xffff, v2;
	v2 =	vmul.f32 $8.000000000e+00, v37  }
0xd7: {  	v60 =	vadd.f32 v41, v33;
	v52 =	vld [tilespmem:s25+$0x70];
	[tilespmem:v53+s15+$0x0] =	vst.idx.msk $0xffff, v0;
	v0 =	vmul.f32 $8.000000000e+00, v55;
	v53 =	vadd.s32 v9, v49  }
0xd8: {  	v57 =	vadd.s32 v20, v62;
	[tilespmem:v38+s15+$0x0] =	vst.idx.msk $0xffff, v58;
	v54 =	vld [tilespmem:s25+$0xB0];
	v2 =	vadd.f32 v2, v33;
	v56 =	vmul.f32 $8.000000000e+00, v43  }
0xd9: {  	[tilespmem:v39+s15+$0x0] =	vst.idx.msk $0xffff, v60;
	v0 =	vadd.f32 v0, v33;
	v58 =	vmul.f32 $8.000000000e+00, v44;
	v40 =	vadd.s32 v59, v63  }
0xda: {  	v63 =	vmul.f32 $8.000000000e+00, v42;
	v59 =	vadd.s32 v28, v47;
	[tilespmem:v34+s15+$0x0] =	vst.idx.msk $0xffff, v2;
	v2 =	vadd.f32 v56, v33  }
0xdb: {  	v62 =	vadd.s32 v4, v46;
	v60 =	vmul.f32 $8.000000000e+00, v48;
	[tilespmem:v51+s15+$0x0] =	vst.idx.msk $0xffff, v0;
	v0 =	vadd.f32 v58, v33  }
0xdc: {  	s28 =	simm.s32 $0x82;
	v45 =	vadd.s32 v3, v50;
	v55 =	vadd.f32 v63, v33;
	v63 =	vmul.f32 $8.000000000e+00, v52;
	[tilespmem:v53+s15+$0x0] =	vst.idx.msk $0xffff, v2  }
0xdd: {  	v49 =	vmov s28;
	s28 =	simm.s32 $0x84;
	v2 =	vadd.f32 v60, v33;
	v46 =	vmul.f32 $8.000000000e+00, v54;
	[tilespmem:v57+s15+$0x0] =	vst.idx.msk $0xffff, v0  }
0xde: {  	s31 =	simm.s32 $0x81;
	v50 =	vmov s28;
	v0 =	vadd.f32 v63, v33;
	[tilespmem:v40+s15+$0x0] =	vst.idx.msk $0xffff, v55  }
0xdf: {  	s26 =	simm.s32 $0x80;
	s25 =	sor.u32 $0x1, s23;
	v37 =	vshrl.u32 v50, $0x3;
	v48 =	vmov s31;
	s31 =	simm.s32 $0x85;
	[tilespmem:v59+s15+$0x0] =	vst.idx.msk $0xffff, v2;
	v2 =	vadd.f32 v46, v33  }
0xe0: {  	s28 =	simm.s32 $0x86;
	s29 =	sshll.u32 s25, $0x8;
	v37 =	vshll.u32 v37, v1;
	v47 =	vmov s26;
	v51 =	vmov s31;
	[tilespmem:v62+s15+$0x0] =	vst.idx.msk $0xffff, v0  }
0xe1: {  	s29 =	sshra.s32 s29, $0x2;
	v52 =	vmov s28;
	v53 =	vshrl.u32 v49, $0x3;
	s28 =	simm.s32 $0x87;
	v38 =	vshrl.u32 v51, $0x3;
	[tilespmem:v45+s15+$0x0] =	vst.idx.msk $0xffff, v2  }
0xe2: {  	v39 =	vshrl.u32 v52, $0x3;
	v54 =	vmov s28;
	v38 =	vshll.u32 v38, v1;
	v36 =	vld [tilespmem:s29+$0x6400]  }
0xe3: {  	s26 =	simm.s32 $0xB7F0;
	v41 =	vshrl.u32 v54, $0x3;
	v58 =	vshll.u32 v39, v1;
	v0 =	vshrl.u32 v47, $0x3;
	v35 =	vld [tilespmem:s29+$0x6410]  }
0xe4: {  	s30 =	simm.s32 $0x83;
	v39 =	vbroadcast v37, $0x0;
	v33 =	vshrl.u32 v48, $0x3;
	v0 =	vshll.u32 v0, v1;
	v55 =	vld [tilespmem:s26+$0xFFFFFFD0]  }
0xe5: {  	v2 =	vmov s30;
	v56 =	vld [tilespmem:s26+$0xFFFFFE10];
	v43 =	vbroadcast v0, $0x0;
	v0 =	vshll.u32 v41, v1  }
0xe6: {  	v40 =	vshll.u32 v53, v1;
	v2 =	vshrl.u32 v2, $0x3;
	v57 =	vld [tilespmem:s26+$0xFFFFFE50];
	v45 =	vbroadcast v0, $0x0  }
0xe7: {  	v33 =	vshll.u32 v33, v1;
	v42 =	vbroadcast v40, $0x0;
	v2 =	vshll.u32 v2, v1;
	v0 =	vld [tilespmem:s26+$0xFFFFFE90]  }
0xe8: {  	v44 =	vbroadcast v33, $0x0;
	v59 =	vld [tilespmem:s26+$0xFFFFFED0];
	v41 =	vbroadcast v2, $0x0;
	v2 =	vadd.s32 v29, v45  }
0xe9: {  	v40 =	vbroadcast v38, $0x0;
	v50 =	vld [tilespmem:s26+$0xFFFFFF10];
	v37 =	vadd.s32 v5, v43;
	v46 =	vmul.f32 $8.000000000e+00, v55  }
0xea: {  	v38 =	vbroadcast v58, $0x0;
	v60 =	vld [tilespmem:s26+$0xFFFFFF50];
	v51 =	vadd.s32 v8, v44;
	v47 =	vmul.f32 $8.000000000e+00, v56  }
0xeb: {  	v62 =	vadd.s32 v13, v42;
	v54 =	vld [tilespmem:s26+$0xFFFFFF90];
	v48 =	vmul.f32 $8.000000000e+00, v57;
	v46 =	vadd.f32 v46, v36  }
0xec: {  	v34 =	vld [tilespmem:s29+$0x6420];
	v63 =	vadd.s32 v26, v41;
	v0 =	vmul.f32 $8.000000000e+00, v0;
	v47 =	vadd.f32 v47, v36  }
0xed: {  	v33 =	vld [tilespmem:s29+$0x6430];
	v49 =	vmul.f32 $8.000000000e+00, v59;
	v56 =	vadd.s32 v10, v39;
	v48 =	vadd.f32 v48, v36;
	[tilespmem:v2+s15+$0x0] =	vst.idx.msk $0xffff, v46  }
0xee: {  	v0 =	vadd.f32 v0, v36;
	[tilespmem:v37+s15+$0x0] =	vst.idx.msk $0xffff, v47;
	v2 =	vmul.f32 $8.000000000e+00, v50;
	v37 =	vadd.s32 v27, v40;
	v46 =	vld [tilespmem:s26+$0xFFFFFFE0]  }
0xef: {  	v59 =	vmul.f32 $8.000000000e+00, v60;
	v58 =	vadd.f32 v49, v36;
	[tilespmem:v51+s15+$0x0] =	vst.idx.msk $0xffff, v48;
	v50 =	vadd.s32 v24, v38;
	v47 =	vld [tilespmem:s26+$0xFFFFFE20]  }
0xf0: {  	v52 =	vld [tilespmem:s26+$0xFFFFFE60];
	[tilespmem:v62+s15+$0x0] =	vst.idx.msk $0xffff, v0;
	v0 =	vadd.f32 v2, v36;
	v2 =	vmul.f32 $8.000000000e+00, v54  }
0xf1: {  	s28 =	simm.s32 $0x88;
	[tilespmem:v63+s15+$0x0] =	vst.idx.msk $0xffff, v58;
	v62 =	vadd.f32 v59, v36;
	v53 =	vld [tilespmem:s26+$0xFFFFFEA0]  }
0xf2: {  	v60 =	vmov s28;
	v63 =	vld [tilespmem:s26+$0xFFFFFEE0];
	[tilespmem:v56+s15+$0x0] =	vst.idx.msk $0xffff, v0;
	v0 =	vadd.f32 v2, v36;
	v2 =	vadd.s32 v32, v45  }
0xf3: {  	s28 =	simm.s32 $0x89;
	v51 =	vshrl.u32 v60, $0x3;
	v56 =	vadd.s32 v6, v43;
	v57 =	vld [tilespmem:s26+$0xFFFFFF20];
	[tilespmem:v37+s15+$0x0] =	vst.idx.msk $0xffff, v62;
	v60 =	vmul.f32 $8.000000000e+00, v46  }
0xf4: {  	v49 =	vmov s28;
	v48 =	vadd.s32 v31, v44;
	v47 =	vmul.f32 $8.000000000e+00, v47;
	v58 =	vld [tilespmem:s26+$0xFFFFFF60];
	[tilespmem:v50+s15+$0x0] =	vst.idx.msk $0xffff, v0  }
0xf5: {  	v0 =	vmul.f32 $8.000000000e+00, v52;
	v50 =	vadd.s32 v14, v42;
	v52 =	vld [tilespmem:s26+$0xFFFFFFA0];
	v37 =	vadd.f32 v60, v35  }
0xf6: {  	v59 =	vadd.s32 v30, v41;
	v53 =	vmul.f32 $8.000000000e+00, v53;
	v47 =	vadd.f32 v47, v35  }
0xf7: {  	v54 =	vmul.f32 $8.000000000e+00, v63;
	v0 =	vadd.f32 v0, v35;
	v60 =	vadd.s32 v22, v39;
	[tilespmem:v2+s15+$0x0] =	vst.idx.msk $0xffff, v37  }
0xf8: {  	s28 =	simm.s32 $0x8A;
	[tilespmem:v56+s15+$0x0] =	vst.idx.msk $0xffff, v47;
	v2 =	vadd.f32 v53, v35;
	v62 =	vmul.f32 $8.000000000e+00, v57;
	v47 =	vadd.s32 v18, v40;
	v53 =	vld [tilespmem:s26+$0xFFFFFFF0]  }
0xf9: {  	v55 =	vmov s28;
	[tilespmem:v48+s15+$0x0] =	vst.idx.msk $0xffff, v0;
	v0 =	vadd.f32 v54, v35;
	v56 =	vld [tilespmem:s26+$0xFFFFFE30];
	v63 =	vmul.f32 $8.000000000e+00, v58  }
0xfa: {  	s28 =	simm.s32 $0x8B;
	v54 =	vadd.s32 v16, v38;
	v58 =	vld [tilespmem:s26+$0xFFFFFE70];
	[tilespmem:v50+s15+$0x0] =	vst.idx.msk $0xffff, v2;
	v2 =	vadd.f32 v62, v35;
	v62 =	vmul.f32 $8.000000000e+00, v52  }
0xfb: {  	v46 =	vmov s28;
	s28 =	simm.s32 $0x8C;
	v37 =	vshll.u32 v51, v1;
	[tilespmem:v59+s15+$0x0] =	vst.idx.msk $0xffff, v0;
	v52 =	vld [tilespmem:s26+$0xFFFFFEB0];
	v0 =	vadd.f32 v63, v35  }
0xfc: {  	v57 =	vmov s28;
	v50 =	vadd.s32 v61, v45;
	v48 =	vld [tilespmem:s26+$0xFFFFFEF0];
	[tilespmem:v60+s15+$0x0] =	vst.idx.msk $0xffff, v2;
	v2 =	vadd.f32 v62, v35  }
0xfd: {  	v60 =	vshrl.u32 v49, $0x3;
	v49 =	vadd.s32 v7, v43;
	v61 =	vld [tilespmem:s26+$0xFFFFFF30];
	[tilespmem:v47+s15+$0x0] =	vst.idx.msk $0xffff, v0;
	v0 =	vmul.f32 $8.000000000e+00, v53  }
0xfe: {  	v53 =	vshrl.u32 v55, $0x3;
	v63 =	vmul.f32 $8.000000000e+00, v56;
	v55 =	vadd.s32 v11, v44  }
0xff: {  	v56 =	vld [tilespmem:s26+$0xFFFFFF70];
	[tilespmem:v54+s15+$0x0] =	vst.idx.msk $0xffff, v2;
	v2 =	vmul.f32 $8.000000000e+00, v58;
	v54 =	vadd.s32 v15, v42;
	v0 =	vadd.f32 v0, v34  }
0x100: {  	v62 =	vadd.s32 v19, v41;
	v47 =	vadd.f32 v63, v34;
	v52 =	vmul.f32 $8.000000000e+00, v52  }
0x101: {  	v58 =	vld [tilespmem:s26+$0xFFFFFFB0];
	[tilespmem:v50+s15+$0x0] =	vst.idx.msk $0xffff, v0;
	v0 =	vadd.f32 v2, v34;
	v2 =	vmul.f32 $8.000000000e+00, v48;
	v50 =	vadd.s32 v23, v39  }
0x102: {  	s28 =	simm.s32 $0x8D;
	v45 =	vadd.s32 v17, v45;
	[tilespmem:v49+s15+$0x0] =	vst.idx.msk $0xffff, v47;
	v47 =	vadd.f32 v52, v34;
	v49 =	vmul.f32 $8.000000000e+00, v61;
	v61 =	vld [tilespmem:s26+$0x0]  }
0x103: {  	v51 =	vmov s28;
	v52 =	vadd.s32 v25, v40;
	[tilespmem:v55+s15+$0x0] =	vst.idx.msk $0xffff, v0;
	v0 =	vld [tilespmem:s26+$0xFFFFFE40];
	v2 =	vadd.f32 v2, v34  }
0x104: {  	s28 =	simm.s32 $0x8E;
	v48 =	vshrl.u32 v46, $0x3;
	v55 =	vmul.f32 $8.000000000e+00, v56;
	[tilespmem:v54+s15+$0x0] =	vst.idx.msk $0xffff, v47;
	v46 =	vadd.f32 v49, v34;
	v63 =	vld [tilespmem:s26+$0xFFFFFE80]  }
0x105: {  	v59 =	vmov s28;
	v44 =	vadd.s32 v12, v44;
	v56 =	vadd.s32 v21, v38;
	[tilespmem:v62+s15+$0x0] =	vst.idx.msk $0xffff, v2;
	v2 =	vld [tilespmem:s26+$0xFFFFFEC0]  }
0x106: {  	v58 =	vmul.f32 $8.000000000e+00, v58;
	v49 =	vshrl.u32 v51, $0x3;
	v51 =	vadd.f32 v55, v34;
	[tilespmem:v50+s15+$0x0] =	vst.idx.msk $0xffff, v46;
	v50 =	vld [tilespmem:s26+$0xFFFFFF00]  }
0x107: {  	v54 =	vshll.u32 v60, v1;
	v38 =	vadd.s32 v3, v38;
	v60 =	vld [tilespmem:$0x1FE90];
	v61 =	vmul.f32 $8.000000000e+00, v61  }
0x108: {  	v47 =	vshrl.u32 v57, $0x3;
	v57 =	vadd.f32 v58, v34;
	v55 =	vshll.u32 v53, v1;
	[tilespmem:v52+s15+$0x0] =	vst.idx.msk $0xffff, v51;
	v51 =	vld [tilespmem:s26+$0xFFFFFF40]  }
0x109: {  	v46 =	vshrl.u32 v59, $0x3;
	v59 =	vld [tilespmem:s26+$0xFFFFFF80];
	v62 =	vmul.f32 $8.000000000e+00, v63;
	v63 =	vadd.f32 v61, v33  }
0x10a: {  	v53 =	vadd.s32 v9, v42;
	v42 =	vadd.s32 v28, v39;
	v0 =	vmul.f32 $8.000000000e+00, v0  }
0x10b: {  	v39 =	vadd.s32 v4, v40;
	v28 =	vmovc v20;
	v2 =	vmul.f32 $8.000000000e+00, v2;
	v61 =	vadd.f32 v62, v33  }
0x10c: {  	[tilespmem:v56+s15+$0x0] =	vst.idx.msk $0xffff, v57;
	v0 =	vadd.f32 v0, v33;
	v62 =	vmul.f32 $8.000000000e+00, v50;
	v58 =	vadd.s32 v60, v43  }
0x10d: {  	[tilespmem:v45+s15+$0x0] =	vst.idx.msk $0xffff, v63;
	v43 =	vadd.s32 v20, v41;
	v56 =	vadd.f32 v2, v33;
	v63 =	vmov v27  }
0x10e: {  	v51 =	vmul.f32 $8.000000000e+00, v51;
	v20 =	vmovc v60;
	v52 =	vadd.f32 v62, v33;
	v40 =	vmul.f32 $8.000000000e+00, v59;
	v27 =	vmovc v19  }
0x10f: {  	[tilespmem:v44+s15+$0x0] =	vst.idx.msk $0xffff, v61;
	v2 =	vmovc v8;
	v8 =	vmovc v26;
	v26 =	vmov v21;
	v21 =	vmov v10;
	v61 =	vmov v18  }
0x110: {  	v18 =	vmovc v15;
	v62 =	vmovc v30;
	v30 =	vmov v16;
	v15 =	vmov v63;
	v63 =	vmov v31  }
0x111: {  	s29 =	simm.s32 $0x8F;
	s28 =	simm.s32 $0x90;
	v41 =	vld [tilespmem:s26+$0xFFFFFFC0];
	v16 =	vmovc v9;
	v9 =	vmovc v2;
	v31 =	vmov v61;
	v19 =	vmov v62;
	[tilespmem:v58+s15+$0x0] =	vst.idx.msk $0xffff, v0;
	v10 =	vmov v63  }
.LBB2_6:
0x112: {  	_ =	sdelay $0x1  }
0x113: {  	v0 =	vmov s29;
	s26 =	sadd.s32 $0x200, s26  }
0x114: {  	v48 =	vshll.u32 v48, v1;
	v47 =	vshll.u32 v47, v1;
	v49 =	vshll.u32 v49, v1;
	v50 =	vld [tilespmem:s26+$0xFFFFFFD0]  }
0x115: {  	[tilespmem:v53+s15+$0x0] =	vst.idx.msk $0xffff, v56;
	v2 =	vadd.f32 v51, v33;
	v0 =	vshrl.u32 v0, $0x3;
	v58 =	vld [tilespmem:s26+$0xFFFFFE10];
	v44 =	vmul.f32 $8.000000000e+00, v41  }
0x116: {  	[tilespmem:v43+s15+$0x0] =	vst.idx.msk $0xffff, v52;
	v40 =	vadd.f32 v40, v33;
	v59 =	vld [tilespmem:s26+$0xFFFFFE50];
	v0 =	vshll.u32 v0, v1  }
0x117: {  	v43 =	vbroadcast v55, $0x0;
	[tilespmem:v42+s15+$0x0] =	vst.idx.msk $0xffff, v2;
	v45 =	vbroadcast v0, $0x0;
	v2 =	vadd.f32 v44, v33  }
0x118: {  	v46 =	vshll.u32 v46, v1;
	[tilespmem:v39+s15+$0x0] =	vst.idx.msk $0xffff, v40;
	v0 =	vld [tilespmem:s26+$0xFFFFFE90];
	v42 =	vbroadcast v48, $0x0;
	v41 =	vbroadcast v37, $0x0  }
0x119: {  	v40 =	vbroadcast v47, $0x0;
	v47 =	vadd.s32 v29, v45;
	v44 =	vbroadcast v54, $0x0;
	[tilespmem:v38+s15+$0x0] =	vst.idx.msk $0xffff, v2;
	v2 =	vld [tilespmem:s26+$0xFFFFFED0]  }
0x11a: {  	v39 =	vbroadcast v49, $0x0;
	v52 =	vld [tilespmem:s26+$0xFFFFFF10];
	v48 =	vadd.s32 v5, v41;
	v60 =	vmul.f32 $8.000000000e+00, v50  }
0x11b: {  	v63 =	vld [tilespmem:s26+$0xFFFFFF50];
	v61 =	vmul.f32 $8.000000000e+00, v58;
	v37 =	vmul.f32 $8.000000000e+00, v59;
	v62 =	vadd.s32 v9, v44  }
0x11c: {  	v38 =	vbroadcast v46, $0x0;
	v46 =	vadd.s32 v13, v43;
	v49 =	vadd.f32 v60, v36  }
0x11d: {  	v55 =	vadd.s32 v8, v42;
	v50 =	vadd.f32 v61, v36;
	v0 =	vmul.f32 $8.000000000e+00, v0;
	v54 =	vld [tilespmem:s26+$0xFFFFFF90]  }
0x11e: {  	v56 =	vadd.s32 v21, v40;
	v37 =	vadd.f32 v37, v36;
	[tilespmem:v47+s15+$0x0] =	vst.idx.msk $0xffff, v49;
	v2 =	vmul.f32 $8.000000000e+00, v2  }
0x11f: {  	v60 =	vmul.f32 $8.000000000e+00, v52;
	v0 =	vadd.f32 v0, v36;
	[tilespmem:v48+s15+$0x0] =	vst.idx.msk $0xffff, v50;
	v48 =	vadd.s32 v15, v39;
	v49 =	vld [tilespmem:s26+$0xFFFFFFE0]  }
0x120: {  	v61 =	vmul.f32 $8.000000000e+00, v63;
	v50 =	vld [tilespmem:s26+$0xFFFFFE20];
	[tilespmem:v62+s15+$0x0] =	vst.idx.msk $0xffff, v37;
	v2 =	vadd.f32 v2, v36  }
0x121: {  	v51 =	vadd.s32 v24, v38;
	[tilespmem:v46+s15+$0x0] =	vst.idx.msk $0xffff, v0;
	v0 =	vadd.f32 v60, v36;
	v63 =	vld [tilespmem:s26+$0xFFFFFE60]  }
0x122: {  	v59 =	vmul.f32 $8.000000000e+00, v54;
	v60 =	vld [tilespmem:s26+$0xFFFFFEA0];
	[tilespmem:v55+s15+$0x0] =	vst.idx.msk $0xffff, v2;
	v2 =	vadd.f32 v61, v36  }
0x123: {  	v62 =	vmov s28;
	v46 =	vadd.s32 v32, v45;
	[tilespmem:v56+s15+$0x0] =	vst.idx.msk $0xffff, v0;
	v61 =	vld [tilespmem:s26+$0xFFFFFEE0]  }
0x124: {  	v56 =	vadd.s32 v6, v41;
	v0 =	vadd.f32 v59, v36;
	v57 =	vld [tilespmem:s26+$0xFFFFFF20];
	[tilespmem:v48+s15+$0x0] =	vst.idx.msk $0xffff, v2;
	v2 =	vmul.f32 $8.000000000e+00, v49  }
0x125: {  	v47 =	vshrl.u32 v62, $0x3;
	v62 =	vmul.f32 $8.000000000e+00, v50;
	v50 =	vadd.s32 v10, v44;
	v58 =	vld [tilespmem:s26+$0xFFFFFF60]  }
0x126: {  	[tilespmem:v51+s15+$0x0] =	vst.idx.msk $0xffff, v0;
	v51 =	vadd.s32 v14, v43;
	v0 =	vmul.f32 $8.000000000e+00, v63;
	v2 =	vadd.f32 v2, v35  }
0x127: {  	v59 =	vadd.s32 v19, v42;
	v53 =	vld [tilespmem:s26+$0xFFFFFFA0];
	v49 =	vadd.f32 v62, v35;
	v52 =	vmul.f32 $8.000000000e+00, v60  }
0x128: {  	v3 =	vld [tilespmem:$0x1FF60];
	v60 =	vadd.s32 v22, v40;
	v0 =	vadd.f32 v0, v35;
	v37 =	vmul.f32 $8.000000000e+00, v61;
	[tilespmem:v46+s15+$0x0] =	vst.idx.msk $0xffff, v2  }
0x129: {  	[tilespmem:v56+s15+$0x0] =	vst.idx.msk $0xffff, v49;
	v49 =	vadd.s32 v31, v39;
	v2 =	vadd.f32 v52, v35;
	v46 =	vmul.f32 $8.000000000e+00, v57;
	v52 =	vld [tilespmem:s26+$0xFFFFFFF0]  }
0x12a: {  	v56 =	vld [tilespmem:s26+$0xFFFFFE30];
	[tilespmem:v50+s15+$0x0] =	vst.idx.msk $0xffff, v0;
	v0 =	vadd.f32 v37, v35;
	v50 =	vmul.f32 $8.000000000e+00, v58  }
0x12b: {  	s29 =	sadd.s32 $0x1, s28;
	v57 =	vadd.s32 v30, v38;
	v61 =	vld [tilespmem:s26+$0xFFFFFE70];
	[tilespmem:v51+s15+$0x0] =	vst.idx.msk $0xffff, v2;
	v2 =	vadd.f32 v46, v35  }
0x12c: {  	v54 =	vmov s29;
	s29 =	sadd.s32 $0x2, s28;
	v63 =	vmul.f32 $8.000000000e+00, v53;
	[tilespmem:v59+s15+$0x0] =	vst.idx.msk $0xffff, v0;
	v0 =	vadd.f32 v50, v35  }
0x12d: {  	v55 =	vmov s29;
	v37 =	vshll.u32 v47, v1;
	v46 =	vadd.s32 v3, v45;
	v47 =	vld [tilespmem:s26+$0xFFFFFEB0];
	[tilespmem:v60+s15+$0x0] =	vst.idx.msk $0xffff, v2  }
0x12e: {  	v2 =	vadd.f32 v63, v35;
	v59 =	vadd.s32 v7, v41;
	v53 =	vld [tilespmem:s26+$0xFFFFFEF0];
	[tilespmem:v49+s15+$0x0] =	vst.idx.msk $0xffff, v0;
	v0 =	vmul.f32 $8.000000000e+00, v52  }
0x12f: {  	v60 =	vld [tilespmem:s26+$0xFFFFFF30];
	v52 =	vshrl.u32 v55, $0x3;
	v49 =	vmul.f32 $8.000000000e+00, v56;
	v55 =	vadd.s32 v11, v44  }
0x130: {  	[tilespmem:v57+s15+$0x0] =	vst.idx.msk $0xffff, v2;
	v2 =	vmul.f32 $8.000000000e+00, v61;
	v56 =	vld [tilespmem:s26+$0xFFFFFF70];
	v0 =	vadd.f32 v0, v34  }
0x131: {  	v57 =	vadd.s32 v18, v43;
	v61 =	vld [tilespmem:s26+$0xFFFFFFB0];
	v49 =	vadd.f32 v49, v34  }
0x132: {  	s29 =	sadd.s32 $0x3, s28;
	v62 =	vadd.s32 v27, v42;
	v47 =	vmul.f32 $8.000000000e+00, v47;
	v2 =	vadd.f32 v2, v34;
	[tilespmem:v46+s15+$0x0] =	vst.idx.msk $0xffff, v0  }
0x133: {  	v48 =	vmov s29;
	v63 =	vadd.s32 v23, v40;
	v53 =	vmul.f32 $8.000000000e+00, v53;
	[tilespmem:v59+s15+$0x0] =	vst.idx.msk $0xffff, v49  }
0x134: {  	v0 =	vadd.f32 v47, v34;
	v46 =	vmul.f32 $8.000000000e+00, v60;
	v59 =	vadd.s32 v25, v39;
	v60 =	vld [tilespmem:s26+$0x0];
	[tilespmem:v55+s15+$0x0] =	vst.idx.msk $0xffff, v2  }
0x135: {  	s29 =	sadd.s32 $0x4, s28;
	v2 =	vadd.f32 v53, v34;
	v53 =	vmul.f32 $8.000000000e+00, v56;
	v56 =	vadd.s32 v26, v38;
	v4 =	vld [tilespmem:s26+$0xFFFFFE80]  }
0x136: {  	v58 =	vmov s29;
	s29 =	sadd.s32 $0x5, s28;
	[tilespmem:v57+s15+$0x0] =	vst.idx.msk $0xffff, v0;
	v0 =	vadd.f32 v46, v34;
	v57 =	vmul.f32 $8.000000000e+00, v61  }
0x137: {  	v51 =	vmov s29;
	v3 =	vld [tilespmem:s26+$0xFFFFFE40];
	[tilespmem:v62+s15+$0x0] =	vst.idx.msk $0xffff, v2;
	v2 =	vadd.f32 v53, v34  }
0x138: {  	v45 =	vadd.s32 v17, v45;
	s29 =	sadd.s32 $0x6, s28;
	v49 =	vshrl.u32 v51, $0x3;
	v51 =	vld [tilespmem:s26+$0xFFFFFEC0];
	[tilespmem:v63+s15+$0x0] =	vst.idx.msk $0xffff, v0;
	v0 =	vadd.f32 v57, v34  }
0x139: {  	v50 =	vmov s29;
	v44 =	vadd.s32 v12, v44;
	v63 =	vld [tilespmem:$0x1FF40];
	[tilespmem:v59+s15+$0x0] =	vst.idx.msk $0xffff, v2;
	v2 =	vmul.f32 $8.000000000e+00, v60  }
0x13a: {  	v46 =	vshrl.u32 v50, $0x3;
	v50 =	vld [tilespmem:s26+$0xFFFFFF00];
	[tilespmem:v56+s15+$0x0] =	vst.idx.msk $0xffff, v0;
	v0 =	vmul.f32 $8.000000000e+00, v4  }
0x13b: {  	v62 =	vld [tilespmem:s26+$0xFFFFFF40];
	v2 =	vadd.f32 v2, v33  }
0x13c: {  	v59 =	vld [tilespmem:s26+$0xFFFFFF80];
	v0 =	vadd.f32 v0, v33  }
0x13d: {  	v54 =	vshrl.u32 v54, $0x3;
	[tilespmem:v45+s15+$0x0] =	vst.idx.msk $0xffff, v2;
	v2 =	vld [tilespmem:$0x1FE40]  }
0x13e: {  	p1 =	slt.u32 s28, $0xF8;
	v54 =	vshll.u32 v54, v1;
	v48 =	vshrl.u32 v48, $0x3;
	v61 =	vadd.s32 v20, v41;
	[tilespmem:v44+s15+$0x0] =	vst.idx.msk $0xffff, v0;
	v0 =	vld [tilespmem:$0x1FE50]  }
.Ltmp1:
0x13f: {  	v47 =	vshrl.u32 v58, $0x3;
	v55 =	vshll.u32 v52, v1;
	v3 =	vmul.f32 $8.000000000e+00, v3;
	(pc) =	sbr.rel @p1 .LBB2_6-.Ltmp1, $4  }
0x140: {  	v53 =	vadd.s32 v16, v43;
	v4 =	vmul.f32 $8.000000000e+00, v51;
	v50 =	vmul.f32 $8.000000000e+00, v50  }
0x141: {  	v43 =	vadd.s32 v28, v42;
	v3 =	vadd.f32 v3, v33;
	v42 =	vadd.s32 v63, v40  }
0x142: {  	v56 =	vadd.f32 v4, v33;
	v51 =	vmul.f32 $8.000000000e+00, v62;
	v52 =	vadd.f32 v50, v33  }
0x143: {  	s29 =	sadd.s32 $0x7, s28;
	s28 =	sadd.s32 $0x8, s28;
	v41 =	vld [tilespmem:s26+$0xFFFFFFC0];
	[tilespmem:v61+s15+$0x0] =	vst.idx.msk $0xffff, v3;
	v40 =	vmul.f32 $8.000000000e+00, v59;
	v39 =	vadd.s32 v2, v39;
	v38 =	vadd.s32 v0, v38  }
0x144: {  	v0 =	vmov s29;
	s26 =	sadd.s32 $0x200, s26  }
0x145: {  	v2 =	vld [tilespmem:s26+$0xFFFFFFD0];
	v0 =	vshrl.u32 v0, $0x3  }
0x146: {  	v3 =	vshll.u32 v48, v1;
	v48 =	vbroadcast v37, $0x0;
	v4 =	vld [tilespmem:s26+$0xFFFFFE10];
	v0 =	vshll.u32 v0, v1  }
0x147: {  	v62 =	vshll.u32 v47, v1;
	v45 =	vshll.u32 v49, v1;
	v57 =	vld [tilespmem:s26+$0xFFFFFE50];
	v50 =	vbroadcast v0, $0x0  }
0x148: {  	v49 =	vbroadcast v54, $0x0;
	v47 =	vbroadcast v55, $0x0;
	v54 =	vshll.u32 v46, v1;
	v0 =	vld [tilespmem:s26+$0xFFFFFE90]  }
0x149: {  	v55 =	vld [tilespmem:s26+$0xFFFFFED0];
	v46 =	vbroadcast v3, $0x0;
	v44 =	vbroadcast v62, $0x0;
	v3 =	vadd.s32 v29, v50  }
0x14a: {  	v59 =	vld [tilespmem:s26+$0xFFFFFF10];
	v37 =	vbroadcast v45, $0x0;
	v58 =	vadd.s32 v5, v48;
	v2 =	vmul.f32 $8.000000000e+00, v2  }
0x14b: {  	v61 =	vld [tilespmem:s26+$0xFFFFFF50];
	v45 =	vbroadcast v54, $0x0;
	v60 =	vadd.s32 v9, v49;
	v4 =	vmul.f32 $8.000000000e+00, v4  }
0x14c: {  	v62 =	vld [tilespmem:s26+$0xFFFFFF90];
	v54 =	vmul.f32 $8.000000000e+00, v57;
	v57 =	vadd.s32 v13, v47;
	v2 =	vadd.f32 v2, v36  }
0x14d: {  	v63 =	vadd.s32 v8, v46;
	v4 =	vadd.f32 v4, v36;
	v0 =	vmul.f32 $8.000000000e+00, v0  }
0x14e: {  	[tilespmem:v3+s15+$0x0] =	vst.idx.msk $0xffff, v2;
	v2 =	vadd.f32 v54, v36;
	v3 =	vmul.f32 $8.000000000e+00, v55;
	v54 =	vadd.s32 v21, v44  }
0x14f: {  	[tilespmem:v58+s15+$0x0] =	vst.idx.msk $0xffff, v4;
	v0 =	vadd.f32 v0, v36;
	v4 =	vmul.f32 $8.000000000e+00, v59;
	v55 =	vadd.s32 v15, v37;
	v58 =	vld [tilespmem:s26+$0xFFFFFFE0]  }
0x150: {  	v59 =	vmul.f32 $8.000000000e+00, v61;
	[tilespmem:v60+s15+$0x0] =	vst.idx.msk $0xffff, v2;
	v2 =	vld [tilespmem:s26+$0xFFFFFE20];
	v3 =	vadd.f32 v3, v36  }
0x151: {  	[tilespmem:v57+s15+$0x0] =	vst.idx.msk $0xffff, v0;
	v4 =	vadd.f32 v4, v36;
	v57 =	vmul.f32 $8.000000000e+00, v62;
	v0 =	vld [tilespmem:s26+$0xFFFFFE60]  }
0x152: {  	v60 =	vadd.s32 v24, v45;
	v59 =	vadd.f32 v59, v36;
	[tilespmem:v63+s15+$0x0] =	vst.idx.msk $0xffff, v3;
	v3 =	vld [tilespmem:s26+$0xFFFFFEA0]  }
0x153: {  	v63 =	vadd.f32 v57, v36;
	v36 =	vadd.s32 v32, v50;
	v61 =	vld [tilespmem:s26+$0xFFFFFEE0];
	[tilespmem:v54+s15+$0x0] =	vst.idx.msk $0xffff, v4  }
0x154: {  	v54 =	vadd.s32 v6, v48;
	[tilespmem:v55+s15+$0x0] =	vst.idx.msk $0xffff, v59;
	v57 =	vld [tilespmem:s26+$0xFFFFFF20];
	v55 =	vmul.f32 $8.000000000e+00, v58  }
0x155: {  	v32 =	vadd.s32 v10, v49;
	v2 =	vmul.f32 $8.000000000e+00, v2  }
0x156: {  	[tilespmem:v53+s15+$0x0] =	vst.idx.msk $0xffff, v56;
	v4 =	vadd.s32 v14, v47;
	v0 =	vmul.f32 $8.000000000e+00, v0;
	v55 =	vadd.f32 v55, v35  }
0x157: {  	v53 =	vadd.s32 v19, v46;
	[tilespmem:v60+s15+$0x0] =	vst.idx.msk $0xffff, v63;
	v2 =	vadd.f32 v2, v35;
	v3 =	vmul.f32 $8.000000000e+00, v3  }
0x158: {  	v59 =	vld [tilespmem:s26+$0xFFFFFF60];
	v63 =	vadd.s32 v22, v44;
	[tilespmem:v36+s15+$0x0] =	vst.idx.msk $0xffff, v55;
	v0 =	vadd.f32 v0, v35;
	v62 =	vmul.f32 $8.000000000e+00, v61  }
0x159: {  	v60 =	vld [tilespmem:s26+$0xFFFFFFA0];
	[tilespmem:v54+s15+$0x0] =	vst.idx.msk $0xffff, v2;
	v2 =	vadd.f32 v3, v35;
	v3 =	vmul.f32 $8.000000000e+00, v57  }
0x15a: {  	[tilespmem:v32+s15+$0x0] =	vst.idx.msk $0xffff, v0;
	v36 =	vadd.f32 v62, v35  }
0x15b: {  	[tilespmem:v4+s15+$0x0] =	vst.idx.msk $0xffff, v2;
	v3 =	vadd.f32 v3, v35  }
0x15c: {  	v54 =	vadd.s32 v31, v37;
	v0 =	vld [tilespmem:s26+$0xFFFFFE30];
	[tilespmem:v53+s15+$0x0] =	vst.idx.msk $0xffff, v36  }
0x15d: {  	v58 =	vadd.s32 v30, v45;
	v32 =	vmul.f32 $8.000000000e+00, v59;
	v2 =	vld [tilespmem:s26+$0xFFFFFE70];
	[tilespmem:v63+s15+$0x0] =	vst.idx.msk $0xffff, v3  }
0x15e: {  	v61 =	vmul.f32 $8.000000000e+00, v60;
	v63 =	vld [tilespmem:$0x1FF60]  }
0x15f: {  	v56 =	vld [tilespmem:s26+$0xFFFFFFF0];
	v62 =	vadd.f32 v32, v35  }
0x160: {  	v36 =	vld [tilespmem:s26+$0xFFFFFEB0];
	v4 =	vadd.f32 v61, v35  }
0x161: {  	v53 =	vadd.s32 v7, v48;
	v3 =	vld [tilespmem:s26+$0xFFFFFEF0];
	[tilespmem:v54+s15+$0x0] =	vst.idx.msk $0xffff, v62  }
0x162: {  	v54 =	vld [tilespmem:s26+$0xFFFFFF30];
	v0 =	vmul.f32 $8.000000000e+00, v0;
	[tilespmem:v58+s15+$0x0] =	vst.idx.msk $0xffff, v4;
	v4 =	vadd.s32 v11, v49  }
0x163: {  	v51 =	vadd.f32 v51, v33;
	v60 =	vld [tilespmem:s26+$0xFFFFFF70];
	v2 =	vmul.f32 $8.000000000e+00, v2;
	v35 =	vadd.s32 v63, v50  }
0x164: {  	v61 =	vadd.s32 v18, v47;
	v32 =	vmul.f32 $8.000000000e+00, v56;
	v62 =	vld [tilespmem:s26+$0xFFFFFFB0];
	v0 =	vadd.f32 v0, v34  }
0x165: {  	[tilespmem:v42+s15+$0x0] =	vst.idx.msk $0xffff, v51;
	v36 =	vmul.f32 $8.000000000e+00, v36;
	v2 =	vadd.f32 v2, v34  }
0x166: {  	v57 =	vadd.s32 v23, v44;
	v55 =	vadd.f32 v32, v34;
	v24 =	vmov v63;
	[tilespmem:v53+s15+$0x0] =	vst.idx.msk $0xffff, v0  }
0x167: {  	v63 =	vadd.s32 v27, v46;
	v0 =	vadd.f32 v36, v34;
	v58 =	vmul.f32 $8.000000000e+00, v54;
	[tilespmem:v4+s15+$0x0] =	vst.idx.msk $0xffff, v2  }
0x168: {  	v3 =	vmul.f32 $8.000000000e+00, v3;
	v2 =	vld [tilespmem:s26+$0xFFFFFE40];
	v59 =	vmul.f32 $8.000000000e+00, v60;
	v60 =	vadd.s32 v26, v45;
	[tilespmem:v35+s15+$0x0] =	vst.idx.msk $0xffff, v55  }
0x169: {  	v51 =	vadd.s32 v25, v37;
	[tilespmem:v61+s15+$0x0] =	vst.idx.msk $0xffff, v0;
	v36 =	vadd.f32 v58, v34;
	v61 =	vmul.f32 $8.000000000e+00, v62;
	v53 =	vld [tilespmem:s26+$0x0]  }
0x16a: {  	[tilespmem:v43+s15+$0x0] =	vst.idx.msk $0xffff, v52;
	v3 =	vadd.f32 v3, v34;
	v0 =	vld [tilespmem:s26+$0xFFFFFE80]  }
0x16b: {  	[tilespmem:v57+s15+$0x0] =	vst.idx.msk $0xffff, v36;
	v56 =	vadd.f32 v61, v34;
	v57 =	vadd.f32 v40, v33  }
0x16c: {  	v40 =	vadd.s32 v20, v48;
	[tilespmem:v63+s15+$0x0] =	vst.idx.msk $0xffff, v3;
	v3 =	vadd.f32 v59, v34;
	v63 =	vmul.f32 $8.000000000e+00, v41  }
0x16d: {  	v35 =	vadd.s32 v17, v50;
	v2 =	vmul.f32 $8.000000000e+00, v2;
	[tilespmem:v60+s15+$0x0] =	vst.idx.msk $0xffff, v56  }
0x16e: {  	v43 =	vadd.s32 v12, v49;
	v62 =	vld [tilespmem:s26+$0xFFFFFEC0];
	[tilespmem:v51+s15+$0x0] =	vst.idx.msk $0xffff, v3;
	v4 =	vadd.f32 v63, v33;
	v3 =	vmul.f32 $8.000000000e+00, v53  }
0x16f: {  	v58 =	vld [tilespmem:s26+$0xFFFFFF40];
	[tilespmem:v39+s15+$0x0] =	vst.idx.msk $0xffff, v57;
	v0 =	vmul.f32 $8.000000000e+00, v0;
	v2 =	vadd.f32 v2, v33  }
0x170: {  	v55 =	vld [tilespmem:s26+$0xFFFFFF00];
	[tilespmem:v38+s15+$0x0] =	vst.idx.msk $0xffff, v4;
	v3 =	vadd.f32 v3, v33  }
0x171: {  	v0 =	vadd.f32 v0, v33;
	v56 =	vld [tilespmem:$0x1FF40];
	[tilespmem:v40+s15+$0x0] =	vst.idx.msk $0xffff, v2  }
0x172: {  	v59 =	vld [tilespmem:s26+$0xFFFFFF80];
	[tilespmem:v35+s15+$0x0] =	vst.idx.msk $0xffff, v3  }
0x173: {  	v54 =	vadd.s32 v28, v46;
	v20 =	vmov v28;
	v28 =	vld [tilespmem:$0x1FE40];
	[tilespmem:v43+s15+$0x0] =	vst.idx.msk $0xffff, v0  }
0x174: {  	v63 =	vld [tilespmem:$0x1FE50]  }
0x175: {  	v50 =	vadd.s32 v16, v47;
	v51 =	vld [tilespmem:s26+$0xFFFFFFC0]  }
0x176: {  	v53 =	vmul.f32 $8.000000000e+00, v62  }
0x177: {  	v55 =	vmul.f32 $8.000000000e+00, v55;
	v57 =	vadd.s32 v56, v44  }
0x178: {  	v2 =	vadd.f32 v53, v33;
	v3 =	vmul.f32 $8.000000000e+00, v58;
	v58 =	vadd.s32 v28, v37  }
0x179: {  	v59 =	vmul.f32 $8.000000000e+00, v59;
	v0 =	vadd.f32 v55, v33;
	v63 =	vadd.s32 v63, v45  }
0x17a: {  	s24 =	sshll.u32 s24, $0xA;
	[tilespmem:v50+s15+$0x0] =	vst.idx.msk $0xffff, v2;
	v2 =	vadd.f32 v3, v33;
	v3 =	vmul.f32 $8.000000000e+00, v51  }
0x17b: {  	s23 =	sshll.u32 s23, $0x12;
	s24 =	sand.u32 $0x7C00, s24;
	[tilespmem:v54+s15+$0x0] =	vst.idx.msk $0xffff, v0;
	v0 =	vadd.f32 v59, v33  }
0x17c: {  	s23 =	sor.u32 s24, s23;
	[tilespmem:v57+s15+$0x0] =	vst.idx.msk $0xffff, v2;
	v2 =	vadd.f32 v3, v33  }
0x17d: {  	s23 =	sshrl.u32 s23, $0x3;
	[tilespmem:v58+s15+$0x0] =	vst.idx.msk $0xffff, v0  }
0x17e: {  	s31 =	simm.s32 $0x11600;
	s26 =	sadd.s32 s1, s23;
	[tilespmem:v63+s15+$0x0] =	vst.idx.msk $0xffff, v2  }
0x17f: {  	[hbm4b:s26+s3] =	stream.linear.scatter [tilespmem:s31], [sflag:$0x3], $0x80, $0x38;
	[tilespmem:$0x19A00] =	vst v63  }
0x180: {  	s28 =	sadd.s32 $0x10, s26;
	s31 =	simm.s32 $0x11708  }
0x181: {  	[hbm4b:s28+s3] =	stream.linear.scatter [tilespmem:s31], [sflag:$0x3], $0x80, $0x38;
	[tilespmem:$0x19A00] =	vst v63  }
0x182: {  	s31 =	simm.s32 $0x11810;
	s28 =	sadd.s32 $0x20, s26  }
0x183: {  	[hbm4b:s28+s3] =	stream.linear.scatter [tilespmem:s31], [sflag:$0x3], $0x80, $0x38;
	[tilespmem:$0x19A00] =	vst v63  }
0x184: {  	s31 =	simm.s32 $0x11918;
	s28 =	sadd.s32 $0x30, s26  }
0x185: {  	[hbm4b:s28+s3] =	stream.linear.scatter [tilespmem:s31], [sflag:$0x3], $0x80, $0x38;
	[tilespmem:$0x19A00] =	vst v63  }
0x186: {  	s31 =	simm.s32 $0x11A20;
	s28 =	sadd.s32 $0x40, s26  }
0x187: {  	[hbm4b:s28+s3] =	stream.linear.scatter [tilespmem:s31], [sflag:$0x3], $0x80, $0x38;
	[tilespmem:$0x19A00] =	vst v63  }
0x188: {  	s29 =	simm.s32 $0x11D38;
	s31 =	simm.s32 $0x11B28;
	s28 =	sadd.s32 $0x50, s26  }
0x189: {  	[hbm4b:s28+s3] =	stream.linear.scatter [tilespmem:s31], [sflag:$0x3], $0x80, $0x38;
	[tilespmem:$0x19A00] =	vst v63  }
0x18a: {  	s23 =	simm.s32 $0x840;
	s31 =	simm.s32 $0x11C30;
	s28 =	sadd.s32 $0x60, s26  }
0x18b: {  	v9 =	vmovc v15;
	v5 =	vmovc v26;
	v15 =	vmov v18;
	v7 =	vmov v25;
	v18 =	vmov v19;
	[hbm4b:s28+s3] =	stream.linear.scatter [tilespmem:s31], [sflag:$0x3], $0x80, $0x38;
	[tilespmem:$0x19A00] =	vst v63  }
0x18c: {  	v19 =	vmovc v27;
	v25 =	vmovc v9;
	v27 =	vmov v7;
	v26 =	vmov v31;
	v31 =	vmov v5;
	s30 =	sadd.s32 $0x70, s26;
	s26 =	sadd.s32 $0x1000, s26;
	s28 =	simm.s32 $0x4200  }
.LBB2_8:
0x18d: {  	[hbm4b:s30+s3] =	stream.linear.scatter [tilespmem:s29], [sflag:$0x3], $0x80, $0x38;
	[tilespmem:$0x19A00] =	vst v63  }
0x18e: {  	s29 =	smov.u32 s23;
	s23 =	smov.u32 s28  }
0x18f: {  	s31 =	sadd.s32 $0x2100, s28;
	s23 =	sshra.s32 s23, $0x2;
	s30 =	sadd.s32 $0x11600, s29  }
0x190: {  	[hbm4b:s26+s3] =	stream.linear.scatter [tilespmem:s30], [sflag:$0x3], $0x80, $0x38;
	[tilespmem:$0x19A00] =	vst v63  }
0x191: {  	p1 =	sne.s32 s28, $0xE700;
	s28 =	sadd.s32 $0x11708, s29;
	s30 =	sadd.s32 $0x10, s26  }
0x192: {  	[hbm4b:s30+s3] =	stream.linear.scatter [tilespmem:s28], [sflag:$0x3], $0x80, $0x38;
	[tilespmem:$0x19A00] =	vst v63  }
0x193: {  	s28 =	sadd.s32 $0x11810, s29;
	s30 =	sadd.s32 $0x20, s26  }
0x194: {  	[hbm4b:s30+s3] =	stream.linear.scatter [tilespmem:s28], [sflag:$0x3], $0x80, $0x38;
	[tilespmem:$0x19A00] =	vst v63  }
0x195: {  	s28 =	sadd.s32 $0x11918, s29;
	s30 =	sadd.s32 $0x30, s26  }
0x196: {  	[hbm4b:s30+s3] =	stream.linear.scatter [tilespmem:s28], [sflag:$0x3], $0x80, $0x38;
	[tilespmem:$0x19A00] =	vst v63  }
0x197: {  	s28 =	sadd.s32 $0x11A20, s29;
	s30 =	sadd.s32 $0x40, s26  }
0x198: {  	[hbm4b:s30+s3] =	stream.linear.scatter [tilespmem:s28], [sflag:$0x3], $0x80, $0x38;
	[tilespmem:$0x19A00] =	vst v63  }
.Ltmp2:
0x199: {  	s28 =	sadd.s32 $0x11B28, s29;
	s30 =	sadd.s32 $0x50, s26;
	(pc) =	sbr.rel @p1 .LBB2_8-.Ltmp2, $4  }
0x19a: {  	[hbm4b:s30+s3] =	stream.linear.scatter [tilespmem:s28], [sflag:$0x3], $0x80, $0x38;
	[tilespmem:$0x19A00] =	vst v63  }
0x19b: {  	s28 =	sadd.s32 $0x11C30, s29;
	s30 =	sadd.s32 $0x60, s26;
	s29 =	sadd.s32 $0x11D38, s29  }
0x19c: {  	[hbm4b:s30+s3] =	stream.linear.scatter [tilespmem:s28], [sflag:$0x3], $0x80, $0x38;
	[tilespmem:$0x19A00] =	vst v63  }
0x19d: {  	s30 =	sadd.s32 $0x70, s26;
	s26 =	sadd.s32 $0x1000, s26;
	s28 =	smov.u32 s31  }
0x19e: {  	[hbm4b:s30+s3] =	stream.linear.scatter [tilespmem:s29], [sflag:$0x3], $0x80, $0x38;
	[tilespmem:$0x19A00] =	vst v63  }
0x19f: {  	s28 =	sadd.s32 $0x11600, s23  }
0x1a0: {  	[hbm4b:s26+s3] =	stream.linear.scatter [tilespmem:s28], [sflag:$0x3], $0x80, $0x38;
	[tilespmem:$0x19A00] =	vst v63  }
0x1a1: {  	s30 =	sadd.s32 $0x10, s26;
	s28 =	sadd.s32 $0x11708, s23  }
0x1a2: {  	[hbm4b:s30+s3] =	stream.linear.scatter [tilespmem:s28], [sflag:$0x3], $0x80, $0x38;
	[tilespmem:$0x19A00] =	vst v63  }
0x1a3: {  	s31 =	sadd.s32 $0x20, s26;
	s28 =	sadd.s32 $0x11810, s23  }
0x1a4: {  	[hbm4b:s31+s3] =	stream.linear.scatter [tilespmem:s28], [sflag:$0x3], $0x80, $0x38;
	[tilespmem:$0x19A00] =	vst v63  }
0x1a5: {  	s30 =	sadd.s32 $0x30, s26;
	s28 =	sadd.s32 $0x11918, s23  }
0x1a6: {  	[hbm4b:s30+s3] =	stream.linear.scatter [tilespmem:s28], [sflag:$0x3], $0x80, $0x38;
	[tilespmem:$0x19A00] =	vst v63  }
0x1a7: {  	s31 =	sadd.s32 $0x40, s26;
	s28 =	sadd.s32 $0x11A20, s23  }
0x1a8: {  	[hbm4b:s31+s3] =	stream.linear.scatter [tilespmem:s28], [sflag:$0x3], $0x80, $0x38;
	[tilespmem:$0x19A00] =	vst v63  }
0x1a9: {  	s30 =	sadd.s32 $0x50, s26;
	s28 =	sadd.s32 $0x11B28, s23  }
0x1aa: {  	[hbm4b:s30+s3] =	stream.linear.scatter [tilespmem:s28], [sflag:$0x3], $0x80, $0x38;
	[tilespmem:$0x19A00] =	vst v63  }
0x1ab: {  	s31 =	sadd.s32 $0x60, s26;
	s28 =	sadd.s32 $0x11C30, s23  }
0x1ac: {  	[hbm4b:s31+s3] =	stream.linear.scatter [tilespmem:s28], [sflag:$0x3], $0x80, $0x38;
	[tilespmem:$0x19A00] =	vst v63  }
0x1ad: {  	s31 =	sshll.u32 s25, $0x12  }
0x1ae: {  	s29 =	sadd.s32 $0x11D38, s23;
	s30 =	sadd.s32 $0x70, s26;
	s23 =	sor.u32 s24, s31  }
0x1af: {  	[hbm4b:s30+s3] =	stream.linear.scatter [tilespmem:s29], [sflag:$0x3], $0x80, $0x38;
	[tilespmem:$0x19A00] =	vst v63  }
0x1b0: {  	s23 =	sshrl.u32 s23, $0x3  }
0x1b1: {  	s25 =	simm.s32 $0x11680;
	s24 =	sadd.s32 s1, s23  }
0x1b2: {  	[hbm4b:s24+s3] =	stream.linear.scatter [tilespmem:s25], [sflag:$0x3], $0x80, $0x38;
	[tilespmem:$0x19A00] =	vst v63  }
0x1b3: {  	s26 =	simm.s32 $0x11788;
	s29 =	sadd.s32 $0x10, s24  }
0x1b4: {  	[hbm4b:s29+s3] =	stream.linear.scatter [tilespmem:s26], [sflag:$0x3], $0x80, $0x38;
	[tilespmem:$0x19A00] =	vst v63  }
0x1b5: {  	s30 =	simm.s32 $0x11890;
	s23 =	simm.s32 $0x840;
	s31 =	sadd.s32 $0x20, s24  }
0x1b6: {  	[hbm4b:s31+s3] =	stream.linear.scatter [tilespmem:s30], [sflag:$0x3], $0x80, $0x38;
	[tilespmem:$0x19A00] =	vst v63  }
0x1b7: {  	s25 =	simm.s32 $0x4200;
	s26 =	simm.s32 $0x11998;
	s29 =	sadd.s32 $0x30, s24  }
0x1b8: {  	[hbm4b:s29+s3] =	stream.linear.scatter [tilespmem:s26], [sflag:$0x3], $0x80, $0x38;
	[tilespmem:$0x19A00] =	vst v63  }
0x1b9: {  	s28 =	sadd.s32 $0x70, s24;
	s30 =	simm.s32 $0x11AA0;
	s31 =	sadd.s32 $0x40, s24  }
0x1ba: {  	[hbm4b:s31+s3] =	stream.linear.scatter [tilespmem:s30], [sflag:$0x3], $0x80, $0x38;
	[tilespmem:$0x19A00] =	vst v63  }
0x1bb: {  	s26 =	simm.s32 $0x11BA8;
	s29 =	sadd.s32 $0x50, s24;
	s30 =	simm.s32 $0x11CB0  }
0x1bc: {  	[hbm4b:s29+s3] =	stream.linear.scatter [tilespmem:s26], [sflag:$0x3], $0x80, $0x38;
	[tilespmem:$0x19A00] =	vst v63  }
0x1bd: {  	s31 =	sadd.s32 $0x60, s24;
	s24 =	sadd.s32 $0x1000, s24;
	s26 =	simm.s32 $0x11DB8  }
0x1be: {  	v62 =	vmov v20;
	[hbm4b:s31+s3] =	stream.linear.scatter [tilespmem:s30], [sflag:$0x3], $0x80, $0x38;
	[tilespmem:$0x19A00] =	vst v63  }
.LBB2_10:
0x1bf: {  	[hbm4b:s28+s3] =	stream.linear.scatter [tilespmem:s26], [sflag:$0x3], $0x80, $0x38;
	[tilespmem:$0x19A00] =	vst v63  }
0x1c0: {  	s26 =	smov.u32 s23;
	s23 =	smov.u32 s25  }
0x1c1: {  	s29 =	sadd.s32 $0x2100, s25;
	s23 =	sshra.s32 s23, $0x2;
	s28 =	sadd.s32 $0x11680, s26  }
0x1c2: {  	[hbm4b:s24+s3] =	stream.linear.scatter [tilespmem:s28], [sflag:$0x3], $0x80, $0x38;
	[tilespmem:$0x19A00] =	vst v63  }
0x1c3: {  	p1 =	sne.s32 s25, $0xE700;
	s25 =	sadd.s32 $0x11788, s26;
	s28 =	sadd.s32 $0x10, s24  }
0x1c4: {  	[hbm4b:s28+s3] =	stream.linear.scatter [tilespmem:s25], [sflag:$0x3], $0x80, $0x38;
	[tilespmem:$0x19A00] =	vst v63  }
0x1c5: {  	s25 =	sadd.s32 $0x11890, s26;
	s28 =	sadd.s32 $0x20, s24  }
0x1c6: {  	[hbm4b:s28+s3] =	stream.linear.scatter [tilespmem:s25], [sflag:$0x3], $0x80, $0x38;
	[tilespmem:$0x19A00] =	vst v63  }
0x1c7: {  	s25 =	sadd.s32 $0x11998, s26;
	s28 =	sadd.s32 $0x30, s24  }
0x1c8: {  	[hbm4b:s28+s3] =	stream.linear.scatter [tilespmem:s25], [sflag:$0x3], $0x80, $0x38;
	[tilespmem:$0x19A00] =	vst v63  }
0x1c9: {  	s25 =	sadd.s32 $0x11AA0, s26;
	s28 =	sadd.s32 $0x40, s24  }
0x1ca: {  	[hbm4b:s28+s3] =	stream.linear.scatter [tilespmem:s25], [sflag:$0x3], $0x80, $0x38;
	[tilespmem:$0x19A00] =	vst v63  }
.Ltmp3:
0x1cb: {  	s25 =	sadd.s32 $0x11BA8, s26;
	s28 =	sadd.s32 $0x50, s24;
	(pc) =	sbr.rel @p1 .LBB2_10-.Ltmp3, $4  }
0x1cc: {  	[hbm4b:s28+s3] =	stream.linear.scatter [tilespmem:s25], [sflag:$0x3], $0x80, $0x38;
	[tilespmem:$0x19A00] =	vst v63  }
0x1cd: {  	s25 =	sadd.s32 $0x11CB0, s26;
	s28 =	sadd.s32 $0x60, s24;
	s26 =	sadd.s32 $0x11DB8, s26  }
0x1ce: {  	[hbm4b:s28+s3] =	stream.linear.scatter [tilespmem:s25], [sflag:$0x3], $0x80, $0x38;
	[tilespmem:$0x19A00] =	vst v63  }
0x1cf: {  	s28 =	sadd.s32 $0x70, s24;
	s24 =	sadd.s32 $0x1000, s24;
	s25 =	smov.u32 s29  }
0x1d0: {  	[hbm4b:s28+s3] =	stream.linear.scatter [tilespmem:s26], [sflag:$0x3], $0x80, $0x38;
	[tilespmem:$0x19A00] =	vst v63  }
0x1d1: {  	s25 =	sadd.s32 $0x11680, s23  }
0x1d2: {  	[hbm4b:s24+s3] =	stream.linear.scatter [tilespmem:s25], [sflag:$0x3], $0x80, $0x38;
	[tilespmem:$0x19A00] =	vst v63  }
0x1d3: {  	s30 =	sadd.s32 $0x11788, s23;
	s31 =	sadd.s32 $0x10, s24  }
0x1d4: {  	[hbm4b:s31+s3] =	stream.linear.scatter [tilespmem:s30], [sflag:$0x3], $0x80, $0x38;
	[tilespmem:$0x19A00] =	vst v63  }
0x1d5: {  	s28 =	sadd.s32 $0x11890, s23;
	s29 =	sadd.s32 $0x20, s24  }
0x1d6: {  	[hbm4b:s29+s3] =	stream.linear.scatter [tilespmem:s28], [sflag:$0x3], $0x80, $0x38;
	[tilespmem:$0x19A00] =	vst v63  }
0x1d7: {  	s30 =	sadd.s32 $0x11998, s23;
	s31 =	sadd.s32 $0x30, s24  }
0x1d8: {  	[hbm4b:s31+s3] =	stream.linear.scatter [tilespmem:s30], [sflag:$0x3], $0x80, $0x38;
	[tilespmem:$0x19A00] =	vst v63  }
0x1d9: {  	s28 =	sadd.s32 $0x11AA0, s23;
	s29 =	sadd.s32 $0x40, s24  }
0x1da: {  	[hbm4b:s29+s3] =	stream.linear.scatter [tilespmem:s28], [sflag:$0x3], $0x80, $0x38;
	[tilespmem:$0x19A00] =	vst v63  }
0x1db: {  	p1 =	sne.s32 s21, $0x31;
	s30 =	sadd.s32 $0x11BA8, s23;
	s31 =	sadd.s32 $0x50, s24  }
0x1dc: {  	[hbm4b:s31+s3] =	stream.linear.scatter [tilespmem:s30], [sflag:$0x3], $0x80, $0x38;
	[tilespmem:$0x19A00] =	vst v63  }
.Ltmp4:
0x1dd: {  	_ = 	snop;
	(pc) =	sbr.rel @p1 .LBB2_13-.Ltmp4, $4  }
0x1de: {  	v13 =	vld [tilespmem:$0x1FEF0];
	s28 =	sadd.s32 $0x11CB0, s23;
	s29 =	sadd.s32 $0x60, s24  }
0x1df: {  	v21 =	vld [tilespmem:$0x1FF00];
	[hbm4b:s29+s3] =	stream.linear.scatter [tilespmem:s28], [sflag:$0x3], $0x80, $0x38  }
0x1e0: {  	v29 =	vld [tilespmem:$0x1FF10];
	s30 =	sadd.s32 $0x11DB8, s23;
	s31 =	sadd.s32 $0x70, s24  }
0x1e1: {  	v6 =	vld [tilespmem:$0x1FF30];
	[hbm4b:s31+s3] =	stream.linear.scatter [tilespmem:s30], [sflag:$0x3], $0x80, $0x38  }
.Ltmp5:
0x1e2: {  	(pc) =	sbr.rel .LBB2_14-.Ltmp5, $4  }
0x1e3: {  	_ = 	snop  }
0x1e4: {  	_ =	swait.ge [sflag:s16], $0x4000  }
0x1e5: {  	[sflag:s16] =	ssyncset.done $0x0  }
0x1e6: {  	[sflag:s16] =	ssyncadd.s32 $0xFFFFC000  }
.LBB2_13:
0x1e7: {  	s23 =	sshll.u32 s21, $0x9  }
0x1e8: {  	s23 =	sand.u32 $0x3FFFFE00, s23  }
.Ltmp6:
0x1e9: {  	s23 =	sadd.s32 $0x200, s23;
	(pc) =	sbr.rel @p0 .LBB2_15-.Ltmp6, $4  }
0x1ea: {  	[tilespmem:s12], [sflag:$0x1] =	stream.indirect.gather [hbm4b:s4+s11], $0x40, s23, s11, $0xb8;
	[tilespmem:$0x19A00] =	vst v63  }
0x1eb: {  	_ =	swait.ge [sflag:s16], $0x4000  }
0x1ec: {  	[sflag:s16] =	ssyncset.done $0x0  }
0x1ed: {  	[sflag:s16] =	ssyncadd.s32 $0xFFFFC000  }
.LBB2_14:
0x1ee: {  	_ =	swait.ge [sflag:s17], $0x2000  }
0x1ef: {  	[sflag:s17] =	ssyncset.done $0x0  }
0x1f0: {  	[sflag:s17] =	ssyncadd.s32 $0xFFFFE000  }
0x1f1: {  	_ =	swait.ge [sflag:s17], $0x2000  }
0x1f2: {  	[sflag:s17] =	ssyncset.done $0x0  }
0x1f3: {  	[sflag:s17] =	ssyncadd.s32 $0xFFFFE000  }
.LBB2_15:
0x1f4: {  	s23 =	sadd.s32 s7, s22;
	s26 =	sshll.u32 s22, $0x1;
	s25 =	simm.s32 $0x0  }
0x1f5: {  	s28 =	simm.s32 $0x1;
	s29 =	simm.s32 $0x2;
	s30 =	simm.s32 $0x3;
	v0 =	vmov s25  }
0x1f6: {  	s31 =	simm.s32 $0x4;
	s24 =	sshrl.u32 s23, $0x4;
	v2 =	vmov s28;
	v3 =	vmov s29;
	v4 =	vmov s30;
	s25 =	simm.s32 $0x5  }
0x1f7: {  	v5 =	vld [tilespmem:$0x1FEE0];
	s22 =	sand.u32 $0x6, s26;
	v33 =	vmov s31;
	s28 =	simm.s32 $0x6;
	s24 =	sand.u32 $0x7FFFFF8, s24;
	v0 =	vshrl.u32 v0, $0x3;
	v37 =	vmov s25  }
0x1f8: {  	v7 =	vld [tilespmem:$0x1FEA0];
	s29 =	simm.s32 $0x7;
	v38 =	vmov s28;
	v2 =	vshrl.u32 v2, $0x3;
	v3 =	vshrl.u32 v3, $0x3;
	s22 =	sor.u32 s22, s24;
	s24 =	simm.s32 $0xD700  }
0x1f9: {  	v4 =	vshrl.u32 v4, $0x3;
	v33 =	vshrl.u32 v33, $0x3;
	v39 =	vmov s29;
	v46 =	vld [tilespmem:s24+$0xC0]  }
0x1fa: {  	v0 =	vshll.u32 v0, v1;
	v37 =	vshrl.u32 v37, $0x3;
	v4 =	vshll.u32 v4, v1;
	v47 =	vld [tilespmem:s24+$0xFFFFFF00]  }
0x1fb: {  	v38 =	vshrl.u32 v38, $0x3;
	v2 =	vshll.u32 v2, v1;
	s26 =	sshll.u32 s22, $0x8;
	v41 =	vbroadcast v4, $0x0;
	v4 =	vld [tilespmem:$0x1FF20]  }
0x1fc: {  	v3 =	vshll.u32 v3, v1;
	v39 =	vshrl.u32 v39, $0x3;
	v33 =	vshll.u32 v33, v1;
	v48 =	vld [tilespmem:s24+$0xFFFFFF40];
	s26 =	sshra.s32 s26, $0x2  }
0x1fd: {  	v43 =	vbroadcast v0, $0x0;
	v0 =	vshll.u32 v39, v1;
	v44 =	vbroadcast v2, $0x0;
	v36 =	vld [tilespmem:s26+$0x6400]  }
0x1fe: {  	v37 =	vshll.u32 v37, v1;
	v42 =	vbroadcast v3, $0x0;
	v45 =	vbroadcast v0, $0x0;
	v0 =	vld [tilespmem:s24+$0xFFFFFF80]  }
0x1ff: {  	v2 =	vshll.u32 v38, v1;
	v3 =	vld [tilespmem:s24+$0xFFFFFFC0];
	v38 =	vbroadcast v33, $0x0;
	v49 =	vadd.s32 v5, v43  }
0x200: {  	v50 =	vld [tilespmem:s24+$0x0];
	v40 =	vbroadcast v37, $0x0;
	v4 =	vadd.s32 v4, v45;
	v58 =	vmul.f32 $8.000000000e+00, v47  }
0x201: {  	v60 =	vld [tilespmem:s24+$0x40];
	v39 =	vbroadcast v2, $0x0;
	v59 =	vadd.s32 v7, v44;
	v57 =	vmul.f32 $8.000000000e+00, v46  }
0x202: {  	v35 =	vld [tilespmem:s26+$0x6410];
	v61 =	vadd.s32 v13, v42;
	v2 =	vmul.f32 $8.000000000e+00, v48;
	v37 =	vadd.f32 v58, v36  }
0x203: {  	v34 =	vld [tilespmem:s26+$0x6420];
	v53 =	vadd.s32 v8, v41;
	v0 =	vmul.f32 $8.000000000e+00, v0;
	v52 =	vadd.f32 v57, v36  }
0x204: {  	v33 =	vld [tilespmem:s26+$0x6430];
	v54 =	vadd.s32 v21, v38;
	v3 =	vmul.f32 $8.000000000e+00, v3;
	v2 =	vadd.f32 v2, v36;
	[tilespmem:v49+s18+$0x0] =	vst.idx.msk $0xffff, v37  }
0x205: {  	v51 =	vld [tilespmem:s24+$0x80];
	v0 =	vadd.f32 v0, v36;
	[tilespmem:v4+s18+$0x0] =	vst.idx.msk $0xffff, v52;
	v4 =	vmul.f32 $8.000000000e+00, v50  }
0x206: {  	v63 =	vadd.s32 v25, v40;
	[tilespmem:v59+s18+$0x0] =	vst.idx.msk $0xffff, v2;
	v2 =	vadd.f32 v3, v36  }
0x207: {  	v3 =	vmul.f32 $8.000000000e+00, v60;
	v58 =	vld [tilespmem:s24+$0xFFFFFF10];
	[tilespmem:v61+s18+$0x0] =	vst.idx.msk $0xffff, v0;
	v0 =	vadd.f32 v4, v36  }
0x208: {  	v57 =	vld [tilespmem:s24+$0xD0];
	[tilespmem:v53+s18+$0x0] =	vst.idx.msk $0xffff, v2  }
0x209: {  	v46 =	vadd.s32 v29, v39;
	v48 =	vld [tilespmem:s24+$0xFFFFFF90];
	v2 =	vadd.f32 v3, v36;
	[tilespmem:v54+s18+$0x0] =	vst.idx.msk $0xffff, v0  }
0x20a: {  	v4 =	vmul.f32 $8.000000000e+00, v51;
	v10 =	vld [tilespmem:$0x1FE70]  }
0x20b: {  	v55 =	vld [tilespmem:s24+$0x10];
	[tilespmem:v63+s18+$0x0] =	vst.idx.msk $0xffff, v2  }
0x20c: {  	v0 =	vadd.f32 v4, v36;
	v4 =	vadd.s32 v6, v45;
	v7 =	vld [tilespmem:$0x1FEB0]  }
0x20d: {  	v60 =	vld [tilespmem:s24+$0xFFFFFF50];
	v2 =	vmul.f32 $8.000000000e+00, v57  }
0x20e: {  	[tilespmem:v46+s18+$0x0] =	vst.idx.msk $0xffff, v0;
	v46 =	vadd.s32 v14, v42  }
0x20f: {  	v51 =	vld [tilespmem:s24+$0xFFFFFFD0];
	v48 =	vmul.f32 $8.000000000e+00, v48;
	v2 =	vadd.f32 v2, v35  }
0x210: {  	v61 =	vmul.f32 $8.000000000e+00, v58;
	v58 =	vadd.s32 v22, v38  }
0x211: {  	[tilespmem:v4+s18+$0x0] =	vst.idx.msk $0xffff, v2;
	v2 =	vadd.f32 v48, v35;
	v4 =	vmul.f32 $8.000000000e+00, v55;
	v63 =	vadd.s32 v7, v44  }
0x212: {  	v0 =	vmul.f32 $8.000000000e+00, v60;
	v60 =	vld [tilespmem:s24+$0x90];
	v54 =	vadd.s32 v10, v43  }
0x213: {  	v57 =	vadd.s32 v18, v41;
	[tilespmem:v46+s18+$0x0] =	vst.idx.msk $0xffff, v2;
	v2 =	vadd.f32 v4, v35  }
0x214: {  	v56 =	vld [tilespmem:s24+$0x50];
	v51 =	vmul.f32 $8.000000000e+00, v51;
	v0 =	vadd.f32 v0, v35  }
0x215: {  	v37 =	vadd.f32 v61, v35;
	[tilespmem:v58+s18+$0x0] =	vst.idx.msk $0xffff, v2  }
0x216: {  	[tilespmem:v63+s18+$0x0] =	vst.idx.msk $0xffff, v0;
	v0 =	vadd.f32 v51, v35  }
0x217: {  	v4 =	vmul.f32 $8.000000000e+00, v60;
	v60 =	vld [tilespmem:s24+$0xFFFFFFA0];
	[tilespmem:v54+s18+$0x0] =	vst.idx.msk $0xffff, v37  }
0x218: {  	v48 =	vadd.s32 v26, v40;
	v54 =	vld [tilespmem:s24+$0xE0];
	[tilespmem:v57+s18+$0x0] =	vst.idx.msk $0xffff, v0  }
0x219: {  	s30 =	simm.s32 $0x8;
	v61 =	vmul.f32 $8.000000000e+00, v56;
	v25 =	vld [tilespmem:$0x1FE80]  }
0x21a: {  	v59 =	vmov s30;
	v58 =	vld [tilespmem:s24+$0x20]  }
0x21b: {  	v47 =	vshrl.u32 v59, $0x3;
	v63 =	vadd.s32 v30, v39;
	v59 =	vld [tilespmem:s24+$0xFFFFFF60];
	v0 =	vadd.f32 v61, v35  }
0x21c: {  	v55 =	vld [tilespmem:s24+$0xFFFFFF20]  }
0x21d: {  	v2 =	vadd.f32 v4, v35;
	v4 =	vadd.s32 v24, v45;
	v52 =	vld [tilespmem:s24+$0xFFFFFFE0];
	[tilespmem:v48+s18+$0x0] =	vst.idx.msk $0xffff, v0  }
0x21e: {  	v32 =	vmovc v10;
	v10 =	vmovc v7;
	v0 =	vmul.f32 $8.000000000e+00, v54;
	v7 =	vmov v25;
	v57 =	vadd.s32 v25, v43;
	v25 =	vld [tilespmem:$0x1FEC0]  }
0x21f: {  	v37 =	vshll.u32 v47, v1;
	v51 =	vadd.s32 v15, v42;
	v47 =	vmul.f32 $8.000000000e+00, v60  }
0x220: {  	v0 =	vadd.f32 v0, v34;
	[tilespmem:v63+s18+$0x0] =	vst.idx.msk $0xffff, v2;
	v2 =	vmul.f32 $8.000000000e+00, v59  }
0x221: {  	v60 =	vadd.s32 v19, v41;
	v47 =	vadd.f32 v47, v34;
	v61 =	vmul.f32 $8.000000000e+00, v55  }
0x222: {  	[tilespmem:v4+s18+$0x0] =	vst.idx.msk $0xffff, v0;
	v4 =	vadd.s32 v23, v38;
	v0 =	vadd.f32 v2, v34;
	v2 =	vmul.f32 $8.000000000e+00, v52  }
0x223: {  	v55 =	vld [tilespmem:s24+$0x60];
	v48 =	vadd.f32 v61, v34;
	v52 =	vmul.f32 $8.000000000e+00, v58;
	v54 =	vadd.s32 v25, v44  }
0x224: {  	[tilespmem:v51+s18+$0x0] =	vst.idx.msk $0xffff, v47;
	v2 =	vadd.f32 v2, v34  }
0x225: {  	v52 =	vadd.f32 v52, v34;
	[tilespmem:v57+s18+$0x0] =	vst.idx.msk $0xffff, v48  }
0x226: {  	[tilespmem:v60+s18+$0x0] =	vst.idx.msk $0xffff, v2  }
0x227: {  	s31 =	simm.s32 $0x9;
	v59 =	vld [tilespmem:s24+$0xA0];
	[tilespmem:v4+s18+$0x0] =	vst.idx.msk $0xffff, v52  }
0x228: {  	v3 =	vmov s31;
	v58 =	vld [tilespmem:s24+$0xF0];
	[tilespmem:v54+s18+$0x0] =	vst.idx.msk $0xffff, v0;
	v54 =	vmul.f32 $8.000000000e+00, v55  }
0x229: {  	v3 =	vshrl.u32 v3, $0x3;
	v11 =	vmov v25;
	v57 =	vadd.s32 v27, v40;
	v25 =	vld [tilespmem:$0x1FE60]  }
0x22a: {  	v60 =	vadd.f32 v54, v34;
	v54 =	vshll.u32 v3, v1;
	v3 =	vld [tilespmem:$0x1FE90]  }
0x22b: {  	s28 =	simm.s32 $0xB;
	s30 =	simm.s32 $0xD;
	s31 =	simm.s32 $0xE;
	v0 =	vld [tilespmem:s24+$0xFFFFFF30]  }
0x22c: {  	v49 =	vmov s28;
	v50 =	vmov s31;
	v46 =	vmov s30  }
0x22d: {  	v61 =	vadd.s32 v31, v39;
	v48 =	vshrl.u32 v49, $0x3;
	v63 =	vmul.f32 $8.000000000e+00, v59  }
0x22e: {  	v49 =	vshrl.u32 v46, $0x3;
	v46 =	vshrl.u32 v50, $0x3;
	[tilespmem:v57+s18+$0x0] =	vst.idx.msk $0xffff, v60;
	v45 =	vadd.s32 v25, v45  }
0x22f: {  	v17 =	vmovc v8;
	v50 =	vadd.f32 v63, v34;
	v63 =	vmul.f32 $8.000000000e+00, v58;
	v59 =	vld [tilespmem:$0x1FED0];
	v8 =	vmovc v3;
	v3 =	vadd.s32 v3, v43  }
0x230: {  	s26 =	simm.s32 $0xA;
	v51 =	vld [tilespmem:s24+$0xFFFFFF70];
	v0 =	vmul.f32 $8.000000000e+00, v0  }
0x231: {  	v53 =	vmov s26;
	v60 =	vadd.f32 v63, v33  }
0x232: {  	v53 =	vshrl.u32 v53, $0x3;
	[tilespmem:v61+s18+$0x0] =	vst.idx.msk $0xffff, v50;
	v0 =	vadd.f32 v0, v33  }
0x233: {  	v55 =	vshll.u32 v53, v1;
	[tilespmem:v45+s18+$0x0] =	vst.idx.msk $0xffff, v60  }
0x234: {  	v53 =	vadd.s32 v16, v42;
	v44 =	vadd.s32 v59, v44;
	v42 =	vld [tilespmem:$0x1FF40];
	[tilespmem:v3+s18+$0x0] =	vst.idx.msk $0xffff, v0  }
0x235: {  	v51 =	vmul.f32 $8.000000000e+00, v51;
	v0 =	vld [tilespmem:$0x1FE40]  }
0x236: {  	v2 =	vld [tilespmem:s24+$0xFFFFFFB0]  }
0x237: {  	v4 =	vld [tilespmem:s24+$0xFFFFFFF0];
	v63 =	vadd.f32 v51, v33  }
0x238: {  	v52 =	vld [tilespmem:s24+$0x30]  }
0x239: {  	v57 =	vld [tilespmem:s24+$0x70];
	[tilespmem:v44+s18+$0x0] =	vst.idx.msk $0xffff, v63  }
0x23a: {  	v28 =	vmovc v16;
	v20 =	vmovc v42;
	v42 =	vadd.s32 v42, v38;
	v16 =	vmov v0;
	v38 =	vadd.s32 v0, v40;
	v0 =	vld [tilespmem:$0x1FE50]  }
0x23b: {  	s29 =	simm.s32 $0xC  }
0x23c: {  	v56 =	vmov s29;
	v2 =	vmul.f32 $8.000000000e+00, v2  }
0x23d: {  	v47 =	vshrl.u32 v56, $0x3;
	v4 =	vmul.f32 $8.000000000e+00, v4  }
0x23e: {  	v5 =	vmovc v62;
	v56 =	vadd.f32 v2, v33;
	v43 =	vadd.s32 v62, v41;
	v51 =	vmul.f32 $8.000000000e+00, v52  }
0x23f: {  	s21 =	sadd.s32 $0x1, s21;
	s25 =	simm.s32 $0x10;
	s26 =	simm.s32 $0xF;
	v41 =	vld [tilespmem:s24+$0xB0];
	v52 =	vadd.f32 v4, v33;
	v12 =	vmovc v59;
	v40 =	vmul.f32 $8.000000000e+00, v57;
	v9 =	vmovc v0;
	v39 =	vadd.s32 v0, v39  }
.LBB2_16:
0x240: {  	v58 =	vld [tilespmem:$0x1FEE0]  }
0x241: {  	s24 =	sadd.s32 $0x200, s24;
	v61 =	vld [tilespmem:$0x1FEA0];
	v2 =	vadd.f32 v51, v33  }
0x242: {  	v0 =	vmov s26;
	v4 =	vshll.u32 v48, v1;
	[tilespmem:v53+s18+$0x0] =	vst.idx.msk $0xffff, v56;
	v53 =	vld [tilespmem:s24+$0xC0]  }
0x243: {  	v0 =	vshrl.u32 v0, $0x3;
	[tilespmem:v42+s18+$0x0] =	vst.idx.msk $0xffff, v2;
	v42 =	vbroadcast v4, $0x0;
	v4 =	vld [tilespmem:$0x1FF20]  }
0x244: {  	v50 =	vld [tilespmem:s24+$0xFFFFFF00];
	v0 =	vshll.u32 v0, v1;
	v3 =	vmul.f32 $8.000000000e+00, v41  }
0x245: {  	v40 =	vadd.f32 v40, v33;
	v45 =	vbroadcast v0, $0x0;
	v0 =	vld [tilespmem:s24+$0xFFFFFF80]  }
0x246: {  	v57 =	vshll.u32 v49, v1;
	v44 =	vbroadcast v54, $0x0;
	[tilespmem:v43+s18+$0x0] =	vst.idx.msk $0xffff, v52;
	v2 =	vadd.f32 v3, v33;
	v3 =	vld [tilespmem:s24+$0xFFFFFF40]  }
0x247: {  	v46 =	vshll.u32 v46, v1;
	v56 =	vshll.u32 v47, v1;
	[tilespmem:v38+s18+$0x0] =	vst.idx.msk $0xffff, v40;
	v41 =	vbroadcast v37, $0x0;
	v49 =	vld [tilespmem:s24+$0x0]  }
0x248: {  	v43 =	vbroadcast v55, $0x0;
	v40 =	vbroadcast v56, $0x0;
	[tilespmem:v39+s18+$0x0] =	vst.idx.msk $0xffff, v2;
	v2 =	vld [tilespmem:s24+$0xFFFFFFC0];
	v4 =	vadd.s32 v4, v45  }
0x249: {  	v62 =	vadd.s32 v61, v44;
	v61 =	vld [tilespmem:$0x1FF50];
	v37 =	vadd.s32 v58, v41;
	v59 =	vmul.f32 $8.000000000e+00, v53  }
0x24a: {  	v38 =	vbroadcast v57, $0x0;
	v57 =	vadd.s32 v13, v43;
	v63 =	vld [tilespmem:s24+$0x40];
	v60 =	vmul.f32 $8.000000000e+00, v50  }
0x24b: {  	v39 =	vbroadcast v46, $0x0;
	v47 =	vadd.f32 v59, v36;
	v58 =	vld [tilespmem:s24+$0x80];
	v3 =	vmul.f32 $8.000000000e+00, v3  }
0x24c: {  	v48 =	vadd.f32 v60, v36;
	v0 =	vmul.f32 $8.000000000e+00, v0;
	v59 =	vadd.s32 v17, v42  }
0x24d: {  	v60 =	vadd.s32 v21, v40;
	v3 =	vadd.f32 v3, v36;
	v2 =	vmul.f32 $8.000000000e+00, v2;
	[tilespmem:v4+s18+$0x0] =	vst.idx.msk $0xffff, v47  }
0x24e: {  	v0 =	vadd.f32 v0, v36;
	[tilespmem:v37+s18+$0x0] =	vst.idx.msk $0xffff, v48;
	v37 =	vadd.s32 v61, v38;
	v4 =	vmul.f32 $8.000000000e+00, v49;
	v47 =	vld [tilespmem:s24+$0xD0]  }
0x24f: {  	v48 =	vld [tilespmem:s24+$0xFFFFFF10];
	v49 =	vadd.s32 v29, v39;
	[tilespmem:v62+s18+$0x0] =	vst.idx.msk $0xffff, v3;
	v2 =	vadd.f32 v2, v36;
	v3 =	vmul.f32 $8.000000000e+00, v63  }
0x250: {  	s29 =	sadd.s32 $0x4, s25;
	[tilespmem:v57+s18+$0x0] =	vst.idx.msk $0xffff, v0;
	v0 =	vadd.f32 v4, v36;
	v4 =	vmul.f32 $8.000000000e+00, v58;
	v51 =	vld [tilespmem:s24+$0xFFFFFF50]  }
0x251: {  	s31 =	sadd.s32 $0x2, s25;
	v56 =	vmov s29;
	v54 =	vadd.s32 v32, v41;
	v50 =	vld [tilespmem:s24+$0xFFFFFF90];
	[tilespmem:v59+s18+$0x0] =	vst.idx.msk $0xffff, v2;
	v2 =	vadd.f32 v3, v36  }
0x252: {  	v53 =	vmov s31;
	[tilespmem:v60+s18+$0x0] =	vst.idx.msk $0xffff, v0;
	v0 =	vadd.f32 v4, v36;
	v4 =	vadd.s32 v6, v45;
	v52 =	vld [tilespmem:s24+$0xFFFFFFD0]  }
0x253: {  	v61 =	vadd.s32 v10, v44;
	v62 =	vmov s25;
	v63 =	vld [tilespmem:s24+$0x10];
	[tilespmem:v37+s18+$0x0] =	vst.idx.msk $0xffff, v2;
	v2 =	vmul.f32 $8.000000000e+00, v47  }
0x254: {  	v57 =	vadd.s32 v18, v42;
	v46 =	vshrl.u32 v62, $0x3;
	v60 =	vmul.f32 $8.000000000e+00, v48;
	[tilespmem:v49+s18+$0x0] =	vst.idx.msk $0xffff, v0;
	v62 =	vld [tilespmem:s24+$0x50]  }
0x255: {  	v49 =	vadd.s32 v14, v43;
	v0 =	vmul.f32 $8.000000000e+00, v51;
	v51 =	vld [tilespmem:s24+$0x90];
	v2 =	vadd.f32 v2, v35  }
0x256: {  	s30 =	sadd.s32 $0x1, s25;
	v58 =	vadd.s32 v22, v40;
	v50 =	vmul.f32 $8.000000000e+00, v50;
	v37 =	vadd.f32 v60, v35  }
0x257: {  	v3 =	vmov s30;
	v0 =	vadd.f32 v0, v35;
	v52 =	vmul.f32 $8.000000000e+00, v52;
	[tilespmem:v4+s18+$0x0] =	vst.idx.msk $0xffff, v2  }
0x258: {  	[tilespmem:v54+s18+$0x0] =	vst.idx.msk $0xffff, v37;
	v2 =	vadd.f32 v50, v35;
	v4 =	vmul.f32 $8.000000000e+00, v63;
	v50 =	vadd.s32 v26, v38;
	v63 =	vld [tilespmem:s24+$0xE0]  }
0x259: {  	v60 =	vld [tilespmem:s24+$0xFFFFFF20];
	[tilespmem:v61+s18+$0x0] =	vst.idx.msk $0xffff, v0;
	v0 =	vadd.f32 v52, v35;
	v61 =	vmul.f32 $8.000000000e+00, v62;
	v62 =	vadd.s32 v30, v39  }
0x25a: {  	s28 =	sadd.s32 $0x3, s25;
	v3 =	vshrl.u32 v3, $0x3;
	[tilespmem:v49+s18+$0x0] =	vst.idx.msk $0xffff, v2;
	v2 =	vadd.f32 v4, v35;
	v59 =	vld [tilespmem:s24+$0xFFFFFF60];
	v4 =	vmul.f32 $8.000000000e+00, v51  }
0x25b: {  	s30 =	sadd.s32 $0x5, s25;
	v47 =	vmov s28;
	v37 =	vshll.u32 v46, v1;
	v49 =	vld [tilespmem:s24+$0xFFFFFFA0];
	[tilespmem:v57+s18+$0x0] =	vst.idx.msk $0xffff, v0;
	v0 =	vadd.f32 v61, v35  }
0x25c: {  	v46 =	vmov s30;
	[tilespmem:v58+s18+$0x0] =	vst.idx.msk $0xffff, v2;
	v48 =	vld [tilespmem:s24+$0xFFFFFFE0];
	v2 =	vadd.f32 v4, v35;
	v4 =	vadd.s32 v24, v45  }
0x25d: {  	v54 =	vadd.s32 v11, v44;
	v57 =	vadd.s32 v7, v41;
	v58 =	vld [tilespmem:s24+$0x20];
	[tilespmem:v50+s18+$0x0] =	vst.idx.msk $0xffff, v0;
	v0 =	vmul.f32 $8.000000000e+00, v63  }
0x25e: {  	v44 =	vadd.s32 v12, v44;
	v52 =	vadd.s32 v15, v43;
	v63 =	vmul.f32 $8.000000000e+00, v60;
	v55 =	vld [tilespmem:s24+$0x60];
	[tilespmem:v62+s18+$0x0] =	vst.idx.msk $0xffff, v2  }
0x25f: {  	v50 =	vshrl.u32 v53, $0x3;
	v2 =	vmul.f32 $8.000000000e+00, v59;
	v59 =	vld [tilespmem:s24+$0xA0];
	v0 =	vadd.f32 v0, v34  }
0x260: {  	v60 =	vadd.s32 v19, v42;
	v53 =	vadd.f32 v63, v34;
	v49 =	vmul.f32 $8.000000000e+00, v49  }
0x261: {  	v61 =	vadd.s32 v23, v40;
	v2 =	vadd.f32 v2, v34;
	v48 =	vmul.f32 $8.000000000e+00, v48;
	[tilespmem:v4+s18+$0x0] =	vst.idx.msk $0xffff, v0  }
0x262: {  	s31 =	sadd.s32 $0x6, s25;
	[tilespmem:v57+s18+$0x0] =	vst.idx.msk $0xffff, v53;
	v0 =	vadd.f32 v49, v34;
	v4 =	vmul.f32 $8.000000000e+00, v58;
	v53 =	vadd.s32 v27, v38;
	v57 =	vld [tilespmem:s24+$0xF0]  }
0x263: {  	v51 =	vmov s31;
	v58 =	vld [tilespmem:s24+$0xFFFFFF30];
	[tilespmem:v54+s18+$0x0] =	vst.idx.msk $0xffff, v2;
	v2 =	vadd.f32 v48, v34;
	v54 =	vmul.f32 $8.000000000e+00, v55  }
0x264: {  	v62 =	vadd.s32 v31, v39;
	[tilespmem:v52+s18+$0x0] =	vst.idx.msk $0xffff, v0;
	v0 =	vadd.f32 v4, v34;
	v63 =	vld [tilespmem:s24+$0xFFFFFF70];
	v4 =	vmul.f32 $8.000000000e+00, v59  }
0x265: {  	v39 =	vadd.s32 v9, v39;
	v49 =	vshrl.u32 v46, $0x3;
	v52 =	vld [tilespmem:s24+$0xFFFFFFB0];
	[tilespmem:v60+s18+$0x0] =	vst.idx.msk $0xffff, v2;
	v2 =	vadd.f32 v54, v34  }
0x266: {  	v46 =	vshrl.u32 v51, $0x3;
	[tilespmem:v61+s18+$0x0] =	vst.idx.msk $0xffff, v0;
	v51 =	vld [tilespmem:s24+$0xFFFFFFF0];
	v0 =	vadd.f32 v4, v34;
	v4 =	vadd.s32 v25, v45  }
0x267: {  	v54 =	vshll.u32 v3, v1;
	v3 =	vadd.s32 v8, v41;
	v45 =	vld [tilespmem:s24+$0x30];
	[tilespmem:v53+s18+$0x0] =	vst.idx.msk $0xffff, v2;
	v2 =	vmul.f32 $8.000000000e+00, v57  }
0x268: {  	p0 =	slt.u32 s25, $0x78;
	v38 =	vadd.s32 v16, v38;
	v48 =	vshrl.u32 v47, $0x3;
	v60 =	vmul.f32 $8.000000000e+00, v58;
	v61 =	vld [tilespmem:s24+$0x70]  }
.Ltmp7:
0x269: {  	v55 =	vshll.u32 v50, v1;
	[tilespmem:v62+s18+$0x0] =	vst.idx.msk $0xffff, v0;
	v0 =	vmul.f32 $8.000000000e+00, v63;
	v2 =	vadd.f32 v2, v33;
	(pc) =	sbr.rel @p0 .LBB2_16-.Ltmp7, $4  }
0x26a: {  	v53 =	vadd.s32 v28, v43;
	v50 =	vadd.f32 v60, v33;
	v52 =	vmul.f32 $8.000000000e+00, v52  }
0x26b: {  	v43 =	vadd.s32 v5, v42;
	v0 =	vadd.f32 v0, v33;
	v63 =	vmul.f32 $8.000000000e+00, v51;
	[tilespmem:v4+s18+$0x0] =	vst.idx.msk $0xffff, v2  }
0x26c: {  	v47 =	vshrl.u32 v56, $0x3;
	v42 =	vadd.s32 v20, v40;
	[tilespmem:v3+s18+$0x0] =	vst.idx.msk $0xffff, v50;
	v56 =	vadd.f32 v52, v33  }
0x26d: {  	s26 =	sadd.s32 $0x7, s25;
	s25 =	sadd.s32 $0x8, s25;
	v41 =	vld [tilespmem:s24+$0xB0];
	v51 =	vmul.f32 $8.000000000e+00, v45;
	[tilespmem:v44+s18+$0x0] =	vst.idx.msk $0xffff, v0;
	v52 =	vadd.f32 v63, v33;
	v40 =	vmul.f32 $8.000000000e+00, v61  }
0x26e: {  	v3 =	vshll.u32 v48, v1  }
0x26f: {  	v0 =	vmov s26;
	v45 =	vbroadcast v3, $0x0;
	v3 =	vld [tilespmem:$0x1FF20]  }
0x270: {  	v0 =	vshrl.u32 v0, $0x3  }
0x271: {  	v0 =	vshll.u32 v0, v1  }
0x272: {  	v2 =	vshll.u32 v49, v1;
	v49 =	vbroadcast v0, $0x0  }
0x273: {  	v63 =	vshll.u32 v47, v1  }
0x274: {  	v47 =	vbroadcast v54, $0x0;
	v54 =	vshll.u32 v46, v1;
	v46 =	vadd.s32 v3, v49;
	v3 =	vld [tilespmem:$0x1FEE0]  }
0x275: {  	s24 =	sadd.s32 $0x200, s24  }
0x276: {  	v60 =	vld [tilespmem:s24+$0xFFFFFF00]  }
0x277: {  	v48 =	vbroadcast v37, $0x0;
	v50 =	vld [tilespmem:s24+$0xC0]  }
0x278: {  	v57 =	vld [tilespmem:s24+$0xFFFFFF40]  }
0x279: {  	v44 =	vbroadcast v55, $0x0;
	v58 =	vadd.s32 v3, v48;
	v3 =	vld [tilespmem:$0x1FEA0];
	_ =	sdelay $0x1  }
0x27a: {  	v4 =	vbroadcast v63, $0x0;
	v0 =	vld [tilespmem:s24+$0xFFFFFF80];
	[tilespmem:$0x1FDC0] =	vst v44;
	v37 =	vmul.f32 $8.000000000e+00, v60  }
0x27b: {  	v55 =	vld [tilespmem:s24+$0xFFFFFFC0];
	[tilespmem:$0x1FDD0] =	vst v45;
	v63 =	vmul.f32 $8.000000000e+00, v50;
	v50 =	vbroadcast v54, $0x0  }
0x27c: {  	[tilespmem:$0x1FDE0] =	vst v4;
	v54 =	vmul.f32 $8.000000000e+00, v57;
	v57 =	vadd.s32 v13, v44;
	v44 =	vadd.f32 v37, v36  }
0x27d: {  	v59 =	vld [tilespmem:s24+$0x0];
	v60 =	vadd.s32 v3, v47;
	v3 =	vadd.f32 v63, v36  }
0x27e: {  	v61 =	vld [tilespmem:s24+$0x40];
	[tilespmem:v58+s18+$0x0] =	vst.idx.msk $0xffff, v44  }
0x27f: {  	v62 =	vld [tilespmem:s24+$0x80];
	[tilespmem:v46+s18+$0x0] =	vst.idx.msk $0xffff, v3  }
0x280: {  	v3 =	vld [tilespmem:$0x1FF50]  }
0x281: {  	v37 =	vmul.f32 $8.000000000e+00, v0;
	v46 =	vadd.f32 v54, v36  }
0x282: {  	v2 =	vbroadcast v2, $0x0;
	v54 =	vadd.s32 v21, v4  }
0x283: {  	v0 =	vadd.f32 v37, v36;
	v63 =	vadd.s32 v17, v45;
	v4 =	vmul.f32 $8.000000000e+00, v59;
	v58 =	vld [tilespmem:s24+$0xD0]  }
0x284: {  	v37 =	vmul.f32 $8.000000000e+00, v61;
	v45 =	vmul.f32 $8.000000000e+00, v55;
	[tilespmem:v60+s18+$0x0] =	vst.idx.msk $0xffff, v46;
	v60 =	vadd.s32 v29, v50  }
0x285: {  	v4 =	vadd.f32 v4, v36;
	v46 =	vmovc v50;
	v50 =	vmul.f32 $8.000000000e+00, v62;
	v55 =	vadd.s32 v3, v2  }
0x286: {  	v59 =	vadd.f32 v37, v36;
	[tilespmem:v57+s18+$0x0] =	vst.idx.msk $0xffff, v0;
	v3 =	vadd.f32 v45, v36  }
0x287: {  	v37 =	vadd.s32 v6, v49;
	v0 =	vld [tilespmem:s24+$0xFFFFFF50];
	[tilespmem:v54+s18+$0x0] =	vst.idx.msk $0xffff, v4;
	v4 =	vadd.f32 v50, v36  }
0x288: {  	v44 =	vmov v2;
	v2 =	vld [tilespmem:s24+$0xFFFFFF10];
	v36 =	vmul.f32 $8.000000000e+00, v58;
	[tilespmem:v63+s18+$0x0] =	vst.idx.msk $0xffff, v3  }
0x289: {  	v3 =	vld [tilespmem:s24+$0xFFFFFF90];
	[tilespmem:v60+s18+$0x0] =	vst.idx.msk $0xffff, v4  }
0x28a: {  	v61 =	vld [tilespmem:s24+$0xFFFFFFD0];
	[tilespmem:v55+s18+$0x0] =	vst.idx.msk $0xffff, v59;
	v55 =	vadd.f32 v36, v35  }
0x28b: {  	v45 =	vld [tilespmem:$0x1FDC0];
	[tilespmem:v53+s18+$0x0] =	vst.idx.msk $0xffff, v56  }
0x28c: {  	v36 =	vld [tilespmem:$0x1FDD0];
	[tilespmem:v37+s18+$0x0] =	vst.idx.msk $0xffff, v55  }
0x28d: {  	v37 =	vld [tilespmem:$0x1FDE0]  }
0x28e: {  	v54 =	vadd.s32 v32, v48;
	v57 =	vld [tilespmem:s24+$0x10]  }
0x28f: {  	v58 =	vadd.s32 v10, v47;
	v2 =	vmul.f32 $8.000000000e+00, v2;
	v59 =	vld [tilespmem:s24+$0x50]  }
0x290: {  	v0 =	vmul.f32 $8.000000000e+00, v0;
	v60 =	vld [tilespmem:s24+$0x90];
	v50 =	vadd.s32 v14, v45  }
0x291: {  	v2 =	vadd.f32 v2, v35;
	v3 =	vmul.f32 $8.000000000e+00, v3;
	v53 =	vadd.s32 v18, v36  }
0x292: {  	v0 =	vadd.f32 v0, v35;
	v63 =	vmul.f32 $8.000000000e+00, v61;
	v4 =	vadd.s32 v22, v37  }
0x293: {  	v55 =	vld [tilespmem:s24+$0xE0];
	[tilespmem:v54+s18+$0x0] =	vst.idx.msk $0xffff, v2;
	v2 =	vadd.f32 v3, v35;
	v3 =	vmul.f32 $8.000000000e+00, v57;
	v54 =	vadd.s32 v26, v44  }
0x294: {  	[tilespmem:v58+s18+$0x0] =	vst.idx.msk $0xffff, v0;
	v58 =	vadd.s32 v30, v46;
	v57 =	vld [tilespmem:s24+$0xFFFFFF20];
	v0 =	vadd.f32 v63, v35;
	v56 =	vmul.f32 $8.000000000e+00, v59  }
0x295: {  	v59 =	vld [tilespmem:s24+$0xFFFFFF60];
	[tilespmem:v50+s18+$0x0] =	vst.idx.msk $0xffff, v2;
	v2 =	vadd.f32 v3, v35;
	v3 =	vmul.f32 $8.000000000e+00, v60  }
0x296: {  	v60 =	vld [tilespmem:s24+$0xFFFFFFA0];
	[tilespmem:v53+s18+$0x0] =	vst.idx.msk $0xffff, v0;
	v0 =	vadd.f32 v56, v35  }
0x297: {  	v53 =	vld [tilespmem:s24+$0xFFFFFFE0];
	[tilespmem:v4+s18+$0x0] =	vst.idx.msk $0xffff, v2;
	v2 =	vadd.f32 v3, v35;
	v3 =	vadd.s32 v24, v49  }
0x298: {  	v35 =	vadd.s32 v7, v48;
	v50 =	vld [tilespmem:s24+$0x20];
	[tilespmem:v54+s18+$0x0] =	vst.idx.msk $0xffff, v0;
	v0 =	vmul.f32 $8.000000000e+00, v55  }
0x299: {  	v51 =	vadd.f32 v51, v33;
	v61 =	vmul.f32 $8.000000000e+00, v57;
	v55 =	vadd.s32 v11, v47;
	v62 =	vld [tilespmem:s24+$0x60];
	[tilespmem:v58+s18+$0x0] =	vst.idx.msk $0xffff, v2  }
0x29a: {  	[tilespmem:v43+s18+$0x0] =	vst.idx.msk $0xffff, v52;
	v43 =	vadd.s32 v15, v45;
	v2 =	vmul.f32 $8.000000000e+00, v59;
	v52 =	vld [tilespmem:s24+$0xA0];
	v0 =	vadd.f32 v0, v34  }
0x29b: {  	[tilespmem:v42+s18+$0x0] =	vst.idx.msk $0xffff, v51;
	v63 =	vadd.f32 v61, v34;
	v58 =	vadd.s32 v19, v36;
	v4 =	vmul.f32 $8.000000000e+00, v60  }
0x29c: {  	v59 =	vadd.s32 v23, v37;
	v2 =	vadd.f32 v2, v34;
	v53 =	vmul.f32 $8.000000000e+00, v53;
	[tilespmem:v3+s18+$0x0] =	vst.idx.msk $0xffff, v0  }
0x29d: {  	[tilespmem:v35+s18+$0x0] =	vst.idx.msk $0xffff, v63;
	v0 =	vadd.f32 v4, v34;
	v3 =	vmul.f32 $8.000000000e+00, v50;
	v4 =	vadd.s32 v27, v44;
	v60 =	vld [tilespmem:s24+$0xF0]  }
0x29e: {  	v63 =	vadd.s32 v31, v46;
	v61 =	vld [tilespmem:s24+$0xFFFFFF30];
	[tilespmem:v55+s18+$0x0] =	vst.idx.msk $0xffff, v2;
	v2 =	vadd.f32 v53, v34;
	v62 =	vmul.f32 $8.000000000e+00, v62  }
0x29f: {  	v55 =	vld [tilespmem:s24+$0xFFFFFF70];
	[tilespmem:v43+s18+$0x0] =	vst.idx.msk $0xffff, v0;
	v0 =	vadd.f32 v3, v34;
	v3 =	vmul.f32 $8.000000000e+00, v52  }
0x2a0: {  	v41 =	vmul.f32 $8.000000000e+00, v41;
	v57 =	vmov v45;
	v43 =	vld [tilespmem:s24+$0xFFFFFFB0];
	[tilespmem:v58+s18+$0x0] =	vst.idx.msk $0xffff, v2;
	v2 =	vadd.f32 v62, v34  }
0x2a1: {  	v45 =	vmov v36;
	v42 =	vld [tilespmem:s24+$0xFFFFFFF0];
	[tilespmem:v59+s18+$0x0] =	vst.idx.msk $0xffff, v0;
	v0 =	vadd.f32 v3, v34;
	v3 =	vadd.s32 v25, v49  }
0x2a2: {  	v54 =	vadd.s32 v8, v48;
	v52 =	vadd.f32 v40, v33;
	v56 =	vld [tilespmem:s24+$0x30];
	[tilespmem:v4+s18+$0x0] =	vst.idx.msk $0xffff, v2;
	v2 =	vmul.f32 $8.000000000e+00, v60  }
0x2a3: {  	v59 =	vadd.s32 v12, v47;
	v4 =	vadd.f32 v41, v33;
	v58 =	vmul.f32 $8.000000000e+00, v61;
	v60 =	vld [tilespmem:s24+$0x70];
	[tilespmem:v63+s18+$0x0] =	vst.idx.msk $0xffff, v0  }
0x2a4: {  	[tilespmem:v38+s18+$0x0] =	vst.idx.msk $0xffff, v52;
	v61 =	vadd.s32 v28, v57;
	v0 =	vmul.f32 $8.000000000e+00, v55;
	v62 =	vld [tilespmem:s24+$0xB0];
	v2 =	vadd.f32 v2, v33  }
0x2a5: {  	v45 =	vadd.s32 v5, v45;
	[tilespmem:v39+s18+$0x0] =	vst.idx.msk $0xffff, v4;
	v4 =	vadd.f32 v58, v33;
	v63 =	vmul.f32 $8.000000000e+00, v43  }
0x2a6: {  	v47 =	vadd.s32 v20, v37;
	v0 =	vadd.f32 v0, v33;
	v42 =	vmul.f32 $8.000000000e+00, v42;
	[tilespmem:v3+s18+$0x0] =	vst.idx.msk $0xffff, v2  }
0x2a7: {  	[tilespmem:v54+s18+$0x0] =	vst.idx.msk $0xffff, v4;
	v4 =	vadd.s32 v16, v44;
	v2 =	vadd.f32 v63, v33;
	v3 =	vmul.f32 $8.000000000e+00, v56  }
0x2a8: {  	v50 =	vadd.s32 v9, v46;
	[tilespmem:v59+s18+$0x0] =	vst.idx.msk $0xffff, v0;
	v0 =	vadd.f32 v42, v33;
	v49 =	vmul.f32 $8.000000000e+00, v60  }
0x2a9: {  	[tilespmem:v61+s18+$0x0] =	vst.idx.msk $0xffff, v2;
	v2 =	vadd.f32 v3, v33;
	v3 =	vmul.f32 $8.000000000e+00, v62  }
0x2aa: {  	[tilespmem:v45+s18+$0x0] =	vst.idx.msk $0xffff, v0;
	v0 =	vadd.f32 v49, v33  }
0x2ab: {  	s24 =	sor.u32 $0x1, s22;
	[tilespmem:v47+s18+$0x0] =	vst.idx.msk $0xffff, v2;
	v2 =	vadd.f32 v3, v33  }
0x2ac: {  	s28 =	sshll.u32 s24, $0x8;
	[tilespmem:v4+s18+$0x0] =	vst.idx.msk $0xffff, v0  }
0x2ad: {  	s25 =	simm.s32 $0x80;
	s30 =	simm.s32 $0x83;
	s28 =	sshra.s32 s28, $0x2;
	[tilespmem:v50+s18+$0x0] =	vst.idx.msk $0xffff, v2  }
0x2ae: {  	v3 =	vmov s25;
	s25 =	simm.s32 $0xF7F0;
	v2 =	vmov s30;
	v36 =	vld [tilespmem:s28+$0x6400]  }
0x2af: {  	s31 =	simm.s32 $0x84;
	v2 =	vshrl.u32 v2, $0x3;
	v56 =	vld [tilespmem:s25+$0xFFFFFE10]  }
0x2b0: {  	v51 =	vmov s31;
	s30 =	simm.s32 $0x87;
	v58 =	vld [tilespmem:$0x1FEE0];
	v2 =	vshll.u32 v2, v1  }
0x2b1: {  	v0 =	vshrl.u32 v3, $0x3;
	v54 =	vmov s30;
	v41 =	vbroadcast v2, $0x0;
	v2 =	vld [tilespmem:$0x1FF20]  }
0x2b2: {  	s26 =	simm.s32 $0x81;
	v33 =	vshrl.u32 v51, $0x3;
	v0 =	vshll.u32 v0, v1;
	v55 =	vld [tilespmem:s25+$0xFFFFFFD0];
	v39 =	vshrl.u32 v54, $0x3  }
0x2b3: {  	s29 =	simm.s32 $0x82;
	v3 =	vmov s26;
	v35 =	vld [tilespmem:s28+$0x6410];
	v43 =	vbroadcast v0, $0x0;
	v0 =	vshll.u32 v39, v1  }
0x2b4: {  	v4 =	vmov s29;
	s26 =	simm.s32 $0x85;
	s29 =	simm.s32 $0x86;
	v33 =	vshll.u32 v33, v1;
	v34 =	vld [tilespmem:s28+$0x6420];
	v45 =	vbroadcast v0, $0x0  }
0x2b5: {  	v52 =	vmov s26;
	v53 =	vmov s29;
	v57 =	vld [tilespmem:s25+$0xFFFFFE50];
	v49 =	vadd.s32 v58, v43  }
0x2b6: {  	v37 =	vshrl.u32 v52, $0x3;
	v50 =	vld [tilespmem:s25+$0xFFFFFF10];
	v60 =	vmul.f32 $8.000000000e+00, v56;
	v2 =	vadd.s32 v2, v45  }
0x2b7: {  	v3 =	vshrl.u32 v3, $0x3;
	v61 =	vld [tilespmem:$0x1FEA0];
	v37 =	vshll.u32 v37, v1;
	v59 =	vmul.f32 $8.000000000e+00, v55  }
0x2b8: {  	v38 =	vshrl.u32 v53, $0x3;
	v53 =	vld [tilespmem:$0x1FFF0];
	v40 =	vbroadcast v37, $0x0;
	v37 =	vadd.f32 v60, v36  }
0x2b9: {  	v4 =	vshrl.u32 v4, $0x3;
	v39 =	vbroadcast v33, $0x0;
	v33 =	vld [tilespmem:s28+$0x6430];
	v58 =	vadd.f32 v59, v36  }
0x2ba: {  	v3 =	vshll.u32 v3, v1;
	v4 =	vshll.u32 v4, v1;
	v0 =	vld [tilespmem:s25+$0xFFFFFE90];
	[tilespmem:v49+s18+$0x0] =	vst.idx.msk $0xffff, v37  }
0x2bb: {  	v44 =	vbroadcast v3, $0x0;
	v42 =	vbroadcast v4, $0x0;
	v4 =	vld [tilespmem:s25+$0xFFFFFED0];
	[tilespmem:v2+s18+$0x0] =	vst.idx.msk $0xffff, v58  }
0x2bc: {  	v37 =	vld [tilespmem:$0x1FF50]  }
0x2bd: {  	v63 =	vld [tilespmem:s25+$0xFFFFFF50];
	v3 =	vshll.u32 v38, v1;
	v62 =	vadd.s32 v61, v44  }
0x2be: {  	v51 =	vld [tilespmem:s25+$0xFFFFFF90];
	v38 =	vbroadcast v3, $0x0;
	v3 =	vmul.f32 $8.000000000e+00, v57;
	v57 =	vadd.s32 v13, v42  }
0x2bf: {  	v53 =	vadd.s32 v53, v41;
	v0 =	vmul.f32 $8.000000000e+00, v0  }
0x2c0: {  	v4 =	vmul.f32 $8.000000000e+00, v4;
	v3 =	vadd.f32 v3, v36;
	v59 =	vadd.s32 v21, v39  }
0x2c1: {  	v0 =	vadd.f32 v0, v36;
	v61 =	vld [tilespmem:s25+$0xFFFFFE20];
	v2 =	vmul.f32 $8.000000000e+00, v50;
	v37 =	vadd.s32 v37, v40  }
0x2c2: {  	v46 =	vadd.s32 v29, v38;
	v60 =	vld [tilespmem:s25+$0xFFFFFFE0];
	[tilespmem:v62+s18+$0x0] =	vst.idx.msk $0xffff, v3;
	v3 =	vadd.f32 v4, v36;
	v4 =	vmul.f32 $8.000000000e+00, v63  }
0x2c3: {  	[tilespmem:v57+s18+$0x0] =	vst.idx.msk $0xffff, v0;
	v0 =	vadd.f32 v2, v36;
	v2 =	vmul.f32 $8.000000000e+00, v51  }
0x2c4: {  	[tilespmem:v53+s18+$0x0] =	vst.idx.msk $0xffff, v3;
	v3 =	vadd.f32 v4, v36  }
0x2c5: {  	[tilespmem:v59+s18+$0x0] =	vst.idx.msk $0xffff, v0;
	v0 =	vadd.f32 v2, v36  }
0x2c6: {  	v63 =	vld [tilespmem:s25+$0xFFFFFE60];
	[tilespmem:v37+s18+$0x0] =	vst.idx.msk $0xffff, v3  }
0x2c7: {  	v3 =	vmul.f32 $8.000000000e+00, v60;
	v60 =	vmul.f32 $8.000000000e+00, v61;
	v61 =	vld [tilespmem:$0x1FEB0];
	[tilespmem:v46+s18+$0x0] =	vst.idx.msk $0xffff, v0  }
0x2c8: {  	v46 =	vld [tilespmem:$0x1FFC0]  }
0x2c9: {  	v48 =	vld [tilespmem:s25+$0xFFFFFEA0]  }
0x2ca: {  	v51 =	vld [tilespmem:s25+$0xFFFFFEE0];
	v2 =	vadd.s32 v6, v45  }
0x2cb: {  	v54 =	vadd.s32 v32, v43;
	v55 =	vld [tilespmem:s25+$0xFFFFFF20]  }
0x2cc: {  	v58 =	vadd.s32 v22, v39;
	v50 =	vadd.s32 v61, v44  }
0x2cd: {  	v0 =	vmul.f32 $8.000000000e+00, v63;
	v3 =	vadd.f32 v3, v35;
	v46 =	vadd.s32 v46, v42  }
0x2ce: {  	s31 =	simm.s32 $0x88;
	v57 =	vadd.s32 v18, v41;
	v48 =	vmul.f32 $8.000000000e+00, v48;
	v63 =	vld [tilespmem:s25+$0xFFFFFFA0];
	v37 =	vadd.f32 v60, v35  }
0x2cf: {  	v62 =	vmov s31;
	v51 =	vmul.f32 $8.000000000e+00, v51;
	v0 =	vadd.f32 v0, v35;
	[tilespmem:v2+s18+$0x0] =	vst.idx.msk $0xffff, v3  }
0x2d0: {  	v47 =	vshrl.u32 v62, $0x3;
	v62 =	vld [tilespmem:s25+$0xFFFFFF60];
	[tilespmem:v54+s18+$0x0] =	vst.idx.msk $0xffff, v37;
	v2 =	vadd.f32 v48, v35;
	v3 =	vmul.f32 $8.000000000e+00, v55  }
0x2d1: {  	v37 =	vld [tilespmem:$0x1FFE0];
	[tilespmem:v50+s18+$0x0] =	vst.idx.msk $0xffff, v0;
	v0 =	vadd.f32 v51, v35  }
0x2d2: {  	v61 =	vld [tilespmem:$0x1FFD0];
	[tilespmem:v46+s18+$0x0] =	vst.idx.msk $0xffff, v2;
	v2 =	vadd.f32 v3, v35  }
0x2d3: {  	v3 =	vmul.f32 $8.000000000e+00, v63;
	[tilespmem:v57+s18+$0x0] =	vst.idx.msk $0xffff, v0  }
0x2d4: {  	[tilespmem:v58+s18+$0x0] =	vst.idx.msk $0xffff, v2  }
0x2d5: {  	v2 =	vadd.f32 v3, v35;
	v3 =	vld [tilespmem:$0x1FF60]  }
0x2d6: {  	v54 =	vld [tilespmem:s25+$0xFFFFFFF0];
	v48 =	vadd.s32 v37, v40  }
0x2d7: {  	v60 =	vmul.f32 $8.000000000e+00, v62;
	_ =	sdelay $0x1  }
0x2d8: {  	v0 =	vadd.f32 v60, v35;
	v57 =	vld [tilespmem:$0x1FE80];
	v51 =	vadd.s32 v61, v38  }
0x2d9: {  	v55 =	vld [tilespmem:s25+$0xFFFFFE30];
	v3 =	vadd.s32 v3, v45  }
0x2da: {  	v62 =	vld [tilespmem:s25+$0xFFFFFE70];
	[tilespmem:v48+s18+$0x0] =	vst.idx.msk $0xffff, v0;
	v0 =	vmul.f32 $8.000000000e+00, v54  }
0x2db: {  	v63 =	vld [tilespmem:s25+$0xFFFFFEB0]  }
0x2dc: {  	v61 =	vld [tilespmem:$0x1FEC0];
	v0 =	vadd.f32 v0, v34  }
0x2dd: {  	v52 =	vld [tilespmem:s25+$0xFFFFFEF0];
	v57 =	vadd.s32 v57, v43;
	[tilespmem:v51+s18+$0x0] =	vst.idx.msk $0xffff, v2  }
0x2de: {  	v60 =	vmul.f32 $8.000000000e+00, v55;
	v51 =	vld [tilespmem:$0x1FF70];
	[tilespmem:v3+s18+$0x0] =	vst.idx.msk $0xffff, v0  }
0x2df: {  	v3 =	vld [tilespmem:$0x1FF80]  }
0x2e0: {  	v58 =	vld [tilespmem:s25+$0xFFFFFF30];
	v48 =	vadd.f32 v60, v34  }
0x2e1: {  	v54 =	vadd.s32 v61, v44;
	v2 =	vmul.f32 $8.000000000e+00, v62  }
0x2e2: {  	v60 =	vadd.s32 v19, v41;
	v55 =	vld [tilespmem:s25+$0xFFFFFF70];
	[tilespmem:v57+s18+$0x0] =	vst.idx.msk $0xffff, v48  }
0x2e3: {  	v0 =	vadd.f32 v2, v34;
	v2 =	vmul.f32 $8.000000000e+00, v52;
	v48 =	vld [tilespmem:$0x1FFA0];
	v51 =	vadd.s32 v51, v42  }
0x2e4: {  	v37 =	vshll.u32 v47, v1;
	v47 =	vmul.f32 $8.000000000e+00, v63;
	v3 =	vadd.s32 v3, v39  }
0x2e5: {  	v52 =	vmul.f32 $8.000000000e+00, v58;
	v2 =	vadd.f32 v2, v34  }
0x2e6: {  	v47 =	vadd.f32 v47, v34;
	v59 =	vld [tilespmem:s25+$0xFFFFFFB0];
	[tilespmem:v54+s18+$0x0] =	vst.idx.msk $0xffff, v0  }
0x2e7: {  	s29 =	simm.s32 $0x89;
	v52 =	vadd.f32 v52, v34;
	v62 =	vld [tilespmem:$0x1FFB0];
	[tilespmem:v60+s18+$0x0] =	vst.idx.msk $0xffff, v2  }
0x2e8: {  	v4 =	vmov s29;
	v54 =	vmul.f32 $8.000000000e+00, v55;
	v57 =	vadd.s32 v48, v40;
	[tilespmem:v51+s18+$0x0] =	vst.idx.msk $0xffff, v47  }
0x2e9: {  	v4 =	vshrl.u32 v4, $0x3;
	v58 =	vld [tilespmem:s25+$0x0];
	[tilespmem:v3+s18+$0x0] =	vst.idx.msk $0xffff, v52  }
0x2ea: {  	v60 =	vadd.f32 v54, v34;
	v54 =	vshll.u32 v4, v1;
	v4 =	vld [tilespmem:$0x1FE90]  }
0x2eb: {  	v0 =	vld [tilespmem:s25+$0xFFFFFE40]  }
0x2ec: {  	v63 =	vmul.f32 $8.000000000e+00, v59  }
0x2ed: {  	v61 =	vadd.s32 v62, v38;
	[tilespmem:v57+s18+$0x0] =	vst.idx.msk $0xffff, v60  }
0x2ee: {  	v45 =	vadd.s32 v25, v45;
	v62 =	vadd.f32 v63, v34;
	v63 =	vmul.f32 $8.000000000e+00, v58;
	v58 =	vld [tilespmem:$0x1FED0]  }
0x2ef: {  	v59 =	vld [tilespmem:$0x1FF90];
	v4 =	vadd.s32 v4, v43  }
0x2f0: {  	s30 =	simm.s32 $0x8A;
	v0 =	vmul.f32 $8.000000000e+00, v0;
	v51 =	vld [tilespmem:s25+$0xFFFFFE80]  }
0x2f1: {  	v53 =	vmov s30;
	v60 =	vadd.f32 v63, v33  }
0x2f2: {  	v53 =	vshrl.u32 v53, $0x3;
	v0 =	vadd.f32 v0, v33;
	[tilespmem:v61+s18+$0x0] =	vst.idx.msk $0xffff, v62  }
0x2f3: {  	v55 =	vshll.u32 v53, v1;
	v62 =	vld [tilespmem:$0x1FE30];
	[tilespmem:v45+s18+$0x0] =	vst.idx.msk $0xffff, v60  }
0x2f4: {  	v44 =	vadd.s32 v58, v44;
	v53 =	vadd.s32 v59, v42;
	v42 =	vld [tilespmem:$0x1FF40];
	[tilespmem:v4+s18+$0x0] =	vst.idx.msk $0xffff, v0  }
0x2f5: {  	v51 =	vmul.f32 $8.000000000e+00, v51;
	v0 =	vld [tilespmem:$0x1FE40]  }
0x2f6: {  	v2 =	vld [tilespmem:s25+$0xFFFFFEC0]  }
0x2f7: {  	v3 =	vld [tilespmem:s25+$0xFFFFFF00];
	v63 =	vadd.f32 v51, v33  }
0x2f8: {  	v52 =	vld [tilespmem:s25+$0xFFFFFF40]  }
0x2f9: {  	s31 =	simm.s32 $0x8B;
	v57 =	vld [tilespmem:s25+$0xFFFFFF80];
	[tilespmem:v44+s18+$0x0] =	vst.idx.msk $0xffff, v63  }
0x2fa: {  	v49 =	vmov s31;
	s31 =	simm.s32 $0x8E;
	s29 =	simm.s32 $0x8C;
	s30 =	simm.s32 $0x8D;
	v42 =	vadd.s32 v42, v39;
	v39 =	vadd.s32 v0, v40;
	v0 =	vld [tilespmem:$0x1FE50]  }
0x2fb: {  	v56 =	vmov s29;
	v50 =	vmov s31;
	v46 =	vmov s30  }
0x2fc: {  	v48 =	vshrl.u32 v49, $0x3;
	v2 =	vmul.f32 $8.000000000e+00, v2;
	v3 =	vmul.f32 $8.000000000e+00, v3  }
0x2fd: {  	v49 =	vshrl.u32 v46, $0x3;
	v46 =	vshrl.u32 v50, $0x3;
	v47 =	vshrl.u32 v56, $0x3  }
0x2fe: {  	v56 =	vadd.f32 v2, v33;
	v51 =	vmul.f32 $8.000000000e+00, v52;
	v52 =	vadd.f32 v3, v33  }
0x2ff: {  	s26 =	simm.s32 $0x90;
	s28 =	simm.s32 $0x8F;
	v43 =	vadd.s32 v62, v41;
	v41 =	vld [tilespmem:s25+$0xFFFFFFC0];
	v40 =	vmul.f32 $8.000000000e+00, v57;
	v38 =	vadd.s32 v0, v38  }
.LBB2_18:
0x300: {  	v58 =	vld [tilespmem:$0x1FEE0]  }
0x301: {  	s25 =	sadd.s32 $0x200, s25;
	v61 =	vld [tilespmem:$0x1FEA0];
	v2 =	vadd.f32 v51, v33  }
0x302: {  	v0 =	vmov s28;
	v4 =	vshll.u32 v48, v1;
	[tilespmem:v53+s18+$0x0] =	vst.idx.msk $0xffff, v56;
	v53 =	vld [tilespmem:s25+$0xFFFFFFD0]  }
0x303: {  	v0 =	vshrl.u32 v0, $0x3;
	[tilespmem:v42+s18+$0x0] =	vst.idx.msk $0xffff, v2;
	v42 =	vbroadcast v4, $0x0;
	v4 =	vld [tilespmem:$0x1FF20]  }
0x304: {  	v50 =	vld [tilespmem:s25+$0xFFFFFE10];
	v0 =	vshll.u32 v0, v1;
	v3 =	vmul.f32 $8.000000000e+00, v41  }
0x305: {  	v57 =	vshll.u32 v49, v1;
	v40 =	vadd.f32 v40, v33;
	v45 =	vbroadcast v0, $0x0;
	v0 =	vld [tilespmem:s25+$0xFFFFFE90]  }
0x306: {  	v44 =	vbroadcast v54, $0x0;
	v46 =	vshll.u32 v46, v1;
	[tilespmem:v43+s18+$0x0] =	vst.idx.msk $0xffff, v52;
	v2 =	vadd.f32 v3, v33;
	v3 =	vld [tilespmem:s25+$0xFFFFFE50]  }
0x307: {  	v56 =	vshll.u32 v47, v1;
	v43 =	vbroadcast v55, $0x0;
	[tilespmem:v39+s18+$0x0] =	vst.idx.msk $0xffff, v40;
	v41 =	vbroadcast v37, $0x0;
	v49 =	vld [tilespmem:s25+$0xFFFFFF10]  }
0x308: {  	v40 =	vbroadcast v56, $0x0;
	v39 =	vbroadcast v57, $0x0;
	[tilespmem:v38+s18+$0x0] =	vst.idx.msk $0xffff, v2;
	v2 =	vld [tilespmem:s25+$0xFFFFFED0];
	v4 =	vadd.s32 v4, v45  }
0x309: {  	v62 =	vadd.s32 v61, v44;
	v61 =	vld [tilespmem:$0x1FF50];
	v37 =	vadd.s32 v58, v41;
	v59 =	vmul.f32 $8.000000000e+00, v53  }
0x30a: {  	v57 =	vadd.s32 v13, v43;
	v63 =	vld [tilespmem:s25+$0xFFFFFF50];
	v60 =	vmul.f32 $8.000000000e+00, v50;
	v54 =	vadd.s32 v32, v41  }
0x30b: {  	v38 =	vbroadcast v46, $0x0;
	v47 =	vadd.f32 v59, v36;
	v58 =	vld [tilespmem:s25+$0xFFFFFF90];
	v3 =	vmul.f32 $8.000000000e+00, v3  }
0x30c: {  	v48 =	vadd.f32 v60, v36;
	v0 =	vmul.f32 $8.000000000e+00, v0;
	v59 =	vadd.s32 v17, v42  }
0x30d: {  	v60 =	vadd.s32 v21, v40;
	v3 =	vadd.f32 v3, v36;
	v2 =	vmul.f32 $8.000000000e+00, v2;
	[tilespmem:v4+s18+$0x0] =	vst.idx.msk $0xffff, v47  }
0x30e: {  	v0 =	vadd.f32 v0, v36;
	[tilespmem:v37+s18+$0x0] =	vst.idx.msk $0xffff, v48;
	v37 =	vadd.s32 v61, v39;
	v4 =	vmul.f32 $8.000000000e+00, v49;
	v47 =	vld [tilespmem:s25+$0xFFFFFFE0]  }
0x30f: {  	v48 =	vld [tilespmem:s25+$0xFFFFFE20];
	v49 =	vadd.s32 v29, v38;
	[tilespmem:v62+s18+$0x0] =	vst.idx.msk $0xffff, v3;
	v2 =	vadd.f32 v2, v36;
	v3 =	vmul.f32 $8.000000000e+00, v63  }
0x310: {  	v61 =	vadd.s32 v10, v44;
	[tilespmem:v57+s18+$0x0] =	vst.idx.msk $0xffff, v0;
	v0 =	vadd.f32 v4, v36;
	v4 =	vmul.f32 $8.000000000e+00, v58;
	v51 =	vld [tilespmem:s25+$0xFFFFFE60]  }
0x311: {  	v57 =	vadd.s32 v18, v42;
	v50 =	vld [tilespmem:s25+$0xFFFFFEA0];
	[tilespmem:v59+s18+$0x0] =	vst.idx.msk $0xffff, v2;
	v2 =	vadd.f32 v3, v36  }
0x312: {  	[tilespmem:v60+s18+$0x0] =	vst.idx.msk $0xffff, v0;
	v0 =	vadd.f32 v4, v36;
	v4 =	vadd.s32 v6, v45;
	v52 =	vld [tilespmem:s25+$0xFFFFFEE0]  }
0x313: {  	s28 =	sadd.s32 $0x1, s26;
	v62 =	vmov s26;
	v58 =	vadd.s32 v22, v40;
	v63 =	vld [tilespmem:s25+$0xFFFFFF20];
	[tilespmem:v37+s18+$0x0] =	vst.idx.msk $0xffff, v2;
	v2 =	vmul.f32 $8.000000000e+00, v47  }
0x314: {  	v46 =	vshrl.u32 v62, $0x3;
	v3 =	vmov s28;
	v60 =	vmul.f32 $8.000000000e+00, v48;
	[tilespmem:v49+s18+$0x0] =	vst.idx.msk $0xffff, v0;
	v62 =	vld [tilespmem:s25+$0xFFFFFF60]  }
0x315: {  	s28 =	sadd.s32 $0x2, s26;
	v49 =	vadd.s32 v14, v43;
	v0 =	vmul.f32 $8.000000000e+00, v51;
	v51 =	vld [tilespmem:s25+$0xFFFFFFA0];
	v2 =	vadd.f32 v2, v35  }
0x316: {  	v53 =	vmov s28;
	v50 =	vmul.f32 $8.000000000e+00, v50;
	v37 =	vadd.f32 v60, v35  }
0x317: {  	v3 =	vshrl.u32 v3, $0x3;
	v0 =	vadd.f32 v0, v35;
	v52 =	vmul.f32 $8.000000000e+00, v52;
	[tilespmem:v4+s18+$0x0] =	vst.idx.msk $0xffff, v2  }
0x318: {  	[tilespmem:v54+s18+$0x0] =	vst.idx.msk $0xffff, v37;
	v2 =	vadd.f32 v50, v35;
	v4 =	vmul.f32 $8.000000000e+00, v63;
	v50 =	vadd.s32 v26, v39;
	v63 =	vld [tilespmem:s25+$0xFFFFFFF0]  }
0x319: {  	s28 =	sadd.s32 $0x3, s26;
	v60 =	vld [tilespmem:s25+$0xFFFFFE30];
	[tilespmem:v61+s18+$0x0] =	vst.idx.msk $0xffff, v0;
	v0 =	vadd.f32 v52, v35;
	v61 =	vmul.f32 $8.000000000e+00, v62;
	v62 =	vadd.s32 v30, v38  }
0x31a: {  	v47 =	vmov s28;
	s28 =	sadd.s32 $0x4, s26;
	[tilespmem:v49+s18+$0x0] =	vst.idx.msk $0xffff, v2;
	v2 =	vadd.f32 v4, v35;
	v59 =	vld [tilespmem:s25+$0xFFFFFE70];
	v4 =	vmul.f32 $8.000000000e+00, v51  }
0x31b: {  	v56 =	vmov s28;
	s28 =	sadd.s32 $0x5, s26;
	v37 =	vshll.u32 v46, v1;
	v49 =	vld [tilespmem:s25+$0xFFFFFEB0];
	[tilespmem:v57+s18+$0x0] =	vst.idx.msk $0xffff, v0;
	v0 =	vadd.f32 v61, v35  }
0x31c: {  	v46 =	vmov s28;
	[tilespmem:v58+s18+$0x0] =	vst.idx.msk $0xffff, v2;
	v48 =	vld [tilespmem:s25+$0xFFFFFEF0];
	v2 =	vadd.f32 v4, v35;
	v4 =	vadd.s32 v24, v45  }
0x31d: {  	v54 =	vadd.s32 v11, v44;
	v57 =	vadd.s32 v7, v41;
	v58 =	vld [tilespmem:s25+$0xFFFFFF30];
	[tilespmem:v50+s18+$0x0] =	vst.idx.msk $0xffff, v0;
	v0 =	vmul.f32 $8.000000000e+00, v63  }
0x31e: {  	v44 =	vadd.s32 v12, v44;
	v52 =	vadd.s32 v15, v43;
	v63 =	vmul.f32 $8.000000000e+00, v60;
	v55 =	vld [tilespmem:s25+$0xFFFFFF70];
	[tilespmem:v62+s18+$0x0] =	vst.idx.msk $0xffff, v2  }
0x31f: {  	v50 =	vshrl.u32 v53, $0x3;
	v2 =	vmul.f32 $8.000000000e+00, v59;
	v59 =	vld [tilespmem:s25+$0xFFFFFFB0];
	v0 =	vadd.f32 v0, v34  }
0x320: {  	v60 =	vadd.s32 v19, v42;
	v53 =	vadd.f32 v63, v34;
	v49 =	vmul.f32 $8.000000000e+00, v49  }
0x321: {  	v61 =	vadd.s32 v23, v40;
	v2 =	vadd.f32 v2, v34;
	v48 =	vmul.f32 $8.000000000e+00, v48;
	[tilespmem:v4+s18+$0x0] =	vst.idx.msk $0xffff, v0  }
0x322: {  	s28 =	sadd.s32 $0x6, s26;
	[tilespmem:v57+s18+$0x0] =	vst.idx.msk $0xffff, v53;
	v0 =	vadd.f32 v49, v34;
	v4 =	vmul.f32 $8.000000000e+00, v58;
	v53 =	vadd.s32 v27, v39;
	v57 =	vld [tilespmem:s25+$0x0]  }
0x323: {  	v51 =	vmov s28;
	v58 =	vld [tilespmem:s25+$0xFFFFFE40];
	[tilespmem:v54+s18+$0x0] =	vst.idx.msk $0xffff, v2;
	v2 =	vadd.f32 v48, v34;
	v54 =	vmul.f32 $8.000000000e+00, v55  }
0x324: {  	v62 =	vadd.s32 v31, v38;
	[tilespmem:v52+s18+$0x0] =	vst.idx.msk $0xffff, v0;
	v0 =	vadd.f32 v4, v34;
	v63 =	vld [tilespmem:s25+$0xFFFFFE80];
	v4 =	vmul.f32 $8.000000000e+00, v59  }
0x325: {  	v38 =	vadd.s32 v9, v38;
	v49 =	vshrl.u32 v46, $0x3;
	v52 =	vld [tilespmem:s25+$0xFFFFFEC0];
	[tilespmem:v60+s18+$0x0] =	vst.idx.msk $0xffff, v2;
	v2 =	vadd.f32 v54, v34  }
0x326: {  	v46 =	vshrl.u32 v51, $0x3;
	[tilespmem:v61+s18+$0x0] =	vst.idx.msk $0xffff, v0;
	v51 =	vld [tilespmem:s25+$0xFFFFFF00];
	v0 =	vadd.f32 v4, v34;
	v4 =	vadd.s32 v25, v45  }
0x327: {  	v54 =	vshll.u32 v3, v1;
	v3 =	vadd.s32 v8, v41;
	v45 =	vld [tilespmem:s25+$0xFFFFFF40];
	[tilespmem:v53+s18+$0x0] =	vst.idx.msk $0xffff, v2;
	v2 =	vmul.f32 $8.000000000e+00, v57  }
0x328: {  	p0 =	slt.u32 s26, $0xF8;
	v39 =	vadd.s32 v16, v39;
	v48 =	vshrl.u32 v47, $0x3;
	v60 =	vmul.f32 $8.000000000e+00, v58;
	v61 =	vld [tilespmem:s25+$0xFFFFFF80]  }
.Ltmp8:
0x329: {  	v55 =	vshll.u32 v50, v1;
	[tilespmem:v62+s18+$0x0] =	vst.idx.msk $0xffff, v0;
	v0 =	vmul.f32 $8.000000000e+00, v63;
	v2 =	vadd.f32 v2, v33;
	(pc) =	sbr.rel @p0 .LBB2_18-.Ltmp8, $4  }
0x32a: {  	v53 =	vadd.s32 v28, v43;
	v50 =	vadd.f32 v60, v33;
	v52 =	vmul.f32 $8.000000000e+00, v52  }
0x32b: {  	v43 =	vadd.s32 v5, v42;
	v0 =	vadd.f32 v0, v33;
	v63 =	vmul.f32 $8.000000000e+00, v51;
	[tilespmem:v4+s18+$0x0] =	vst.idx.msk $0xffff, v2  }
0x32c: {  	v47 =	vshrl.u32 v56, $0x3;
	v42 =	vadd.s32 v20, v40;
	[tilespmem:v3+s18+$0x0] =	vst.idx.msk $0xffff, v50;
	v56 =	vadd.f32 v52, v33  }
0x32d: {  	s28 =	sadd.s32 $0x7, s26;
	s26 =	sadd.s32 $0x8, s26;
	v41 =	vld [tilespmem:s25+$0xFFFFFFC0];
	v51 =	vmul.f32 $8.000000000e+00, v45;
	[tilespmem:v44+s18+$0x0] =	vst.idx.msk $0xffff, v0;
	v52 =	vadd.f32 v63, v33;
	v40 =	vmul.f32 $8.000000000e+00, v61  }
0x32e: {  	s25 =	sadd.s32 $0x200, s25;
	v62 =	vld [tilespmem:$0x1FEE0]  }
0x32f: {  	v0 =	vmov s28;
	v3 =	vshll.u32 v48, v1;
	v45 =	vshll.u32 v49, v1;
	v4 =	vld [tilespmem:s25+$0xFFFFFE10]  }
0x330: {  	v49 =	vbroadcast v54, $0x0;
	v54 =	vshll.u32 v46, v1;
	v46 =	vbroadcast v3, $0x0;
	v3 =	vld [tilespmem:$0x1FF20]  }
0x331: {  	v2 =	vld [tilespmem:s25+$0xFFFFFFD0];
	v0 =	vshrl.u32 v0, $0x3  }
0x332: {  	v48 =	vbroadcast v37, $0x0;
	v0 =	vshll.u32 v0, v1  }
0x333: {  	v50 =	vbroadcast v0, $0x0  }
0x334: {  	v63 =	vld [tilespmem:$0x1FEA0];
	v58 =	vadd.s32 v62, v48  }
0x335: {  	v57 =	vld [tilespmem:s25+$0xFFFFFE50];
	v3 =	vadd.s32 v3, v50;
	v4 =	vmul.f32 $8.000000000e+00, v4  }
0x336: {  	v0 =	vld [tilespmem:s25+$0xFFFFFE90];
	v2 =	vmul.f32 $8.000000000e+00, v2  }
0x337: {  	v61 =	vshll.u32 v47, v1;
	v47 =	vbroadcast v55, $0x0;
	v55 =	vld [tilespmem:s25+$0xFFFFFED0];
	v4 =	vadd.f32 v4, v36  }
0x338: {  	v59 =	vld [tilespmem:s25+$0xFFFFFF10];
	v2 =	vadd.f32 v2, v36  }
0x339: {  	v44 =	vbroadcast v61, $0x0;
	v37 =	vbroadcast v45, $0x0;
	v61 =	vld [tilespmem:s25+$0xFFFFFF50];
	v60 =	vadd.s32 v63, v49;
	[tilespmem:v58+s18+$0x0] =	vst.idx.msk $0xffff, v4  }
0x33a: {  	v45 =	vbroadcast v54, $0x0;
	v62 =	vld [tilespmem:s25+$0xFFFFFF90];
	v54 =	vmul.f32 $8.000000000e+00, v57;
	v57 =	vadd.s32 v13, v47;
	[tilespmem:v3+s18+$0x0] =	vst.idx.msk $0xffff, v2  }
0x33b: {  	v63 =	vadd.s32 v17, v46;
	v13 =	vmov v17;
	v0 =	vmul.f32 $8.000000000e+00, v0;
	v17 =	vld [tilespmem:$0x1FF50]  }
0x33c: {  	v2 =	vadd.f32 v54, v36  }
0x33d: {  	v0 =	vadd.f32 v0, v36;
	v3 =	vmul.f32 $8.000000000e+00, v55;
	v54 =	vadd.s32 v21, v44  }
0x33e: {  	v4 =	vmul.f32 $8.000000000e+00, v59;
	[tilespmem:v60+s18+$0x0] =	vst.idx.msk $0xffff, v2;
	v2 =	vld [tilespmem:s25+$0xFFFFFE20]  }
0x33f: {  	v59 =	vmul.f32 $8.000000000e+00, v61;
	[tilespmem:v57+s18+$0x0] =	vst.idx.msk $0xffff, v0;
	v3 =	vadd.f32 v3, v36;
	v60 =	vadd.s32 v29, v45;
	v0 =	vld [tilespmem:s25+$0xFFFFFE60]  }
0x340: {  	v58 =	vld [tilespmem:s25+$0xFFFFFFE0];
	v4 =	vadd.f32 v4, v36;
	v57 =	vmul.f32 $8.000000000e+00, v62;
	v55 =	vadd.s32 v17, v37  }
0x341: {  	v59 =	vadd.f32 v59, v36;
	[tilespmem:v63+s18+$0x0] =	vst.idx.msk $0xffff, v3;
	v3 =	vld [tilespmem:s25+$0xFFFFFEA0]  }
0x342: {  	[tilespmem:v54+s18+$0x0] =	vst.idx.msk $0xffff, v4;
	v4 =	vadd.f32 v57, v36;
	v54 =	vadd.s32 v32, v48  }
0x343: {  	v36 =	vadd.s32 v6, v50;
	v6 =	vmovc v32;
	v32 =	vadd.s32 v10, v49;
	v57 =	vld [tilespmem:s25+$0xFFFFFF20];
	v2 =	vmul.f32 $8.000000000e+00, v2  }
0x344: {  	v61 =	vld [tilespmem:s25+$0xFFFFFEE0];
	[tilespmem:v60+s18+$0x0] =	vst.idx.msk $0xffff, v4;
	v0 =	vmul.f32 $8.000000000e+00, v0  }
0x345: {  	v4 =	vadd.s32 v14, v47;
	v60 =	vld [tilespmem:s25+$0xFFFFFFA0];
	v2 =	vadd.f32 v2, v35;
	[tilespmem:v55+s18+$0x0] =	vst.idx.msk $0xffff, v59;
	v55 =	vmul.f32 $8.000000000e+00, v58  }
0x346: {  	[tilespmem:v53+s18+$0x0] =	vst.idx.msk $0xffff, v56;
	v3 =	vmul.f32 $8.000000000e+00, v3;
	v0 =	vadd.f32 v0, v35;
	v59 =	vld [tilespmem:s25+$0xFFFFFF60]  }
0x347: {  	v63 =	vadd.s32 v22, v44;
	[tilespmem:v54+s18+$0x0] =	vst.idx.msk $0xffff, v2;
	v55 =	vadd.f32 v55, v35  }
0x348: {  	v53 =	vadd.s32 v18, v46;
	v2 =	vadd.f32 v3, v35;
	v3 =	vmul.f32 $8.000000000e+00, v57;
	[tilespmem:v32+s18+$0x0] =	vst.idx.msk $0xffff, v0  }
0x349: {  	v61 =	vmul.f32 $8.000000000e+00, v61;
	v58 =	vadd.s32 v30, v45;
	v0 =	vld [tilespmem:s25+$0xFFFFFE30];
	[tilespmem:v36+s18+$0x0] =	vst.idx.msk $0xffff, v55  }
0x34a: {  	v54 =	vadd.s32 v26, v37;
	[tilespmem:v4+s18+$0x0] =	vst.idx.msk $0xffff, v2;
	v3 =	vadd.f32 v3, v35;
	v4 =	vmul.f32 $8.000000000e+00, v60;
	v56 =	vld [tilespmem:s25+$0xFFFFFFF0]  }
0x34b: {  	v2 =	vld [tilespmem:s25+$0xFFFFFE70];
	v36 =	vadd.f32 v61, v35;
	v32 =	vmul.f32 $8.000000000e+00, v59  }
0x34c: {  	[tilespmem:v63+s18+$0x0] =	vst.idx.msk $0xffff, v3;
	v4 =	vadd.f32 v4, v35  }
0x34d: {  	[tilespmem:v53+s18+$0x0] =	vst.idx.msk $0xffff, v36;
	v36 =	vld [tilespmem:s25+$0xFFFFFEB0];
	v53 =	vadd.s32 v7, v48;
	v61 =	vadd.f32 v32, v35  }
0x34e: {  	v63 =	vadd.s32 v24, v50;
	v0 =	vmul.f32 $8.000000000e+00, v0;
	[tilespmem:v58+s18+$0x0] =	vst.idx.msk $0xffff, v4;
	v3 =	vld [tilespmem:s25+$0xFFFFFEF0]  }
0x34f: {  	v51 =	vadd.f32 v51, v33;
	v4 =	vadd.s32 v11, v49;
	[tilespmem:v54+s18+$0x0] =	vst.idx.msk $0xffff, v61;
	v54 =	vld [tilespmem:s25+$0xFFFFFF30];
	v32 =	vmul.f32 $8.000000000e+00, v56  }
0x350: {  	v2 =	vmul.f32 $8.000000000e+00, v2;
	v0 =	vadd.f32 v0, v34;
	v56 =	vld [tilespmem:s25+$0xFFFFFF70]  }
0x351: {  	[tilespmem:v42+s18+$0x0] =	vst.idx.msk $0xffff, v51;
	v59 =	vadd.s32 v15, v47;
	v60 =	vld [tilespmem:s25+$0xFFFFFFB0];
	v55 =	vadd.f32 v32, v34  }
0x352: {  	v2 =	vadd.f32 v2, v34;
	v61 =	vadd.s32 v19, v46;
	v36 =	vmul.f32 $8.000000000e+00, v36;
	[tilespmem:v53+s18+$0x0] =	vst.idx.msk $0xffff, v0  }
0x353: {  	v3 =	vmul.f32 $8.000000000e+00, v3;
	[tilespmem:v63+s18+$0x0] =	vst.idx.msk $0xffff, v55;
	v63 =	vadd.s32 v23, v44  }
0x354: {  	v51 =	vadd.s32 v27, v37;
	[tilespmem:v4+s18+$0x0] =	vst.idx.msk $0xffff, v2;
	v2 =	vld [tilespmem:s25+$0xFFFFFE40];
	v0 =	vadd.f32 v36, v34;
	v32 =	vmul.f32 $8.000000000e+00, v54  }
0x355: {  	[tilespmem:v43+s18+$0x0] =	vst.idx.msk $0xffff, v52;
	v3 =	vadd.f32 v3, v34;
	v53 =	vld [tilespmem:s25+$0x0];
	v54 =	vadd.s32 v31, v45;
	v4 =	vmul.f32 $8.000000000e+00, v56  }
0x356: {  	v57 =	vmul.f32 $8.000000000e+00, v60;
	[tilespmem:v59+s18+$0x0] =	vst.idx.msk $0xffff, v0;
	v0 =	vld [tilespmem:s25+$0xFFFFFE80];
	v36 =	vadd.f32 v32, v34  }
0x357: {  	v58 =	vld [tilespmem:s25+$0xFFFFFEC0];
	[tilespmem:v61+s18+$0x0] =	vst.idx.msk $0xffff, v3;
	v3 =	vadd.f32 v4, v34  }
0x358: {  	v59 =	vadd.f32 v57, v34;
	v61 =	vadd.s32 v8, v48;
	v4 =	vmul.f32 $8.000000000e+00, v41;
	v41 =	vld [tilespmem:s25+$0xFFFFFF00];
	[tilespmem:v63+s18+$0x0] =	vst.idx.msk $0xffff, v36  }
0x359: {  	v35 =	vadd.s32 v25, v50;
	v60 =	vadd.f32 v40, v33;
	v2 =	vmul.f32 $8.000000000e+00, v2;
	v63 =	vld [tilespmem:s25+$0xFFFFFF40];
	[tilespmem:v51+s18+$0x0] =	vst.idx.msk $0xffff, v3  }
0x35a: {  	v3 =	vmul.f32 $8.000000000e+00, v53;
	v4 =	vadd.f32 v4, v33;
	v53 =	vadd.s32 v12, v49;
	[tilespmem:v54+s18+$0x0] =	vst.idx.msk $0xffff, v59;
	v55 =	vld [tilespmem:s25+$0xFFFFFF80]  }
0x35b: {  	[tilespmem:v39+s18+$0x0] =	vst.idx.msk $0xffff, v60;
	v56 =	vadd.s32 v28, v47;
	v2 =	vadd.f32 v2, v33;
	v0 =	vmul.f32 $8.000000000e+00, v0;
	v57 =	vld [tilespmem:s25+$0xFFFFFFC0]  }
0x35c: {  	v3 =	vadd.f32 v3, v33;
	[tilespmem:v38+s18+$0x0] =	vst.idx.msk $0xffff, v4;
	v4 =	vmul.f32 $8.000000000e+00, v58;
	v58 =	vadd.s32 v5, v46  }
0x35d: {  	v60 =	vadd.s32 v20, v44;
	[tilespmem:v61+s18+$0x0] =	vst.idx.msk $0xffff, v2;
	v0 =	vadd.f32 v0, v33;
	v59 =	vmul.f32 $8.000000000e+00, v41  }
0x35e: {  	[tilespmem:v35+s18+$0x0] =	vst.idx.msk $0xffff, v3;
	v2 =	vadd.f32 v4, v33;
	v4 =	vadd.s32 v16, v37;
	v3 =	vmul.f32 $8.000000000e+00, v63  }
0x35f: {  	[tilespmem:v53+s18+$0x0] =	vst.idx.msk $0xffff, v0;
	v0 =	vadd.f32 v59, v33;
	v63 =	vadd.s32 v9, v45;
	v61 =	vmul.f32 $8.000000000e+00, v55  }
0x360: {  	s23 =	sshll.u32 s23, $0x8;
	[tilespmem:v56+s18+$0x0] =	vst.idx.msk $0xffff, v2;
	v2 =	vadd.f32 v3, v33;
	v3 =	vmul.f32 $8.000000000e+00, v57  }
0x361: {  	s22 =	sshll.u32 s22, $0x12;
	s23 =	sand.u32 $0x7C00, s23;
	[tilespmem:v58+s18+$0x0] =	vst.idx.msk $0xffff, v0;
	v0 =	vadd.f32 v61, v33  }
0x362: {  	s22 =	sor.u32 s23, s22;
	[tilespmem:v60+s18+$0x0] =	vst.idx.msk $0xffff, v2;
	v2 =	vadd.f32 v3, v33  }
0x363: {  	s22 =	sshrl.u32 s22, $0x3;
	[tilespmem:v4+s18+$0x0] =	vst.idx.msk $0xffff, v0  }
0x364: {  	s30 =	simm.s32 $0x15800;
	s25 =	sadd.s32 s1, s22;
	[tilespmem:v63+s18+$0x0] =	vst.idx.msk $0xffff, v2  }
0x365: {  	[hbm4b:s25+s3] =	stream.linear.scatter [tilespmem:s30], [sflag:$0x4], $0x80, $0x38;
	[tilespmem:$0x19A00] =	vst v63  }
0x366: {  	s31 =	simm.s32 $0x15908;
	s26 =	sadd.s32 $0x10, s25  }
0x367: {  	[hbm4b:s26+s3] =	stream.linear.scatter [tilespmem:s31], [sflag:$0x4], $0x80, $0x38;
	[tilespmem:$0x19A00] =	vst v63  }
0x368: {  	s28 =	simm.s32 $0x15F38;
	s30 =	simm.s32 $0x15A10;
	s31 =	sadd.s32 $0x20, s25  }
0x369: {  	[hbm4b:s31+s3] =	stream.linear.scatter [tilespmem:s30], [sflag:$0x4], $0x80, $0x38;
	[tilespmem:$0x19A00] =	vst v63  }
0x36a: {  	s22 =	simm.s32 $0x840;
	s30 =	simm.s32 $0x15B18;
	s31 =	sadd.s32 $0x30, s25  }
0x36b: {  	[hbm4b:s31+s3] =	stream.linear.scatter [tilespmem:s30], [sflag:$0x4], $0x80, $0x38;
	[tilespmem:$0x19A00] =	vst v63  }
0x36c: {  	s29 =	sadd.s32 $0x70, s25;
	s30 =	simm.s32 $0x15C20;
	s31 =	sadd.s32 $0x40, s25  }
0x36d: {  	[hbm4b:s31+s3] =	stream.linear.scatter [tilespmem:s30], [sflag:$0x4], $0x80, $0x38;
	[tilespmem:$0x19A00] =	vst v63  }
0x36e: {  	v21 =	vmov v26;
	v62 =	vmov v18;
	s26 =	simm.s32 $0x4200;
	s30 =	simm.s32 $0x15D28;
	s31 =	sadd.s32 $0x50, s25  }
0x36f: {  	v26 =	vmov v24;
	v24 =	vmov v19;
	v25 =	vmov v17;
	[hbm4b:s31+s3] =	stream.linear.scatter [tilespmem:s30], [sflag:$0x4], $0x80, $0x38;
	[tilespmem:$0x19A00] =	vst v63  }
0x370: {  	v17 =	vmovc v26;
	v16 =	vmovc v30;
	v57 =	vmov v13;
	v33 =	vmov v12;
	v12 =	vmov v20;
	s30 =	simm.s32 $0x15E30;
	s31 =	sadd.s32 $0x60, s25;
	s25 =	sadd.s32 $0x1000, s25  }
0x371: {  	v61 =	vmovc v62;
	v62 =	vmovc v22;
	v63 =	vmov v21;
	v21 =	vmov v31;
	v0 =	vld [tilespmem:$0x1FEA0];
	v2 =	vmov v10;
	[hbm4b:s31+s3] =	stream.linear.scatter [tilespmem:s30], [sflag:$0x4], $0x80, $0x38  }
.LBB2_20:
0x372: {  	[hbm4b:s29+s3] =	stream.linear.scatter [tilespmem:s28], [sflag:$0x4], $0x80, $0x38;
	[tilespmem:$0x19A00] =	vst v63  }
0x373: {  	s28 =	smov.u32 s22;
	s22 =	smov.u32 s26  }
0x374: {  	s30 =	sadd.s32 $0x2100, s26;
	s22 =	sshra.s32 s22, $0x2;
	s29 =	sadd.s32 $0x15800, s28  }
0x375: {  	[hbm4b:s25+s3] =	stream.linear.scatter [tilespmem:s29], [sflag:$0x4], $0x80, $0x38;
	[tilespmem:$0x19A00] =	vst v63  }
0x376: {  	p0 =	sne.s32 s26, $0xE700;
	s26 =	sadd.s32 $0x15908, s28;
	s29 =	sadd.s32 $0x10, s25  }
0x377: {  	[hbm4b:s29+s3] =	stream.linear.scatter [tilespmem:s26], [sflag:$0x4], $0x80, $0x38;
	[tilespmem:$0x19A00] =	vst v63  }
0x378: {  	s26 =	sadd.s32 $0x15A10, s28;
	s29 =	sadd.s32 $0x20, s25  }
0x379: {  	[hbm4b:s29+s3] =	stream.linear.scatter [tilespmem:s26], [sflag:$0x4], $0x80, $0x38;
	[tilespmem:$0x19A00] =	vst v63  }
0x37a: {  	s26 =	sadd.s32 $0x15B18, s28;
	s29 =	sadd.s32 $0x30, s25  }
0x37b: {  	[hbm4b:s29+s3] =	stream.linear.scatter [tilespmem:s26], [sflag:$0x4], $0x80, $0x38;
	[tilespmem:$0x19A00] =	vst v63  }
0x37c: {  	s26 =	sadd.s32 $0x15C20, s28;
	s29 =	sadd.s32 $0x40, s25  }
0x37d: {  	[hbm4b:s29+s3] =	stream.linear.scatter [tilespmem:s26], [sflag:$0x4], $0x80, $0x38;
	[tilespmem:$0x19A00] =	vst v63  }
.Ltmp9:
0x37e: {  	s26 =	sadd.s32 $0x15D28, s28;
	s29 =	sadd.s32 $0x50, s25;
	(pc) =	sbr.rel @p0 .LBB2_20-.Ltmp9, $4  }
0x37f: {  	[hbm4b:s29+s3] =	stream.linear.scatter [tilespmem:s26], [sflag:$0x4], $0x80, $0x38;
	[tilespmem:$0x19A00] =	vst v63  }
0x380: {  	s26 =	sadd.s32 $0x15E30, s28;
	s29 =	sadd.s32 $0x60, s25;
	s28 =	sadd.s32 $0x15F38, s28  }
0x381: {  	[hbm4b:s29+s3] =	stream.linear.scatter [tilespmem:s26], [sflag:$0x4], $0x80, $0x38;
	[tilespmem:$0x19A00] =	vst v63  }
0x382: {  	s29 =	sadd.s32 $0x70, s25;
	s25 =	sadd.s32 $0x1000, s25;
	s26 =	smov.u32 s30  }
0x383: {  	[hbm4b:s29+s3] =	stream.linear.scatter [tilespmem:s28], [sflag:$0x4], $0x80, $0x38;
	[tilespmem:$0x19A00] =	vst v63  }
0x384: {  	s26 =	sadd.s32 $0x15800, s22  }
0x385: {  	[hbm4b:s25+s3] =	stream.linear.scatter [tilespmem:s26], [sflag:$0x4], $0x80, $0x38;
	[tilespmem:$0x19A00] =	vst v63  }
0x386: {  	s29 =	sadd.s32 $0x15908, s22;
	s30 =	sadd.s32 $0x10, s25  }
0x387: {  	[hbm4b:s30+s3] =	stream.linear.scatter [tilespmem:s29], [sflag:$0x4], $0x80, $0x38;
	[tilespmem:$0x19A00] =	vst v63  }
0x388: {  	s31 =	sadd.s32 $0x15A10, s22;
	s29 =	sadd.s32 $0x20, s25  }
0x389: {  	[hbm4b:s29+s3] =	stream.linear.scatter [tilespmem:s31], [sflag:$0x4], $0x80, $0x38;
	[tilespmem:$0x19A00] =	vst v63  }
0x38a: {  	s30 =	sadd.s32 $0x15B18, s22;
	s31 =	sadd.s32 $0x30, s25  }
0x38b: {  	[hbm4b:s31+s3] =	stream.linear.scatter [tilespmem:s30], [sflag:$0x4], $0x80, $0x38;
	[tilespmem:$0x19A00] =	vst v63  }
0x38c: {  	s29 =	sadd.s32 $0x15C20, s22;
	s30 =	sadd.s32 $0x40, s25  }
0x38d: {  	[hbm4b:s30+s3] =	stream.linear.scatter [tilespmem:s29], [sflag:$0x4], $0x80, $0x38;
	[tilespmem:$0x19A00] =	vst v63  }
0x38e: {  	s31 =	sadd.s32 $0x15D28, s22;
	s29 =	sadd.s32 $0x50, s25  }
0x38f: {  	[hbm4b:s29+s3] =	stream.linear.scatter [tilespmem:s31], [sflag:$0x4], $0x80, $0x38;
	[tilespmem:$0x19A00] =	vst v63  }
0x390: {  	s30 =	sadd.s32 $0x15E30, s22;
	s31 =	sadd.s32 $0x60, s25  }
0x391: {  	[hbm4b:s31+s3] =	stream.linear.scatter [tilespmem:s30], [sflag:$0x4], $0x80, $0x38;
	[tilespmem:$0x19A00] =	vst v63  }
0x392: {  	s31 =	sshll.u32 s24, $0x12  }
0x393: {  	s29 =	sadd.s32 $0x15F38, s22;
	s30 =	sadd.s32 $0x70, s25;
	s22 =	sor.u32 s23, s31  }
0x394: {  	[hbm4b:s30+s3] =	stream.linear.scatter [tilespmem:s29], [sflag:$0x4], $0x80, $0x38;
	[tilespmem:$0x19A00] =	vst v63  }
0x395: {  	s22 =	sshrl.u32 s22, $0x3  }
0x396: {  	s24 =	simm.s32 $0x15880;
	s23 =	sadd.s32 s1, s22  }
0x397: {  	[hbm4b:s23+s3] =	stream.linear.scatter [tilespmem:s24], [sflag:$0x4], $0x80, $0x38;
	[tilespmem:$0x19A00] =	vst v63  }
0x398: {  	s25 =	simm.s32 $0x15988;
	s26 =	sadd.s32 $0x10, s23  }
0x399: {  	[hbm4b:s26+s3] =	stream.linear.scatter [tilespmem:s25], [sflag:$0x4], $0x80, $0x38;
	[tilespmem:$0x19A00] =	vst v63  }
0x39a: {  	s28 =	simm.s32 $0x15A90;
	s30 =	simm.s32 $0x15B98;
	s29 =	sadd.s32 $0x20, s23  }
0x39b: {  	[hbm4b:s29+s3] =	stream.linear.scatter [tilespmem:s28], [sflag:$0x4], $0x80, $0x38;
	[tilespmem:$0x19A00] =	vst v63  }
0x39c: {  	s22 =	simm.s32 $0x840;
	s31 =	sadd.s32 $0x30, s23;
	s24 =	simm.s32 $0x4200  }
0x39d: {  	[hbm4b:s31+s3] =	stream.linear.scatter [tilespmem:s30], [sflag:$0x4], $0x80, $0x38;
	[tilespmem:$0x19A00] =	vst v63  }
0x39e: {  	s25 =	simm.s32 $0x15CA0;
	s26 =	sadd.s32 $0x40, s23;
	s28 =	simm.s32 $0x15DA8  }
0x39f: {  	[hbm4b:s26+s3] =	stream.linear.scatter [tilespmem:s25], [sflag:$0x4], $0x80, $0x38;
	[tilespmem:$0x19A00] =	vst v63  }
0x3a0: {  	s29 =	sadd.s32 $0x50, s23;
	s30 =	simm.s32 $0x15EB0;
	s31 =	sadd.s32 $0x60, s23  }
0x3a1: {  	[hbm4b:s29+s3] =	stream.linear.scatter [tilespmem:s28], [sflag:$0x4], $0x80, $0x38;
	[tilespmem:$0x19A00] =	vst v63  }
0x3a2: {  	s25 =	simm.s32 $0x15FB8;
	s26 =	sadd.s32 $0x70, s23;
	s23 =	sadd.s32 $0x1000, s23  }
0x3a3: {  	v19 =	vmov v24;
	[hbm4b:s31+s3] =	stream.linear.scatter [tilespmem:s30], [sflag:$0x4], $0x80, $0x38;
	[tilespmem:$0x19A00] =	vst v63  }
.LBB2_22:
0x3a4: {  	[hbm4b:s26+s3] =	stream.linear.scatter [tilespmem:s25], [sflag:$0x4], $0x80, $0x38;
	[tilespmem:$0x19A00] =	vst v63  }
0x3a5: {  	s25 =	smov.u32 s22;
	s22 =	smov.u32 s24  }
0x3a6: {  	s28 =	sadd.s32 $0x2100, s24;
	s22 =	sshra.s32 s22, $0x2;
	s26 =	sadd.s32 $0x15880, s25  }
0x3a7: {  	[hbm4b:s23+s3] =	stream.linear.scatter [tilespmem:s26], [sflag:$0x4], $0x80, $0x38;
	[tilespmem:$0x19A00] =	vst v63  }
0x3a8: {  	p0 =	seq.s32 s24, $0xE700;
	s24 =	sadd.s32 $0x15988, s25;
	s26 =	sadd.s32 $0x10, s23  }
0x3a9: {  	[hbm4b:s26+s3] =	stream.linear.scatter [tilespmem:s24], [sflag:$0x4], $0x80, $0x38;
	[tilespmem:$0x19A00] =	vst v63  }
0x3aa: {  	s24 =	sadd.s32 $0x15A90, s25;
	s26 =	sadd.s32 $0x20, s23  }
0x3ab: {  	[hbm4b:s26+s3] =	stream.linear.scatter [tilespmem:s24], [sflag:$0x4], $0x80, $0x38;
	[tilespmem:$0x19A00] =	vst v63  }
0x3ac: {  	s24 =	sadd.s32 $0x15B98, s25;
	s26 =	sadd.s32 $0x30, s23  }
0x3ad: {  	[hbm4b:s26+s3] =	stream.linear.scatter [tilespmem:s24], [sflag:$0x4], $0x80, $0x38;
	[tilespmem:$0x19A00] =	vst v63  }
0x3ae: {  	s24 =	sadd.s32 $0x15CA0, s25;
	s26 =	sadd.s32 $0x40, s23  }
0x3af: {  	[hbm4b:s26+s3] =	stream.linear.scatter [tilespmem:s24], [sflag:$0x4], $0x80, $0x38;
	[tilespmem:$0x19A00] =	vst v63  }
.Ltmp10:
0x3b0: {  	s24 =	sadd.s32 $0x15DA8, s25;
	s26 =	sadd.s32 $0x50, s23;
	(pc) =	sbr.rel @!p0 .LBB2_22-.Ltmp10, $4  }
0x3b1: {  	[hbm4b:s26+s3] =	stream.linear.scatter [tilespmem:s24], [sflag:$0x4], $0x80, $0x38;
	[tilespmem:$0x19A00] =	vst v63  }
0x3b2: {  	s24 =	sadd.s32 $0x15EB0, s25;
	s26 =	sadd.s32 $0x60, s23;
	s25 =	sadd.s32 $0x15FB8, s25  }
0x3b3: {  	[hbm4b:s26+s3] =	stream.linear.scatter [tilespmem:s24], [sflag:$0x4], $0x80, $0x38;
	[tilespmem:$0x19A00] =	vst v63  }
0x3b4: {  	s26 =	sadd.s32 $0x70, s23;
	s23 =	sadd.s32 $0x1000, s23;
	s24 =	smov.u32 s28  }
0x3b5: {  	[hbm4b:s26+s3] =	stream.linear.scatter [tilespmem:s25], [sflag:$0x4], $0x80, $0x38;
	[tilespmem:$0x19A00] =	vst v63  }
0x3b6: {  	s24 =	sadd.s32 $0x15880, s22  }
0x3b7: {  	[hbm4b:s23+s3] =	stream.linear.scatter [tilespmem:s24], [sflag:$0x4], $0x80, $0x38;
	[tilespmem:$0x19A00] =	vst v63  }
0x3b8: {  	s30 =	sadd.s32 $0x15988, s22;
	s31 =	sadd.s32 $0x10, s23  }
0x3b9: {  	[hbm4b:s31+s3] =	stream.linear.scatter [tilespmem:s30], [sflag:$0x4], $0x80, $0x38;
	[tilespmem:$0x19A00] =	vst v63  }
0x3ba: {  	s25 =	sadd.s32 $0x15A90, s22;
	s26 =	sadd.s32 $0x20, s23  }
0x3bb: {  	[hbm4b:s26+s3] =	stream.linear.scatter [tilespmem:s25], [sflag:$0x4], $0x80, $0x38;
	[tilespmem:$0x19A00] =	vst v63  }
0x3bc: {  	s28 =	sadd.s32 $0x15B98, s22;
	s29 =	sadd.s32 $0x30, s23  }
0x3bd: {  	[hbm4b:s29+s3] =	stream.linear.scatter [tilespmem:s28], [sflag:$0x4], $0x80, $0x38;
	[tilespmem:$0x19A00] =	vst v63  }
0x3be: {  	s30 =	sadd.s32 $0x15CA0, s22;
	s31 =	sadd.s32 $0x40, s23  }
0x3bf: {  	[hbm4b:s31+s3] =	stream.linear.scatter [tilespmem:s30], [sflag:$0x4], $0x80, $0x38;
	[tilespmem:$0x19A00] =	vst v63  }
0x3c0: {  	v5 =	vld [tilespmem:$0x1FEE0];
	s25 =	sadd.s32 $0x15DA8, s22;
	s26 =	sadd.s32 $0x50, s23  }
0x3c1: {  	v13 =	vld [tilespmem:$0x1FEF0];
	[hbm4b:s26+s3] =	stream.linear.scatter [tilespmem:s25], [sflag:$0x4], $0x80, $0x38  }
0x3c2: {  	v10 =	vld [tilespmem:$0x1FF00];
	s28 =	sadd.s32 $0x15EB0, s22;
	s29 =	sadd.s32 $0x60, s23  }
0x3c3: {  	v24 =	vld [tilespmem:$0x1FF10];
	[hbm4b:s29+s3] =	stream.linear.scatter [tilespmem:s28], [sflag:$0x4], $0x80, $0x38  }
0x3c4: {  	v29 =	vld [tilespmem:$0x1FF20];
	s30 =	sadd.s32 $0x15FB8, s22;
	s31 =	sadd.s32 $0x70, s23  }
0x3c5: {  	v32 =	vld [tilespmem:$0x1FF30];
	[hbm4b:s31+s3] =	stream.linear.scatter [tilespmem:s30], [sflag:$0x4], $0x80, $0x38  }
0x3c6: {  	p0 =	seq.s32 s21, $0x32  }
.Ltmp11:
0x3c7: {  	_ = 	snop;
	(pc) =	sbr.rel @!p0 .LBB2_3-.Ltmp11, $2  }
0x3c8: {  	_ =	sdelay $0x2  }
0x3c9: {  	v30 =	vmovc v12;
	v8 =	vmov v0;
	v31 =	vmov v2;
	v20 =	vmov v33  }
0x3ca: {  	_ =	swait.ge [sflag:s19], $0x2000  }
0x3cb: {  	[sflag:s19] =	ssyncset.done $0x0  }
0x3cc: {  	[sflag:s19] =	ssyncadd.s32 $0xFFFFE000  }
0x3cd: {  	_ =	swait.ge [sflag:s19], $0x2000  }
0x3ce: {  	[sflag:s19] =	ssyncset.done $0x0  }
0x3cf: {  	s20 =	sadd.s32 $0x1, s20;
	[sflag:s19] =	ssyncadd.s32 $0xFFFFE000  }
0x3d0: {  	p0 =	sne.s32 s20, s8;
	_ =	swait.ge [sflag:s17], $0x2000  }
.Ltmp12:
0x3d1: {  	[sflag:s17] =	ssyncset.done $0x0;
	(pc) =	sbr.rel @p0 .LBB2_1-.Ltmp12, $4  }
0x3d2: {  	[sflag:s17] =	ssyncadd.s32 $0xFFFFE000  }
0x3d3: {  	_ =	swait.ge [sflag:s17], $0x2000  }
0x3d4: {  	[sflag:s17] =	ssyncset.done $0x0  }
0x3d5: {  	[sflag:s17] =	ssyncadd.s32 $0xFFFFE000  }
0x3d6: {  	_ =	sfence.sel $0x180000  }
0x3d7: {  	[bflag:$0x0] =	sbarrier.arrive $0xFFFF  }
0x3d8: {  	p0 =	sne.s32 s2, $0x0;
	_ =	strace $0x90000047  }
0x3d9: {  	s0 =	sadd.s32 @!p0 $0x100000, s0;
	[bflag:$0x2] =	sbarrier.arrive $0xFFFF  }
0x3da: {  	[sflag:s0] =	ssyncadd.tile.s32 @!p0 $0x1;
	_ =	shalt  }
.Lfunc_end2:
_tile_overlayer_lowered:
.L_overlay_start_2:
0x3db: {  	(tag) =	ssettag $0x2  }
0x3dc: {  	s0 =	rddreg [dreg:$0x0];
	s2 =	stileid.u32  }
0x3dd: {  	s1 =	rddreg [dreg:$0x1];
	p0 =	sne.s32 s2, $0x0  }
0x3de: {  	s3 =	rddreg [dreg:$0x2];
	[bflag:$0x3] =	sbarrier.arrive $0xFFFF;
	s2 =	simm.s32 @!p0 $0x1C05  }
0x3df: {  	[timem:s3], [sflag:s2] =	dma.local @!p0 [hbm:s0], s1  }
0x3e0: {  	s0 =	simm.s32 @!p0 $0x5  }
0x3e1: {  	_ =	swait.ge @!p0 [sflag:s0], s1  }
0x3e2: {  	s1 =	ssub.s32 @!p0 $0x0, s1;
	[sflag:s0] =	ssyncset.done @!p0 $0x0  }
0x3e3: {  	[sflag:s0] =	ssyncadd.s32 @!p0 s1  }
0x3e4: {  	[bflag:$0x3] =	sbarrier.arrive $0xFFFF  }
0x3e5: {  	_ =	shalt  }

</sc_bundles>
